<compile_context>
chip_gen: v7x
topology: tpu7x:2x2x1
jax: 0.10.2.dev20260603
libtpu: 0.0.44.dev20260713+nightly
codegen_flags: <defaults>
</compile_context>

<pallas_src>
import functools

import jax
import jax.numpy as jnp
from jax import lax
from jax.experimental import pallas as pl
from jax.experimental.pallas import tpu as pltpu
from jax.experimental.pallas import tpu_sc as plsc

_L = 16
_CH = 16
_NW = 32


def _rsqrt16(v):
    i = lax.bitcast_convert_type(v, jnp.int32)
    i = jnp.int32(0x5F3759DF) - lax.shift_right_arithmetic(i, 1)
    y = lax.bitcast_convert_type(i, jnp.float32)
    half = v * 0.5
    for _ in range(3):
        y = y * (1.5 - half * y * y)
    return y


def _xlane_sum(a):
    idx = lax.iota(jnp.int32, _L)
    dnums = lax.GatherDimensionNumbers(
        offset_dims=(), collapsed_slice_dims=(0,), start_index_map=(0,))
    for sh in (8, 4, 2, 1):
        perm = lax.bitwise_xor(idx, sh)
        a = a + lax.gather(a, perm[:, None], dnums, (1,),
                           mode=lax.GatherScatterMode.PROMISE_IN_BOUNDS)
    return a


def _sc_ln_body(S, x_hbm, w_hbm, g_hbm, b_hbm, out_hbm, wbuf, gbuf, bbuf, xbuf):
    N, D = x_hbm.shape
    nj = D // _L
    rpw = N // _NW
    nch = rpw // _CH

    wid = lax.axis_index("c") * 16 + lax.axis_index("s")
    row0 = wid * rpw
    bidx = row0 // S

    pltpu.sync_copy(w_hbm.at[pl.ds(bidx, 1)], wbuf)
    pltpu.sync_copy(g_hbm, gbuf)
    pltpu.sync_copy(b_hbm, bbuf)

    def chunk_body(c, _):
        r0 = row0 + c * _CH
        pltpu.sync_copy(x_hbm.at[pl.ds(r0, _CH)], xbuf)

        def row_body(i, _):
            acc_s = jnp.zeros((_L,), jnp.float32)
            acc_q = jnp.zeros((_L,), jnp.float32)
            for j in range(nj):
                v = xbuf[i, pl.ds(j * _L, _L)] + wbuf[0, pl.ds(j * _L, _L)]
                acc_s = acc_s + v
                acc_q = acc_q + v * v
            mean_v = _xlane_sum(acc_s) * (1.0 / D)
            q_v = _xlane_sum(acc_q) * (1.0 / D)
            var_v = jnp.maximum(q_v - mean_v * mean_v, 0.0)
            inv_v = _rsqrt16(var_v + 1e-9)
            for j in range(nj):
                v = xbuf[i, pl.ds(j * _L, _L)] + wbuf[0, pl.ds(j * _L, _L)]
                g = gbuf[pl.ds(j * _L, _L)]
                bta = bbuf[pl.ds(j * _L, _L)]
                xbuf[i, pl.ds(j * _L, _L)] = (v - mean_v) * inv_v * g + bta
            return 0

        lax.fori_loop(0, _CH, row_body, 0)
        pltpu.sync_copy(xbuf, out_hbm.at[pl.ds(r0, _CH)])
        return 0

    lax.fori_loop(0, nch, chunk_body, 0)


def kernel(x, W, gamma, beta):
    B, S, D = x.shape
    N = B * S
    x2 = x.reshape(N, D)
    mesh = plsc.VectorSubcoreMesh(core_axis_name="c", subcore_axis_name="s")
    out = pl.kernel(
        functools.partial(_sc_ln_body, S),
        mesh=mesh,
        out_type=jax.ShapeDtypeStruct((N, D), jnp.float32),
        scratch_types=[
            pltpu.VMEM((1, D), jnp.float32),
            pltpu.VMEM((D,), jnp.float32),
            pltpu.VMEM((D,), jnp.float32),
            pltpu.VMEM((_CH, D), jnp.float32),
        ],
    )(x2, W, gamma, beta)
    return out.reshape(B, S, D)

# --- scband reference (transcript-rebuilt; emitter-appended) ---
"""Pipeline reference for scband-embeddings-25262997635799 (READ-ONLY COPY).

The authoritative reference and input builder live on the scoring server;
editing this copy changes nothing except your own understanding.
"""

import jax, jax.numpy as jnp
import numpy as np

MAX_SEQ = 8192
EMB_DIM = 1024
BATCH = 4
SEQ = 8192


def _make_table():
    # Faithful replication of the (buggy) create_embeddings: the final inner loop
    # reuses stale loop variable j (= last odd index), so every row of the table is
    # a constant equal to temp_cos[j//2], i.e. cos(i / 10000**(2*m/D)) with m=(D-1)//2.
    D, M = EMB_DIM, MAX_SEQ
    m = (D - 1) // 2
    denom = (10.0 ** 4) ** (2.0 * m / D)
    col = np.cos(np.arange(M, dtype=np.float64) / denom)
    W = np.repeat(col[:, None], D, axis=1).astype(np.float32)
    return jnp.asarray(W)


def setup_inputs(seed: int = 0) -> dict:
    key = jax.random.key(seed)
    x = jax.random.normal(key, (BATCH, SEQ, EMB_DIM), dtype=jnp.float32)
    W = _make_table()
    gamma = jnp.ones((EMB_DIM,), dtype=jnp.float32)
    beta = jnp.zeros((EMB_DIM,), dtype=jnp.float32)
    return {"x": x, "W": W, "gamma": gamma, "beta": beta}


def reference(x, W, gamma, beta):
    if x.ndim == 2:
        x = x[:, :, None]
    B, S, Dx = x.shape
    # create_position(B, max_seq): position[b, s] = b (faithful to original code)
    pos = jnp.tile(jnp.arange(B, dtype=jnp.int32)[:, None], (1, MAX_SEQ))
    emb = jnp.take(W, pos, axis=0)[:B, :S, :Dx]
    x = x + emb
    # LayerNorm over last dim, eps=1e-9, biased variance (torch semantics)
    mean = jnp.mean(x, axis=-1, keepdims=True)
    var = jnp.mean((x - mean) ** 2, axis=-1, keepdims=True)
    xn = (x - mean) / jnp.sqrt(var + 1e-9)
    return xn * gamma + beta

if __name__ == "__main__":
    import jax
    _d = setup_inputs()
    print(jax.jit(kernel)(*tuple(_d.values())))

</pallas_src>

<mosaic_0001>
#map = affine_map<(d0, d1) -> (0, 0)>
#map1 = affine_map<(d0, d1) -> (0)>
module attributes {stable_mosaic.version = 14 : i64} {
  func.func @_sc_ln_body(%arg0: i32, %arg1: i32, %arg2: memref<32768x1024xf32, #tpu.memory_space<hbm>>, %arg3: memref<8192x1024xf32, #tpu.memory_space<hbm>>, %arg4: memref<1024xf32, #tpu.memory_space<hbm>>, %arg5: memref<1024xf32, #tpu.memory_space<hbm>>, %arg6: memref<32768x1024xf32, #tpu.memory_space<hbm>>, %arg7: memref<1x1024xf32, #tpu.memory_space<vmem>>, %arg8: memref<1024xf32, #tpu.memory_space<vmem>>, %arg9: memref<1024xf32, #tpu.memory_space<vmem>>, %arg10: memref<16x1024xf32, #tpu.memory_space<vmem>>) attributes {dimension_semantics = [#tpu.dimension_semantics<core_parallel>, #tpu.dimension_semantics<subcore_parallel>], iteration_bounds = array<i64: 2, 16>, scalar_prefetch = 0 : i64, scratch_operands = 4 : i64, tpu.core_type = #tpu.core_type<sc_vector_subcore>, window_params = [{transform_indices = #map}, {transform_indices = #map}, {transform_indices = #map1}, {transform_indices = #map1}, {transform_indices = #map}]} {
    %mul3A = arith.constant 16 : i32
    %mul3A_0 = arith.muli %arg0, %mul3A : i32
    %add3A = arith.addi %mul3A_0, %arg1 : i32
    %mul3A_1 = arith.constant 1024 : i32
    %mul3A_2 = arith.muli %add3A, %mul3A_1 : i32
    %jit3A = arith.constant 8192 : i32
    %div3A = arith.divsi %mul3A_2, %jit3A : i32
    %sign3A = arith.constant 0 : i32
    %sign3A_3 = arith.cmpi sgt, %mul3A_2, %sign3A : i32
    %sign3A_4 = arith.extui %sign3A_3 : i1 to i32
    %sign3A_5 = arith.constant 0 : i32
    %sign3A_6 = arith.cmpi slt, %mul3A_2, %sign3A_5 : i32
    %sign3A_7 = arith.extui %sign3A_6 : i1 to i32
    %sign3A_8 = arith.subi %sign3A_4, %sign3A_7 : i32
    %sign3A_9 = arith.constant 0 : i32
    %sign3A_10 = arith.cmpi sgt, %jit3A, %sign3A_9 : i32
    %sign3A_11 = arith.extui %sign3A_10 : i1 to i32
    %sign3A_12 = arith.constant 0 : i32
    %sign3A_13 = arith.cmpi slt, %jit3A, %sign3A_12 : i32
    %sign3A_14 = arith.extui %sign3A_13 : i1 to i32
    %sign3A_15 = arith.subi %sign3A_11, %sign3A_14 : i32
    %ne3A = arith.cmpi ne, %sign3A_8, %sign3A_15 : i32
    %rem3A = arith.remsi %mul3A_2, %jit3A : i32
    %ne3A_16 = arith.constant 0 : i32
    %ne3A_17 = arith.cmpi ne, %rem3A, %ne3A_16 : i32
    %and3A = arith.andi %ne3A, %ne3A_17 : i1
    %sub3A = arith.constant 1 : i32
    %sub3A_18 = arith.subi %div3A, %sub3A : i32
    %select_n3A = arith.select %and3A, %sub3A_18, %div3A : i32
    "tpu.region"() ({
      %run_scoped3A = tpu.sem_alloc : memref<!tpu.dma_semaphore, #tpu.memory_space<semaphore_mem>>
      %dma_start3A = arith.constant 0 : i32
      %dma_start3A_25 = tpu.memref_slice %arg3[%select_n3A, %dma_start3A] : memref<8192x1024xf32, #tpu.memory_space<hbm>> -> memref<1x1024xf32, #tpu.memory_space<hbm>>
      %dma_start3A_26 = arith.constant 0 : i32
      %dma_start3A_27 = tpu.memref_slice %arg3[%select_n3A, %dma_start3A_26] : memref<8192x1024xf32, #tpu.memory_space<hbm>> -> memref<1x1024xf32, #tpu.memory_space<hbm>>
      tpu.enqueue_dma source(%dma_start3A_27 : memref<1x1024xf32, #tpu.memory_space<hbm>>) target(%arg7 : memref<1x1024xf32, #tpu.memory_space<vmem>>) target_semaphore(%run_scoped3A : memref<!tpu.dma_semaphore, #tpu.memory_space<semaphore_mem>>)
      %dma_wait3A = arith.constant 0 : i32
      %dma_wait3A_28 = tpu.memref_slice %arg3[%select_n3A, %dma_wait3A] : memref<8192x1024xf32, #tpu.memory_space<hbm>> -> memref<1x1024xf32, #tpu.memory_space<hbm>>
      %dma_wait3A_29 = arith.constant 0 : i32
      %dma_wait3A_30 = tpu.memref_slice %arg3[%select_n3A, %dma_wait3A_29] : memref<8192x1024xf32, #tpu.memory_space<hbm>> -> memref<1x1024xf32, #tpu.memory_space<hbm>>
      tpu.wait_dma2 semaphore(%run_scoped3A : memref<!tpu.dma_semaphore, #tpu.memory_space<semaphore_mem>>) src(%dma_wait3A_30 : memref<1x1024xf32, #tpu.memory_space<hbm>>) dst(%arg7 : memref<1x1024xf32, #tpu.memory_space<vmem>>)
      tpu.yield
    }) : () -> ()
    "tpu.region"() ({
      %run_scoped3A = tpu.sem_alloc : memref<!tpu.dma_semaphore, #tpu.memory_space<semaphore_mem>>
      tpu.enqueue_dma source(%arg4 : memref<1024xf32, #tpu.memory_space<hbm>>) target(%arg8 : memref<1024xf32, #tpu.memory_space<vmem>>) target_semaphore(%run_scoped3A : memref<!tpu.dma_semaphore, #tpu.memory_space<semaphore_mem>>)
      tpu.wait_dma2 semaphore(%run_scoped3A : memref<!tpu.dma_semaphore, #tpu.memory_space<semaphore_mem>>) src(%arg4 : memref<1024xf32, #tpu.memory_space<hbm>>) dst(%arg8 : memref<1024xf32, #tpu.memory_space<vmem>>)
      tpu.yield
    }) : () -> ()
    "tpu.region"() ({
      %run_scoped3A = tpu.sem_alloc : memref<!tpu.dma_semaphore, #tpu.memory_space<semaphore_mem>>
      tpu.enqueue_dma source(%arg5 : memref<1024xf32, #tpu.memory_space<hbm>>) target(%arg9 : memref<1024xf32, #tpu.memory_space<vmem>>) target_semaphore(%run_scoped3A : memref<!tpu.dma_semaphore, #tpu.memory_space<semaphore_mem>>)
      tpu.wait_dma2 semaphore(%run_scoped3A : memref<!tpu.dma_semaphore, #tpu.memory_space<semaphore_mem>>) src(%arg5 : memref<1024xf32, #tpu.memory_space<hbm>>) dst(%arg9 : memref<1024xf32, #tpu.memory_space<vmem>>)
      tpu.yield
    }) : () -> ()
    %scan3A = arith.constant 0 : i32
    %scan3A_19 = arith.constant 0 : i32
    %scan3A_20 = arith.constant 64 : i32
    %scan3A_21 = arith.addi %scan3A_19, %scan3A_20 : i32
    %scan3A_22 = arith.constant 1 : i32
    %scan3A_23 = scf.for %scan3A_25 = %scan3A_19 to %scan3A_21 step %scan3A_22 iter_args(%scan3A_26 = %scan3A) -> (i32)  : i32 {
      %mul3A_27 = arith.constant 16 : i32
      %mul3A_28 = arith.muli %scan3A_25, %mul3A_27 : i32
      %add3A_29 = arith.addi %mul3A_2, %mul3A_28 : i32
      "tpu.region"() ({
        %run_scoped3A = tpu.sem_alloc : memref<!tpu.dma_semaphore, #tpu.memory_space<semaphore_mem>>
        %dma_start3A = arith.constant 0 : i32
        %dma_start3A_38 = tpu.memref_slice %arg2[%add3A_29, %dma_start3A] : memref<32768x1024xf32, #tpu.memory_space<hbm>> -> memref<16x1024xf32, #tpu.memory_space<hbm>>
        %dma_start3A_39 = arith.constant 0 : i32
        %dma_start3A_40 = tpu.memref_slice %arg2[%add3A_29, %dma_start3A_39] : memref<32768x1024xf32, #tpu.memory_space<hbm>> -> memref<16x1024xf32, #tpu.memory_space<hbm>>
        tpu.enqueue_dma source(%dma_start3A_40 : memref<16x1024xf32, #tpu.memory_space<hbm>>) target(%arg10 : memref<16x1024xf32, #tpu.memory_space<vmem>>) target_semaphore(%run_scoped3A : memref<!tpu.dma_semaphore, #tpu.memory_space<semaphore_mem>>)
        %dma_wait3A = arith.constant 0 : i32
        %dma_wait3A_41 = tpu.memref_slice %arg2[%add3A_29, %dma_wait3A] : memref<32768x1024xf32, #tpu.memory_space<hbm>> -> memref<16x1024xf32, #tpu.memory_space<hbm>>
        %dma_wait3A_42 = arith.constant 0 : i32
        %dma_wait3A_43 = tpu.memref_slice %arg2[%add3A_29, %dma_wait3A_42] : memref<32768x1024xf32, #tpu.memory_space<hbm>> -> memref<16x1024xf32, #tpu.memory_space<hbm>>
        tpu.wait_dma2 semaphore(%run_scoped3A : memref<!tpu.dma_semaphore, #tpu.memory_space<semaphore_mem>>) src(%dma_wait3A_43 : memref<16x1024xf32, #tpu.memory_space<hbm>>) dst(%arg10 : memref<16x1024xf32, #tpu.memory_space<vmem>>)
        tpu.yield
      }) : () -> ()
      %scan3A_30 = arith.constant 0 : i32
      %scan3A_31 = arith.constant 0 : i32
      %scan3A_32 = arith.constant 16 : i32
      %scan3A_33 = arith.addi %scan3A_31, %scan3A_32 : i32
      %scan3A_34 = arith.constant 1 : i32
      %scan3A_35 = scf.for %scan3A_38 = %scan3A_31 to %scan3A_33 step %scan3A_34 iter_args(%scan3A_39 = %scan3A_30) -> (i32)  : i32 {
        %broadcast_in_dim3A = arith.constant 0.000000e+00 : f32
        %broadcast_in_dim3A_40 = vector.broadcast %broadcast_in_dim3A : f32 to vector<16xf32>
        %broadcast_in_dim3A_41 = arith.constant 0.000000e+00 : f32
        %broadcast_in_dim3A_42 = vector.broadcast %broadcast_in_dim3A_41 : f32 to vector<16xf32>
        %get3A = arith.index_cast %scan3A_38 : i32 to index
        %get3A_43 = arith.constant 0 : index
        %get3A_44 = tpu.vector_load %arg10[%get3A, %get3A_43] {strides = array<i32>} : memref<16x1024xf32, #tpu.memory_space<vmem>>, vector<1x16xf32>,
        %get3A_45 = vector.shape_cast %get3A_44 : vector<1x16xf32> to vector<16xf32>
        %get3A_46 = arith.constant 0 : i32
        %get3A_47 = arith.index_cast %get3A_46 : i32 to index
        %get3A_48 = arith.constant 0 : index
        %get3A_49 = tpu.vector_load %arg7[%get3A_47, %get3A_48] {strides = array<i32>} : memref<1x1024xf32, #tpu.memory_space<vmem>>, vector<1x16xf32>,
        %get3A_50 = vector.shape_cast %get3A_49 : vector<1x16xf32> to vector<16xf32>
        %add3A_51 = arith.addf %get3A_45, %get3A_50 : vector<16xf32>
        %add3A_52 = arith.addf %broadcast_in_dim3A_40, %add3A_51 : vector<16xf32>
        %mul3A_53 = arith.mulf %add3A_51, %add3A_51 : vector<16xf32>
        %add3A_54 = arith.addf %broadcast_in_dim3A_42, %mul3A_53 : vector<16xf32>
        %get3A_55 = arith.index_cast %scan3A_38 : i32 to index
        %get3A_56 = arith.constant 16 : index
        %get3A_57 = tpu.vector_load %arg10[%get3A_55, %get3A_56] {strides = array<i32>} : memref<16x1024xf32, #tpu.memory_space<vmem>>, vector<1x16xf32>,
        %get3A_58 = vector.shape_cast %get3A_57 : vector<1x16xf32> to vector<16xf32>
        %get3A_59 = arith.constant 0 : i32
        %get3A_60 = arith.index_cast %get3A_59 : i32 to index
        %get3A_61 = arith.constant 16 : index
        %get3A_62 = tpu.vector_load %arg7[%get3A_60, %get3A_61] {strides = array<i32>} : memref<1x1024xf32, #tpu.memory_space<vmem>>, vector<1x16xf32>,
        %get3A_63 = vector.shape_cast %get3A_62 : vector<1x16xf32> to vector<16xf32>
        %add3A_64 = arith.addf %get3A_58, %get3A_63 : vector<16xf32>
        %add3A_65 = arith.addf %add3A_52, %add3A_64 : vector<16xf32>
        %mul3A_66 = arith.mulf %add3A_64, %add3A_64 : vector<16xf32>
        %add3A_67 = arith.addf %add3A_54, %mul3A_66 : vector<16xf32>
        %get3A_68 = arith.index_cast %scan3A_38 : i32 to index
        %get3A_69 = arith.constant 32 : index
        %get3A_70 = tpu.vector_load %arg10[%get3A_68, %get3A_69] {strides = array<i32>} : memref<16x1024xf32, #tpu.memory_space<vmem>>, vector<1x16xf32>,
        %get3A_71 = vector.shape_cast %get3A_70 : vector<1x16xf32> to vector<16xf32>
        %get3A_72 = arith.constant 0 : i32
        %get3A_73 = arith.index_cast %get3A_72 : i32 to index
        %get3A_74 = arith.constant 32 : index
        %get3A_75 = tpu.vector_load %arg7[%get3A_73, %get3A_74] {strides = array<i32>} : memref<1x1024xf32, #tpu.memory_space<vmem>>, vector<1x16xf32>,
        %get3A_76 = vector.shape_cast %get3A_75 : vector<1x16xf32> to vector<16xf32>
        %add3A_77 = arith.addf %get3A_71, %get3A_76 : vector<16xf32>
        %add3A_78 = arith.addf %add3A_65, %add3A_77 : vector<16xf32>
        %mul3A_79 = arith.mulf %add3A_77, %add3A_77 : vector<16xf32>
        %add3A_80 = arith.addf %add3A_67, %mul3A_79 : vector<16xf32>
        %get3A_81 = arith.index_cast %scan3A_38 : i32 to index
        %get3A_82 = arith.constant 48 : index
        %get3A_83 = tpu.vector_load %arg10[%get3A_81, %get3A_82] {strides = array<i32>} : memref<16x1024xf32, #tpu.memory_space<vmem>>, vector<1x16xf32>,
        %get3A_84 = vector.shape_cast %get3A_83 : vector<1x16xf32> to vector<16xf32>
        %get3A_85 = arith.constant 0 : i32
        %get3A_86 = arith.index_cast %get3A_85 : i32 to index
        %get3A_87 = arith.constant 48 : index
        %get3A_88 = tpu.vector_load %arg7[%get3A_86, %get3A_87] {strides = array<i32>} : memref<1x1024xf32, #tpu.memory_space<vmem>>, vector<1x16xf32>,
        %get3A_89 = vector.shape_cast %get3A_88 : vector<1x16xf32> to vector<16xf32>
        %add3A_90 = arith.addf %get3A_84, %get3A_89 : vector<16xf32>
        %add3A_91 = arith.addf %add3A_78, %add3A_90 : vector<16xf32>
        %mul3A_92 = arith.mulf %add3A_90, %add3A_90 : vector<16xf32>
        %add3A_93 = arith.addf %add3A_80, %mul3A_92 : vector<16xf32>
        %get3A_94 = arith.index_cast %scan3A_38 : i32 to index
        %get3A_95 = arith.constant 64 : index
        %get3A_96 = tpu.vector_load %arg10[%get3A_94, %get3A_95] {strides = array<i32>} : memref<16x1024xf32, #tpu.memory_space<vmem>>, vector<1x16xf32>,
        %get3A_97 = vector.shape_cast %get3A_96 : vector<1x16xf32> to vector<16xf32>
        %get3A_98 = arith.constant 0 : i32
        %get3A_99 = arith.index_cast %get3A_98 : i32 to index
        %get3A_100 = arith.constant 64 : index
        %get3A_101 = tpu.vector_load %arg7[%get3A_99, %get3A_100] {strides = array<i32>} : memref<1x1024xf32, #tpu.memory_space<vmem>>, vector<1x16xf32>,
        %get3A_102 = vector.shape_cast %get3A_101 : vector<1x16xf32> to vector<16xf32>
        %add3A_103 = arith.addf %get3A_97, %get3A_102 : vector<16xf32>
        %add3A_104 = arith.addf %add3A_91, %add3A_103 : vector<16xf32>
        %mul3A_105 = arith.mulf %add3A_103, %add3A_103 : vector<16xf32>
        %add3A_106 = arith.addf %add3A_93, %mul3A_105 : vector<16xf32>
        %get3A_107 = arith.index_cast %scan3A_38 : i32 to index
        %get3A_108 = arith.constant 80 : index
        %get3A_109 = tpu.vector_load %arg10[%get3A_107, %get3A_108] {strides = array<i32>} : memref<16x1024xf32, #tpu.memory_space<vmem>>, vector<1x16xf32>,
        %get3A_110 = vector.shape_cast %get3A_109 : vector<1x16xf32> to vector<16xf32>
        %get3A_111 = arith.constant 0 : i32
        %get3A_112 = arith.index_cast %get3A_111 : i32 to index
        %get3A_113 = arith.constant 80 : index
        %get3A_114 = tpu.vector_load %arg7[%get3A_112, %get3A_113] {strides = array<i32>} : memref<1x1024xf32, #tpu.memory_space<vmem>>, vector<1x16xf32>,
        %get3A_115 = vector.shape_cast %get3A_114 : vector<1x16xf32> to vector<16xf32>
        %add3A_116 = arith.addf %get3A_110, %get3A_115 : vector<16xf32>
        %add3A_117 = arith.addf %add3A_104, %add3A_116 : vector<16xf32>
        %mul3A_118 = arith.mulf %add3A_116, %add3A_116 : vector<16xf32>
        %add3A_119 = arith.addf %add3A_106, %mul3A_118 : vector<16xf32>
        %get3A_120 = arith.index_cast %scan3A_38 : i32 to index
        %get3A_121 = arith.constant 96 : index
        %get3A_122 = tpu.vector_load %arg10[%get3A_120, %get3A_121] {strides = array<i32>} : memref<16x1024xf32, #tpu.memory_space<vmem>>, vector<1x16xf32>,
        %get3A_123 = vector.shape_cast %get3A_122 : vector<1x16xf32> to vector<16xf32>
        %get3A_124 = arith.constant 0 : i32
        %get3A_125 = arith.index_cast %get3A_124 : i32 to index
        %get3A_126 = arith.constant 96 : index
        %get3A_127 = tpu.vector_load %arg7[%get3A_125, %get3A_126] {strides = array<i32>} : memref<1x1024xf32, #tpu.memory_space<vmem>>, vector<1x16xf32>,
        %get3A_128 = vector.shape_cast %get3A_127 : vector<1x16xf32> to vector<16xf32>
        %add3A_129 = arith.addf %get3A_123, %get3A_128 : vector<16xf32>
        %add3A_130 = arith.addf %add3A_117, %add3A_129 : vector<16xf32>
        %mul3A_131 = arith.mulf %add3A_129, %add3A_129 : vector<16xf32>
        %add3A_132 = arith.addf %add3A_119, %mul3A_131 : vector<16xf32>
        %get3A_133 = arith.index_cast %scan3A_38 : i32 to index
        %get3A_134 = arith.constant 112 : index
        %get3A_135 = tpu.vector_load %arg10[%get3A_133, %get3A_134] {strides = array<i32>} : memref<16x1024xf32, #tpu.memory_space<vmem>>, vector<1x16xf32>,
        %get3A_136 = vector.shape_cast %get3A_135 : vector<1x16xf32> to vector<16xf32>
        %get3A_137 = arith.constant 0 : i32
        %get3A_138 = arith.index_cast %get3A_137 : i32 to index
        %get3A_139 = arith.constant 112 : index
        %get3A_140 = tpu.vector_load %arg7[%get3A_138, %get3A_139] {strides = array<i32>} : memref<1x1024xf32, #tpu.memory_space<vmem>>, vector<1x16xf32>,
        %get3A_141 = vector.shape_cast %get3A_140 : vector<1x16xf32> to vector<16xf32>
        %add3A_142 = arith.addf %get3A_136, %get3A_141 : vector<16xf32>
        %add3A_143 = arith.addf %add3A_130, %add3A_142 : vector<16xf32>
        %mul3A_144 = arith.mulf %add3A_142, %add3A_142 : vector<16xf32>
        %add3A_145 = arith.addf %add3A_132, %mul3A_144 : vector<16xf32>
        %get3A_146 = arith.index_cast %scan3A_38 : i32 to index
        %get3A_147 = arith.constant 128 : index
        %get3A_148 = tpu.vector_load %arg10[%get3A_146, %get3A_147] {strides = array<i32>} : memref<16x1024xf32, #tpu.memory_space<vmem>>, vector<1x16xf32>,
        %get3A_149 = vector.shape_cast %get3A_148 : vector<1x16xf32> to vector<16xf32>
        %get3A_150 = arith.constant 0 : i32
        %get3A_151 = arith.index_cast %get3A_150 : i32 to index
        %get3A_152 = arith.constant 128 : index
        %get3A_153 = tpu.vector_load %arg7[%get3A_151, %get3A_152] {strides = array<i32>} : memref<1x1024xf32, #tpu.memory_space<vmem>>, vector<1x16xf32>,
        %get3A_154 = vector.shape_cast %get3A_153 : vector<1x16xf32> to vector<16xf32>
        %add3A_155 = arith.addf %get3A_149, %get3A_154 : vector<16xf32>
        %add3A_156 = arith.addf %add3A_143, %add3A_155 : vector<16xf32>
        %mul3A_157 = arith.mulf %add3A_155, %add3A_155 : vector<16xf32>
        %add3A_158 = arith.addf %add3A_145, %mul3A_157 : vector<16xf32>
        %get3A_159 = arith.index_cast %scan3A_38 : i32 to index
        %get3A_160 = arith.constant 144 : index
        %get3A_161 = tpu.vector_load %arg10[%get3A_159, %get3A_160] {strides = array<i32>} : memref<16x1024xf32, #tpu.memory_space<vmem>>, vector<1x16xf32>,
        %get3A_162 = vector.shape_cast %get3A_161 : vector<1x16xf32> to vector<16xf32>
        %get3A_163 = arith.constant 0 : i32
        %get3A_164 = arith.index_cast %get3A_163 : i32 to index
        %get3A_165 = arith.constant 144 : index
        %get3A_166 = tpu.vector_load %arg7[%get3A_164, %get3A_165] {strides = array<i32>} : memref<1x1024xf32, #tpu.memory_space<vmem>>, vector<1x16xf32>,
        %get3A_167 = vector.shape_cast %get3A_166 : vector<1x16xf32> to vector<16xf32>
        %add3A_168 = arith.addf %get3A_162, %get3A_167 : vector<16xf32>
        %add3A_169 = arith.addf %add3A_156, %add3A_168 : vector<16xf32>
        %mul3A_170 = arith.mulf %add3A_168, %add3A_168 : vector<16xf32>
        %add3A_171 = arith.addf %add3A_158, %mul3A_170 : vector<16xf32>
        %get3A_172 = arith.index_cast %scan3A_38 : i32 to index
        %get3A_173 = arith.constant 160 : index
        %get3A_174 = tpu.vector_load %arg10[%get3A_172, %get3A_173] {strides = array<i32>} : memref<16x1024xf32, #tpu.memory_space<vmem>>, vector<1x16xf32>,
        %get3A_175 = vector.shape_cast %get3A_174 : vector<1x16xf32> to vector<16xf32>
        %get3A_176 = arith.constant 0 : i32
        %get3A_177 = arith.index_cast %get3A_176 : i32 to index
        %get3A_178 = arith.constant 160 : index
        %get3A_179 = tpu.vector_load %arg7[%get3A_177, %get3A_178] {strides = array<i32>} : memref<1x1024xf32, #tpu.memory_space<vmem>>, vector<1x16xf32>,
        %get3A_180 = vector.shape_cast %get3A_179 : vector<1x16xf32> to vector<16xf32>
        %add3A_181 = arith.addf %get3A_175, %get3A_180 : vector<16xf32>
        %add3A_182 = arith.addf %add3A_169, %add3A_181 : vector<16xf32>
        %mul3A_183 = arith.mulf %add3A_181, %add3A_181 : vector<16xf32>
        %add3A_184 = arith.addf %add3A_171, %mul3A_183 : vector<16xf32>
        %get3A_185 = arith.index_cast %scan3A_38 : i32 to index
        %get3A_186 = arith.constant 176 : index
        %get3A_187 = tpu.vector_load %arg10[%get3A_185, %get3A_186] {strides = array<i32>} : memref<16x1024xf32, #tpu.memory_space<vmem>>, vector<1x16xf32>,
        %get3A_188 = vector.shape_cast %get3A_187 : vector<1x16xf32> to vector<16xf32>
        %get3A_189 = arith.constant 0 : i32
        %get3A_190 = arith.index_cast %get3A_189 : i32 to index
        %get3A_191 = arith.constant 176 : index
        %get3A_192 = tpu.vector_load %arg7[%get3A_190, %get3A_191] {strides = array<i32>} : memref<1x1024xf32, #tpu.memory_space<vmem>>, vector<1x16xf32>,
        %get3A_193 = vector.shape_cast %get3A_192 : vector<1x16xf32> to vector<16xf32>
        %add3A_194 = arith.addf %get3A_188, %get3A_193 : vector<16xf32>
        %add3A_195 = arith.addf %add3A_182, %add3A_194 : vector<16xf32>
        %mul3A_196 = arith.mulf %add3A_194, %add3A_194 : vector<16xf32>
        %add3A_197 = arith.addf %add3A_184, %mul3A_196 : vector<16xf32>
        %get3A_198 = arith.index_cast %scan3A_38 : i32 to index
        %get3A_199 = arith.constant 192 : index
        %get3A_200 = tpu.vector_load %arg10[%get3A_198, %get3A_199] {strides = array<i32>} : memref<16x1024xf32, #tpu.memory_space<vmem>>, vector<1x16xf32>,
        %get3A_201 = vector.shape_cast %get3A_200 : vector<1x16xf32> to vector<16xf32>
        %get3A_202 = arith.constant 0 : i32
        %get3A_203 = arith.index_cast %get3A_202 : i32 to index
        %get3A_204 = arith.constant 192 : index
        %get3A_205 = tpu.vector_load %arg7[%get3A_203, %get3A_204] {strides = array<i32>} : memref<1x1024xf32, #tpu.memory_space<vmem>>, vector<1x16xf32>,
        %get3A_206 = vector.shape_cast %get3A_205 : vector<1x16xf32> to vector<16xf32>
        %add3A_207 = arith.addf %get3A_201, %get3A_206 : vector<16xf32>
        %add3A_208 = arith.addf %add3A_195, %add3A_207 : vector<16xf32>
        %mul3A_209 = arith.mulf %add3A_207, %add3A_207 : vector<16xf32>
        %add3A_210 = arith.addf %add3A_197, %mul3A_209 : vector<16xf32>
        %get3A_211 = arith.index_cast %scan3A_38 : i32 to index
        %get3A_212 = arith.constant 208 : index
        %get3A_213 = tpu.vector_load %arg10[%get3A_211, %get3A_212] {strides = array<i32>} : memref<16x1024xf32, #tpu.memory_space<vmem>>, vector<1x16xf32>,
        %get3A_214 = vector.shape_cast %get3A_213 : vector<1x16xf32> to vector<16xf32>
        %get3A_215 = arith.constant 0 : i32
        %get3A_216 = arith.index_cast %get3A_215 : i32 to index
        %get3A_217 = arith.constant 208 : index
        %get3A_218 = tpu.vector_load %arg7[%get3A_216, %get3A_217] {strides = array<i32>} : memref<1x1024xf32, #tpu.memory_space<vmem>>, vector<1x16xf32>,
        %get3A_219 = vector.shape_cast %get3A_218 : vector<1x16xf32> to vector<16xf32>
        %add3A_220 = arith.addf %get3A_214, %get3A_219 : vector<16xf32>
        %add3A_221 = arith.addf %add3A_208, %add3A_220 : vector<16xf32>
        %mul3A_222 = arith.mulf %add3A_220, %add3A_220 : vector<16xf32>
        %add3A_223 = arith.addf %add3A_210, %mul3A_222 : vector<16xf32>
        %get3A_224 = arith.index_cast %scan3A_38 : i32 to index
        %get3A_225 = arith.constant 224 : index
        %get3A_226 = tpu.vector_load %arg10[%get3A_224, %get3A_225] {strides = array<i32>} : memref<16x1024xf32, #tpu.memory_space<vmem>>, vector<1x16xf32>,
        %get3A_227 = vector.shape_cast %get3A_226 : vector<1x16xf32> to vector<16xf32>
        %get3A_228 = arith.constant 0 : i32
        %get3A_229 = arith.index_cast %get3A_228 : i32 to index
        %get3A_230 = arith.constant 224 : index
        %get3A_231 = tpu.vector_load %arg7[%get3A_229, %get3A_230] {strides = array<i32>} : memref<1x1024xf32, #tpu.memory_space<vmem>>, vector<1x16xf32>,
        %get3A_232 = vector.shape_cast %get3A_231 : vector<1x16xf32> to vector<16xf32>
        %add3A_233 = arith.addf %get3A_227, %get3A_232 : vector<16xf32>
        %add3A_234 = arith.addf %add3A_221, %add3A_233 : vector<16xf32>
        %mul3A_235 = arith.mulf %add3A_233, %add3A_233 : vector<16xf32>
        %add3A_236 = arith.addf %add3A_223, %mul3A_235 : vector<16xf32>
        %get3A_237 = arith.index_cast %scan3A_38 : i32 to index
        %get3A_238 = arith.constant 240 : index
        %get3A_239 = tpu.vector_load %arg10[%get3A_237, %get3A_238] {strides = array<i32>} : memref<16x1024xf32, #tpu.memory_space<vmem>>, vector<1x16xf32>,
        %get3A_240 = vector.shape_cast %get3A_239 : vector<1x16xf32> to vector<16xf32>
        %get3A_241 = arith.constant 0 : i32
        %get3A_242 = arith.index_cast %get3A_241 : i32 to index
        %get3A_243 = arith.constant 240 : index
        %get3A_244 = tpu.vector_load %arg7[%get3A_242, %get3A_243] {strides = array<i32>} : memref<1x1024xf32, #tpu.memory_space<vmem>>, vector<1x16xf32>,
        %get3A_245 = vector.shape_cast %get3A_244 : vector<1x16xf32> to vector<16xf32>
        %add3A_246 = arith.addf %get3A_240, %get3A_245 : vector<16xf32>
        %add3A_247 = arith.addf %add3A_234, %add3A_246 : vector<16xf32>
        %mul3A_248 = arith.mulf %add3A_246, %add3A_246 : vector<16xf32>
        %add3A_249 = arith.addf %add3A_236, %mul3A_248 : vector<16xf32>
        %get3A_250 = arith.index_cast %scan3A_38 : i32 to index
        %get3A_251 = arith.constant 256 : index
        %get3A_252 = tpu.vector_load %arg10[%get3A_250, %get3A_251] {strides = array<i32>} : memref<16x1024xf32, #tpu.memory_space<vmem>>, vector<1x16xf32>,
        %get3A_253 = vector.shape_cast %get3A_252 : vector<1x16xf32> to vector<16xf32>
        %get3A_254 = arith.constant 0 : i32
        %get3A_255 = arith.index_cast %get3A_254 : i32 to index
        %get3A_256 = arith.constant 256 : index
        %get3A_257 = tpu.vector_load %arg7[%get3A_255, %get3A_256] {strides = array<i32>} : memref<1x1024xf32, #tpu.memory_space<vmem>>, vector<1x16xf32>,
        %get3A_258 = vector.shape_cast %get3A_257 : vector<1x16xf32> to vector<16xf32>
        %add3A_259 = arith.addf %get3A_253, %get3A_258 : vector<16xf32>
        %add3A_260 = arith.addf %add3A_247, %add3A_259 : vector<16xf32>
        %mul3A_261 = arith.mulf %add3A_259, %add3A_259 : vector<16xf32>
        %add3A_262 = arith.addf %add3A_249, %mul3A_261 : vector<16xf32>
        %get3A_263 = arith.index_cast %scan3A_38 : i32 to index
        %get3A_264 = arith.constant 272 : index
        %get3A_265 = tpu.vector_load %arg10[%get3A_263, %get3A_264] {strides = array<i32>} : memref<16x1024xf32, #tpu.memory_space<vmem>>, vector<1x16xf32>,
        %get3A_266 = vector.shape_cast %get3A_265 : vector<1x16xf32> to vector<16xf32>
        %get3A_267 = arith.constant 0 : i32
        %get3A_268 = arith.index_cast %get3A_267 : i32 to index
        %get3A_269 = arith.constant 272 : index
        %get3A_270 = tpu.vector_load %arg7[%get3A_268, %get3A_269] {strides = array<i32>} : memref<1x1024xf32, #tpu.memory_space<vmem>>, vector<1x16xf32>,
        %get3A_271 = vector.shape_cast %get3A_270 : vector<1x16xf32> to vector<16xf32>
        %add3A_272 = arith.addf %get3A_266, %get3A_271 : vector<16xf32>
        %add3A_273 = arith.addf %add3A_260, %add3A_272 : vector<16xf32>
        %mul3A_274 = arith.mulf %add3A_272, %add3A_272 : vector<16xf32>
        %add3A_275 = arith.addf %add3A_262, %mul3A_274 : vector<16xf32>
        %get3A_276 = arith.index_cast %scan3A_38 : i32 to index
        %get3A_277 = arith.constant 288 : index
        %get3A_278 = tpu.vector_load %arg10[%get3A_276, %get3A_277] {strides = array<i32>} : memref<16x1024xf32, #tpu.memory_space<vmem>>, vector<1x16xf32>,
        %get3A_279 = vector.shape_cast %get3A_278 : vector<1x16xf32> to vector<16xf32>
        %get3A_280 = arith.constant 0 : i32
        %get3A_281 = arith.index_cast %get3A_280 : i32 to index
        %get3A_282 = arith.constant 288 : index
        %get3A_283 = tpu.vector_load %arg7[%get3A_281, %get3A_282] {strides = array<i32>} : memref<1x1024xf32, #tpu.memory_space<vmem>>, vector<1x16xf32>,
        %get3A_284 = vector.shape_cast %get3A_283 : vector<1x16xf32> to vector<16xf32>
        %add3A_285 = arith.addf %get3A_279, %get3A_284 : vector<16xf32>
        %add3A_286 = arith.addf %add3A_273, %add3A_285 : vector<16xf32>
        %mul3A_287 = arith.mulf %add3A_285, %add3A_285 : vector<16xf32>
        %add3A_288 = arith.addf %add3A_275, %mul3A_287 : vector<16xf32>
        %get3A_289 = arith.index_cast %scan3A_38 : i32 to index
        %get3A_290 = arith.constant 304 : index
        %get3A_291 = tpu.vector_load %arg10[%get3A_289, %get3A_290] {strides = array<i32>} : memref<16x1024xf32, #tpu.memory_space<vmem>>, vector<1x16xf32>,
        %get3A_292 = vector.shape_cast %get3A_291 : vector<1x16xf32> to vector<16xf32>
        %get3A_293 = arith.constant 0 : i32
        %get3A_294 = arith.index_cast %get3A_293 : i32 to index
        %get3A_295 = arith.constant 304 : index
        %get3A_296 = tpu.vector_load %arg7[%get3A_294, %get3A_295] {strides = array<i32>} : memref<1x1024xf32, #tpu.memory_space<vmem>>, vector<1x16xf32>,
        %get3A_297 = vector.shape_cast %get3A_296 : vector<1x16xf32> to vector<16xf32>
        %add3A_298 = arith.addf %get3A_292, %get3A_297 : vector<16xf32>
        %add3A_299 = arith.addf %add3A_286, %add3A_298 : vector<16xf32>
        %mul3A_300 = arith.mulf %add3A_298, %add3A_298 : vector<16xf32>
        %add3A_301 = arith.addf %add3A_288, %mul3A_300 : vector<16xf32>
        %get3A_302 = arith.index_cast %scan3A_38 : i32 to index
        %get3A_303 = arith.constant 320 : index
        %get3A_304 = tpu.vector_load %arg10[%get3A_302, %get3A_303] {strides = array<i32>} : memref<16x1024xf32, #tpu.memory_space<vmem>>, vector<1x16xf32>,
        %get3A_305 = vector.shape_cast %get3A_304 : vector<1x16xf32> to vector<16xf32>
        %get3A_306 = arith.constant 0 : i32
        %get3A_307 = arith.index_cast %get3A_306 : i32 to index
        %get3A_308 = arith.constant 320 : index
        %get3A_309 = tpu.vector_load %arg7[%get3A_307, %get3A_308] {strides = array<i32>} : memref<1x1024xf32, #tpu.memory_space<vmem>>, vector<1x16xf32>,
        %get3A_310 = vector.shape_cast %get3A_309 : vector<1x16xf32> to vector<16xf32>
        %add3A_311 = arith.addf %get3A_305, %get3A_310 : vector<16xf32>
        %add3A_312 = arith.addf %add3A_299, %add3A_311 : vector<16xf32>
        %mul3A_313 = arith.mulf %add3A_311, %add3A_311 : vector<16xf32>
        %add3A_314 = arith.addf %add3A_301, %mul3A_313 : vector<16xf32>
        %get3A_315 = arith.index_cast %scan3A_38 : i32 to index
        %get3A_316 = arith.constant 336 : index
        %get3A_317 = tpu.vector_load %arg10[%get3A_315, %get3A_316] {strides = array<i32>} : memref<16x1024xf32, #tpu.memory_space<vmem>>, vector<1x16xf32>,
        %get3A_318 = vector.shape_cast %get3A_317 : vector<1x16xf32> to vector<16xf32>
        %get3A_319 = arith.constant 0 : i32
        %get3A_320 = arith.index_cast %get3A_319 : i32 to index
        %get3A_321 = arith.constant 336 : index
        %get3A_322 = tpu.vector_load %arg7[%get3A_320, %get3A_321] {strides = array<i32>} : memref<1x1024xf32, #tpu.memory_space<vmem>>, vector<1x16xf32>,
        %get3A_323 = vector.shape_cast %get3A_322 : vector<1x16xf32> to vector<16xf32>
        %add3A_324 = arith.addf %get3A_318, %get3A_323 : vector<16xf32>
        %add3A_325 = arith.addf %add3A_312, %add3A_324 : vector<16xf32>
        %mul3A_326 = arith.mulf %add3A_324, %add3A_324 : vector<16xf32>
        %add3A_327 = arith.addf %add3A_314, %mul3A_326 : vector<16xf32>
        %get3A_328 = arith.index_cast %scan3A_38 : i32 to index
        %get3A_329 = arith.constant 352 : index
        %get3A_330 = tpu.vector_load %arg10[%get3A_328, %get3A_329] {strides = array<i32>} : memref<16x1024xf32, #tpu.memory_space<vmem>>, vector<1x16xf32>,
        %get3A_331 = vector.shape_cast %get3A_330 : vector<1x16xf32> to vector<16xf32>
        %get3A_332 = arith.constant 0 : i32
        %get3A_333 = arith.index_cast %get3A_332 : i32 to index
        %get3A_334 = arith.constant 352 : index
        %get3A_335 = tpu.vector_load %arg7[%get3A_333, %get3A_334] {strides = array<i32>} : memref<1x1024xf32, #tpu.memory_space<vmem>>, vector<1x16xf32>,
        %get3A_336 = vector.shape_cast %get3A_335 : vector<1x16xf32> to vector<16xf32>
        %add3A_337 = arith.addf %get3A_331, %get3A_336 : vector<16xf32>
        %add3A_338 = arith.addf %add3A_325, %add3A_337 : vector<16xf32>
        %mul3A_339 = arith.mulf %add3A_337, %add3A_337 : vector<16xf32>
        %add3A_340 = arith.addf %add3A_327, %mul3A_339 : vector<16xf32>
        %get3A_341 = arith.index_cast %scan3A_38 : i32 to index
        %get3A_342 = arith.constant 368 : index
        %get3A_343 = tpu.vector_load %arg10[%get3A_341, %get3A_342] {strides = array<i32>} : memref<16x1024xf32, #tpu.memory_space<vmem>>, vector<1x16xf32>,
        %get3A_344 = vector.shape_cast %get3A_343 : vector<1x16xf32> to vector<16xf32>
        %get3A_345 = arith.constant 0 : i32
        %get3A_346 = arith.index_cast %get3A_345 : i32 to index
        %get3A_347 = arith.constant 368 : index
        %get3A_348 = tpu.vector_load %arg7[%get3A_346, %get3A_347] {strides = array<i32>} : memref<1x1024xf32, #tpu.memory_space<vmem>>, vector<1x16xf32>,
        %get3A_349 = vector.shape_cast %get3A_348 : vector<1x16xf32> to vector<16xf32>
        %add3A_350 = arith.addf %get3A_344, %get3A_349 : vector<16xf32>
        %add3A_351 = arith.addf %add3A_338, %add3A_350 : vector<16xf32>
        %mul3A_352 = arith.mulf %add3A_350, %add3A_350 : vector<16xf32>
        %add3A_353 = arith.addf %add3A_340, %mul3A_352 : vector<16xf32>
        %get3A_354 = arith.index_cast %scan3A_38 : i32 to index
        %get3A_355 = arith.constant 384 : index
        %get3A_356 = tpu.vector_load %arg10[%get3A_354, %get3A_355] {strides = array<i32>} : memref<16x1024xf32, #tpu.memory_space<vmem>>, vector<1x16xf32>,
        %get3A_357 = vector.shape_cast %get3A_356 : vector<1x16xf32> to vector<16xf32>
        %get3A_358 = arith.constant 0 : i32
        %get3A_359 = arith.index_cast %get3A_358 : i32 to index
        %get3A_360 = arith.constant 384 : index
        %get3A_361 = tpu.vector_load %arg7[%get3A_359, %get3A_360] {strides = array<i32>} : memref<1x1024xf32, #tpu.memory_space<vmem>>, vector<1x16xf32>,
        %get3A_362 = vector.shape_cast %get3A_361 : vector<1x16xf32> to vector<16xf32>
        %add3A_363 = arith.addf %get3A_357, %get3A_362 : vector<16xf32>
        %add3A_364 = arith.addf %add3A_351, %add3A_363 : vector<16xf32>
        %mul3A_365 = arith.mulf %add3A_363, %add3A_363 : vector<16xf32>
        %add3A_366 = arith.addf %add3A_353, %mul3A_365 : vector<16xf32>
        %get3A_367 = arith.index_cast %scan3A_38 : i32 to index
        %get3A_368 = arith.constant 400 : index
        %get3A_369 = tpu.vector_load %arg10[%get3A_367, %get3A_368] {strides = array<i32>} : memref<16x1024xf32, #tpu.memory_space<vmem>>, vector<1x16xf32>,
        %get3A_370 = vector.shape_cast %get3A_369 : vector<1x16xf32> to vector<16xf32>
        %get3A_371 = arith.constant 0 : i32
        %get3A_372 = arith.index_cast %get3A_371 : i32 to index
        %get3A_373 = arith.constant 400 : index
        %get3A_374 = tpu.vector_load %arg7[%get3A_372, %get3A_373] {strides = array<i32>} : memref<1x1024xf32, #tpu.memory_space<vmem>>, vector<1x16xf32>,
        %get3A_375 = vector.shape_cast %get3A_374 : vector<1x16xf32> to vector<16xf32>
        %add3A_376 = arith.addf %get3A_370, %get3A_375 : vector<16xf32>
        %add3A_377 = arith.addf %add3A_364, %add3A_376 : vector<16xf32>
        %mul3A_378 = arith.mulf %add3A_376, %add3A_376 : vector<16xf32>
        %add3A_379 = arith.addf %add3A_366, %mul3A_378 : vector<16xf32>
        %get3A_380 = arith.index_cast %scan3A_38 : i32 to index
        %get3A_381 = arith.constant 416 : index
        %get3A_382 = tpu.vector_load %arg10[%get3A_380, %get3A_381] {strides = array<i32>} : memref<16x1024xf32, #tpu.memory_space<vmem>>, vector<1x16xf32>,
        %get3A_383 = vector.shape_cast %get3A_382 : vector<1x16xf32> to vector<16xf32>
        %get3A_384 = arith.constant 0 : i32
        %get3A_385 = arith.index_cast %get3A_384 : i32 to index
        %get3A_386 = arith.constant 416 : index
        %get3A_387 = tpu.vector_load %arg7[%get3A_385, %get3A_386] {strides = array<i32>} : memref<1x1024xf32, #tpu.memory_space<vmem>>, vector<1x16xf32>,
        %get3A_388 = vector.shape_cast %get3A_387 : vector<1x16xf32> to vector<16xf32>
        %add3A_389 = arith.addf %get3A_383, %get3A_388 : vector<16xf32>
        %add3A_390 = arith.addf %add3A_377, %add3A_389 : vector<16xf32>
        %mul3A_391 = arith.mulf %add3A_389, %add3A_389 : vector<16xf32>
        %add3A_392 = arith.addf %add3A_379, %mul3A_391 : vector<16xf32>
        %get3A_393 = arith.index_cast %scan3A_38 : i32 to index
        %get3A_394 = arith.constant 432 : index
        %get3A_395 = tpu.vector_load %arg10[%get3A_393, %get3A_394] {strides = array<i32>} : memref<16x1024xf32, #tpu.memory_space<vmem>>, vector<1x16xf32>,
        %get3A_396 = vector.shape_cast %get3A_395 : vector<1x16xf32> to vector<16xf32>
        %get3A_397 = arith.constant 0 : i32
        %get3A_398 = arith.index_cast %get3A_397 : i32 to index
        %get3A_399 = arith.constant 432 : index
        %get3A_400 = tpu.vector_load %arg7[%get3A_398, %get3A_399] {strides = array<i32>} : memref<1x1024xf32, #tpu.memory_space<vmem>>, vector<1x16xf32>,
        %get3A_401 = vector.shape_cast %get3A_400 : vector<1x16xf32> to vector<16xf32>
        %add3A_402 = arith.addf %get3A_396, %get3A_401 : vector<16xf32>
        %add3A_403 = arith.addf %add3A_390, %add3A_402 : vector<16xf32>
        %mul3A_404 = arith.mulf %add3A_402, %add3A_402 : vector<16xf32>
        %add3A_405 = arith.addf %add3A_392, %mul3A_404 : vector<16xf32>
        %get3A_406 = arith.index_cast %scan3A_38 : i32 to index
        %get3A_407 = arith.constant 448 : index
        %get3A_408 = tpu.vector_load %arg10[%get3A_406, %get3A_407] {strides = array<i32>} : memref<16x1024xf32, #tpu.memory_space<vmem>>, vector<1x16xf32>,
        %get3A_409 = vector.shape_cast %get3A_408 : vector<1x16xf32> to vector<16xf32>
        %get3A_410 = arith.constant 0 : i32
        %get3A_411 = arith.index_cast %get3A_410 : i32 to index
        %get3A_412 = arith.constant 448 : index
        %get3A_413 = tpu.vector_load %arg7[%get3A_411, %get3A_412] {strides = array<i32>} : memref<1x1024xf32, #tpu.memory_space<vmem>>, vector<1x16xf32>,
        %get3A_414 = vector.shape_cast %get3A_413 : vector<1x16xf32> to vector<16xf32>
        %add3A_415 = arith.addf %get3A_409, %get3A_414 : vector<16xf32>
        %add3A_416 = arith.addf %add3A_403, %add3A_415 : vector<16xf32>
        %mul3A_417 = arith.mulf %add3A_415, %add3A_415 : vector<16xf32>
        %add3A_418 = arith.addf %add3A_405, %mul3A_417 : vector<16xf32>
        %get3A_419 = arith.index_cast %scan3A_38 : i32 to index
        %get3A_420 = arith.constant 464 : index
        %get3A_421 = tpu.vector_load %arg10[%get3A_419, %get3A_420] {strides = array<i32>} : memref<16x1024xf32, #tpu.memory_space<vmem>>, vector<1x16xf32>,
        %get3A_422 = vector.shape_cast %get3A_421 : vector<1x16xf32> to vector<16xf32>
        %get3A_423 = arith.constant 0 : i32
        %get3A_424 = arith.index_cast %get3A_423 : i32 to index
        %get3A_425 = arith.constant 464 : index
        %get3A_426 = tpu.vector_load %arg7[%get3A_424, %get3A_425] {strides = array<i32>} : memref<1x1024xf32, #tpu.memory_space<vmem>>, vector<1x16xf32>,
        %get3A_427 = vector.shape_cast %get3A_426 : vector<1x16xf32> to vector<16xf32>
        %add3A_428 = arith.addf %get3A_422, %get3A_427 : vector<16xf32>
        %add3A_429 = arith.addf %add3A_416, %add3A_428 : vector<16xf32>
        %mul3A_430 = arith.mulf %add3A_428, %add3A_428 : vector<16xf32>
        %add3A_431 = arith.addf %add3A_418, %mul3A_430 : vector<16xf32>
        %get3A_432 = arith.index_cast %scan3A_38 : i32 to index
        %get3A_433 = arith.constant 480 : index
        %get3A_434 = tpu.vector_load %arg10[%get3A_432, %get3A_433] {strides = array<i32>} : memref<16x1024xf32, #tpu.memory_space<vmem>>, vector<1x16xf32>,
        %get3A_435 = vector.shape_cast %get3A_434 : vector<1x16xf32> to vector<16xf32>
        %get3A_436 = arith.constant 0 : i32
        %get3A_437 = arith.index_cast %get3A_436 : i32 to index
        %get3A_438 = arith.constant 480 : index
        %get3A_439 = tpu.vector_load %arg7[%get3A_437, %get3A_438] {strides = array<i32>} : memref<1x1024xf32, #tpu.memory_space<vmem>>, vector<1x16xf32>,
        %get3A_440 = vector.shape_cast %get3A_439 : vector<1x16xf32> to vector<16xf32>
        %add3A_441 = arith.addf %get3A_435, %get3A_440 : vector<16xf32>
        %add3A_442 = arith.addf %add3A_429, %add3A_441 : vector<16xf32>
        %mul3A_443 = arith.mulf %add3A_441, %add3A_441 : vector<16xf32>
        %add3A_444 = arith.addf %add3A_431, %mul3A_443 : vector<16xf32>
        %get3A_445 = arith.index_cast %scan3A_38 : i32 to index
        %get3A_446 = arith.constant 496 : index
        %get3A_447 = tpu.vector_load %arg10[%get3A_445, %get3A_446] {strides = array<i32>} : memref<16x1024xf32, #tpu.memory_space<vmem>>, vector<1x16xf32>,
        %get3A_448 = vector.shape_cast %get3A_447 : vector<1x16xf32> to vector<16xf32>
        %get3A_449 = arith.constant 0 : i32
        %get3A_450 = arith.index_cast %get3A_449 : i32 to index
        %get3A_451 = arith.constant 496 : index
        %get3A_452 = tpu.vector_load %arg7[%get3A_450, %get3A_451] {strides = array<i32>} : memref<1x1024xf32, #tpu.memory_space<vmem>>, vector<1x16xf32>,
        %get3A_453 = vector.shape_cast %get3A_452 : vector<1x16xf32> to vector<16xf32>
        %add3A_454 = arith.addf %get3A_448, %get3A_453 : vector<16xf32>
        %add3A_455 = arith.addf %add3A_442, %add3A_454 : vector<16xf32>
        %mul3A_456 = arith.mulf %add3A_454, %add3A_454 : vector<16xf32>
        %add3A_457 = arith.addf %add3A_444, %mul3A_456 : vector<16xf32>
        %get3A_458 = arith.index_cast %scan3A_38 : i32 to index
        %get3A_459 = arith.constant 512 : index
        %get3A_460 = tpu.vector_load %arg10[%get3A_458, %get3A_459] {strides = array<i32>} : memref<16x1024xf32, #tpu.memory_space<vmem>>, vector<1x16xf32>,
        %get3A_461 = vector.shape_cast %get3A_460 : vector<1x16xf32> to vector<16xf32>
        %get3A_462 = arith.constant 0 : i32
        %get3A_463 = arith.index_cast %get3A_462 : i32 to index
        %get3A_464 = arith.constant 512 : index
        %get3A_465 = tpu.vector_load %arg7[%get3A_463, %get3A_464] {strides = array<i32>} : memref<1x1024xf32, #tpu.memory_space<vmem>>, vector<1x16xf32>,
        %get3A_466 = vector.shape_cast %get3A_465 : vector<1x16xf32> to vector<16xf32>
        %add3A_467 = arith.addf %get3A_461, %get3A_466 : vector<16xf32>
        %add3A_468 = arith.addf %add3A_455, %add3A_467 : vector<16xf32>
        %mul3A_469 = arith.mulf %add3A_467, %add3A_467 : vector<16xf32>
        %add3A_470 = arith.addf %add3A_457, %mul3A_469 : vector<16xf32>
        %get3A_471 = arith.index_cast %scan3A_38 : i32 to index
        %get3A_472 = arith.constant 528 : index
        %get3A_473 = tpu.vector_load %arg10[%get3A_471, %get3A_472] {strides = array<i32>} : memref<16x1024xf32, #tpu.memory_space<vmem>>, vector<1x16xf32>,
        %get3A_474 = vector.shape_cast %get3A_473 : vector<1x16xf32> to vector<16xf32>
        %get3A_475 = arith.constant 0 : i32
        %get3A_476 = arith.index_cast %get3A_475 : i32 to index
        %get3A_477 = arith.constant 528 : index
        %get3A_478 = tpu.vector_load %arg7[%get3A_476, %get3A_477] {strides = array<i32>} : memref<1x1024xf32, #tpu.memory_space<vmem>>, vector<1x16xf32>,
        %get3A_479 = vector.shape_cast %get3A_478 : vector<1x16xf32> to vector<16xf32>
        %add3A_480 = arith.addf %get3A_474, %get3A_479 : vector<16xf32>
        %add3A_481 = arith.addf %add3A_468, %add3A_480 : vector<16xf32>
        %mul3A_482 = arith.mulf %add3A_480, %add3A_480 : vector<16xf32>
        %add3A_483 = arith.addf %add3A_470, %mul3A_482 : vector<16xf32>
        %get3A_484 = arith.index_cast %scan3A_38 : i32 to index
        %get3A_485 = arith.constant 544 : index
        %get3A_486 = tpu.vector_load %arg10[%get3A_484, %get3A_485] {strides = array<i32>} : memref<16x1024xf32, #tpu.memory_space<vmem>>, vector<1x16xf32>,
        %get3A_487 = vector.shape_cast %get3A_486 : vector<1x16xf32> to vector<16xf32>
        %get3A_488 = arith.constant 0 : i32
        %get3A_489 = arith.index_cast %get3A_488 : i32 to index
        %get3A_490 = arith.constant 544 : index
        %get3A_491 = tpu.vector_load %arg7[%get3A_489, %get3A_490] {strides = array<i32>} : memref<1x1024xf32, #tpu.memory_space<vmem>>, vector<1x16xf32>,
        %get3A_492 = vector.shape_cast %get3A_491 : vector<1x16xf32> to vector<16xf32>
        %add3A_493 = arith.addf %get3A_487, %get3A_492 : vector<16xf32>
        %add3A_494 = arith.addf %add3A_481, %add3A_493 : vector<16xf32>
        %mul3A_495 = arith.mulf %add3A_493, %add3A_493 : vector<16xf32>
        %add3A_496 = arith.addf %add3A_483, %mul3A_495 : vector<16xf32>
        %get3A_497 = arith.index_cast %scan3A_38 : i32 to index
        %get3A_498 = arith.constant 560 : index
        %get3A_499 = tpu.vector_load %arg10[%get3A_497, %get3A_498] {strides = array<i32>} : memref<16x1024xf32, #tpu.memory_space<vmem>>, vector<1x16xf32>,
        %get3A_500 = vector.shape_cast %get3A_499 : vector<1x16xf32> to vector<16xf32>
        %get3A_501 = arith.constant 0 : i32
        %get3A_502 = arith.index_cast %get3A_501 : i32 to index
        %get3A_503 = arith.constant 560 : index
        %get3A_504 = tpu.vector_load %arg7[%get3A_502, %get3A_503] {strides = array<i32>} : memref<1x1024xf32, #tpu.memory_space<vmem>>, vector<1x16xf32>,
        %get3A_505 = vector.shape_cast %get3A_504 : vector<1x16xf32> to vector<16xf32>
        %add3A_506 = arith.addf %get3A_500, %get3A_505 : vector<16xf32>
        %add3A_507 = arith.addf %add3A_494, %add3A_506 : vector<16xf32>
        %mul3A_508 = arith.mulf %add3A_506, %add3A_506 : vector<16xf32>
        %add3A_509 = arith.addf %add3A_496, %mul3A_508 : vector<16xf32>
        %get3A_510 = arith.index_cast %scan3A_38 : i32 to index
        %get3A_511 = arith.constant 576 : index
        %get3A_512 = tpu.vector_load %arg10[%get3A_510, %get3A_511] {strides = array<i32>} : memref<16x1024xf32, #tpu.memory_space<vmem>>, vector<1x16xf32>,
        %get3A_513 = vector.shape_cast %get3A_512 : vector<1x16xf32> to vector<16xf32>
        %get3A_514 = arith.constant 0 : i32
        %get3A_515 = arith.index_cast %get3A_514 : i32 to index
        %get3A_516 = arith.constant 576 : index
        %get3A_517 = tpu.vector_load %arg7[%get3A_515, %get3A_516] {strides = array<i32>} : memref<1x1024xf32, #tpu.memory_space<vmem>>, vector<1x16xf32>,
        %get3A_518 = vector.shape_cast %get3A_517 : vector<1x16xf32> to vector<16xf32>
        %add3A_519 = arith.addf %get3A_513, %get3A_518 : vector<16xf32>
        %add3A_520 = arith.addf %add3A_507, %add3A_519 : vector<16xf32>
        %mul3A_521 = arith.mulf %add3A_519, %add3A_519 : vector<16xf32>
        %add3A_522 = arith.addf %add3A_509, %mul3A_521 : vector<16xf32>
        %get3A_523 = arith.index_cast %scan3A_38 : i32 to index
        %get3A_524 = arith.constant 592 : index
        %get3A_525 = tpu.vector_load %arg10[%get3A_523, %get3A_524] {strides = array<i32>} : memref<16x1024xf32, #tpu.memory_space<vmem>>, vector<1x16xf32>,
        %get3A_526 = vector.shape_cast %get3A_525 : vector<1x16xf32> to vector<16xf32>
        %get3A_527 = arith.constant 0 : i32
        %get3A_528 = arith.index_cast %get3A_527 : i32 to index
        %get3A_529 = arith.constant 592 : index
        %get3A_530 = tpu.vector_load %arg7[%get3A_528, %get3A_529] {strides = array<i32>} : memref<1x1024xf32, #tpu.memory_space<vmem>>, vector<1x16xf32>,
        %get3A_531 = vector.shape_cast %get3A_530 : vector<1x16xf32> to vector<16xf32>
        %add3A_532 = arith.addf %get3A_526, %get3A_531 : vector<16xf32>
        %add3A_533 = arith.addf %add3A_520, %add3A_532 : vector<16xf32>
        %mul3A_534 = arith.mulf %add3A_532, %add3A_532 : vector<16xf32>
        %add3A_535 = arith.addf %add3A_522, %mul3A_534 : vector<16xf32>
        %get3A_536 = arith.index_cast %scan3A_38 : i32 to index
        %get3A_537 = arith.constant 608 : index
        %get3A_538 = tpu.vector_load %arg10[%get3A_536, %get3A_537] {strides = array<i32>} : memref<16x1024xf32, #tpu.memory_space<vmem>>, vector<1x16xf32>,
        %get3A_539 = vector.shape_cast %get3A_538 : vector<1x16xf32> to vector<16xf32>
        %get3A_540 = arith.constant 0 : i32
        %get3A_541 = arith.index_cast %get3A_540 : i32 to index
        %get3A_542 = arith.constant 608 : index
        %get3A_543 = tpu.vector_load %arg7[%get3A_541, %get3A_542] {strides = array<i32>} : memref<1x1024xf32, #tpu.memory_space<vmem>>, vector<1x16xf32>,
        %get3A_544 = vector.shape_cast %get3A_543 : vector<1x16xf32> to vector<16xf32>
        %add3A_545 = arith.addf %get3A_539, %get3A_544 : vector<16xf32>
        %add3A_546 = arith.addf %add3A_533, %add3A_545 : vector<16xf32>
        %mul3A_547 = arith.mulf %add3A_545, %add3A_545 : vector<16xf32>
        %add3A_548 = arith.addf %add3A_535, %mul3A_547 : vector<16xf32>
        %get3A_549 = arith.index_cast %scan3A_38 : i32 to index
        %get3A_550 = arith.constant 624 : index
        %get3A_551 = tpu.vector_load %arg10[%get3A_549, %get3A_550] {strides = array<i32>} : memref<16x1024xf32, #tpu.memory_space<vmem>>, vector<1x16xf32>,
        %get3A_552 = vector.shape_cast %get3A_551 : vector<1x16xf32> to vector<16xf32>
        %get3A_553 = arith.constant 0 : i32
        %get3A_554 = arith.index_cast %get3A_553 : i32 to index
        %get3A_555 = arith.constant 624 : index
        %get3A_556 = tpu.vector_load %arg7[%get3A_554, %get3A_555] {strides = array<i32>} : memref<1x1024xf32, #tpu.memory_space<vmem>>, vector<1x16xf32>,
        %get3A_557 = vector.shape_cast %get3A_556 : vector<1x16xf32> to vector<16xf32>
        %add3A_558 = arith.addf %get3A_552, %get3A_557 : vector<16xf32>
        %add3A_559 = arith.addf %add3A_546, %add3A_558 : vector<16xf32>
        %mul3A_560 = arith.mulf %add3A_558, %add3A_558 : vector<16xf32>
        %add3A_561 = arith.addf %add3A_548, %mul3A_560 : vector<16xf32>
        %get3A_562 = arith.index_cast %scan3A_38 : i32 to index
        %get3A_563 = arith.constant 640 : index
        %get3A_564 = tpu.vector_load %arg10[%get3A_562, %get3A_563] {strides = array<i32>} : memref<16x1024xf32, #tpu.memory_space<vmem>>, vector<1x16xf32>,
        %get3A_565 = vector.shape_cast %get3A_564 : vector<1x16xf32> to vector<16xf32>
        %get3A_566 = arith.constant 0 : i32
        %get3A_567 = arith.index_cast %get3A_566 : i32 to index
        %get3A_568 = arith.constant 640 : index
        %get3A_569 = tpu.vector_load %arg7[%get3A_567, %get3A_568] {strides = array<i32>} : memref<1x1024xf32, #tpu.memory_space<vmem>>, vector<1x16xf32>,
        %get3A_570 = vector.shape_cast %get3A_569 : vector<1x16xf32> to vector<16xf32>
        %add3A_571 = arith.addf %get3A_565, %get3A_570 : vector<16xf32>
        %add3A_572 = arith.addf %add3A_559, %add3A_571 : vector<16xf32>
        %mul3A_573 = arith.mulf %add3A_571, %add3A_571 : vector<16xf32>
        %add3A_574 = arith.addf %add3A_561, %mul3A_573 : vector<16xf32>
        %get3A_575 = arith.index_cast %scan3A_38 : i32 to index
        %get3A_576 = arith.constant 656 : index
        %get3A_577 = tpu.vector_load %arg10[%get3A_575, %get3A_576] {strides = array<i32>} : memref<16x1024xf32, #tpu.memory_space<vmem>>, vector<1x16xf32>,
        %get3A_578 = vector.shape_cast %get3A_577 : vector<1x16xf32> to vector<16xf32>
        %get3A_579 = arith.constant 0 : i32
        %get3A_580 = arith.index_cast %get3A_579 : i32 to index
        %get3A_581 = arith.constant 656 : index
        %get3A_582 = tpu.vector_load %arg7[%get3A_580, %get3A_581] {strides = array<i32>} : memref<1x1024xf32, #tpu.memory_space<vmem>>, vector<1x16xf32>,
        %get3A_583 = vector.shape_cast %get3A_582 : vector<1x16xf32> to vector<16xf32>
        %add3A_584 = arith.addf %get3A_578, %get3A_583 : vector<16xf32>
        %add3A_585 = arith.addf %add3A_572, %add3A_584 : vector<16xf32>
        %mul3A_586 = arith.mulf %add3A_584, %add3A_584 : vector<16xf32>
        %add3A_587 = arith.addf %add3A_574, %mul3A_586 : vector<16xf32>
        %get3A_588 = arith.index_cast %scan3A_38 : i32 to index
        %get3A_589 = arith.constant 672 : index
        %get3A_590 = tpu.vector_load %arg10[%get3A_588, %get3A_589] {strides = array<i32>} : memref<16x1024xf32, #tpu.memory_space<vmem>>, vector<1x16xf32>,
        %get3A_591 = vector.shape_cast %get3A_590 : vector<1x16xf32> to vector<16xf32>
        %get3A_592 = arith.constant 0 : i32
        %get3A_593 = arith.index_cast %get3A_592 : i32 to index
        %get3A_594 = arith.constant 672 : index
        %get3A_595 = tpu.vector_load %arg7[%get3A_593, %get3A_594] {strides = array<i32>} : memref<1x1024xf32, #tpu.memory_space<vmem>>, vector<1x16xf32>,
        %get3A_596 = vector.shape_cast %get3A_595 : vector<1x16xf32> to vector<16xf32>
        %add3A_597 = arith.addf %get3A_591, %get3A_596 : vector<16xf32>
        %add3A_598 = arith.addf %add3A_585, %add3A_597 : vector<16xf32>
        %mul3A_599 = arith.mulf %add3A_597, %add3A_597 : vector<16xf32>
        %add3A_600 = arith.addf %add3A_587, %mul3A_599 : vector<16xf32>
        %get3A_601 = arith.index_cast %scan3A_38 : i32 to index
        %get3A_602 = arith.constant 688 : index
        %get3A_603 = tpu.vector_load %arg10[%get3A_601, %get3A_602] {strides = array<i32>} : memref<16x1024xf32, #tpu.memory_space<vmem>>, vector<1x16xf32>,
        %get3A_604 = vector.shape_cast %get3A_603 : vector<1x16xf32> to vector<16xf32>
        %get3A_605 = arith.constant 0 : i32
        %get3A_606 = arith.index_cast %get3A_605 : i32 to index
        %get3A_607 = arith.constant 688 : index
        %get3A_608 = tpu.vector_load %arg7[%get3A_606, %get3A_607] {strides = array<i32>} : memref<1x1024xf32, #tpu.memory_space<vmem>>, vector<1x16xf32>,
        %get3A_609 = vector.shape_cast %get3A_608 : vector<1x16xf32> to vector<16xf32>
        %add3A_610 = arith.addf %get3A_604, %get3A_609 : vector<16xf32>
        %add3A_611 = arith.addf %add3A_598, %add3A_610 : vector<16xf32>
        %mul3A_612 = arith.mulf %add3A_610, %add3A_610 : vector<16xf32>
        %add3A_613 = arith.addf %add3A_600, %mul3A_612 : vector<16xf32>
        %get3A_614 = arith.index_cast %scan3A_38 : i32 to index
        %get3A_615 = arith.constant 704 : index
        %get3A_616 = tpu.vector_load %arg10[%get3A_614, %get3A_615] {strides = array<i32>} : memref<16x1024xf32, #tpu.memory_space<vmem>>, vector<1x16xf32>,
        %get3A_617 = vector.shape_cast %get3A_616 : vector<1x16xf32> to vector<16xf32>
        %get3A_618 = arith.constant 0 : i32
        %get3A_619 = arith.index_cast %get3A_618 : i32 to index
        %get3A_620 = arith.constant 704 : index
        %get3A_621 = tpu.vector_load %arg7[%get3A_619, %get3A_620] {strides = array<i32>} : memref<1x1024xf32, #tpu.memory_space<vmem>>, vector<1x16xf32>,
        %get3A_622 = vector.shape_cast %get3A_621 : vector<1x16xf32> to vector<16xf32>
        %add3A_623 = arith.addf %get3A_617, %get3A_622 : vector<16xf32>
        %add3A_624 = arith.addf %add3A_611, %add3A_623 : vector<16xf32>
        %mul3A_625 = arith.mulf %add3A_623, %add3A_623 : vector<16xf32>
        %add3A_626 = arith.addf %add3A_613, %mul3A_625 : vector<16xf32>
        %get3A_627 = arith.index_cast %scan3A_38 : i32 to index
        %get3A_628 = arith.constant 720 : index
        %get3A_629 = tpu.vector_load %arg10[%get3A_627, %get3A_628] {strides = array<i32>} : memref<16x1024xf32, #tpu.memory_space<vmem>>, vector<1x16xf32>,
        %get3A_630 = vector.shape_cast %get3A_629 : vector<1x16xf32> to vector<16xf32>
        %get3A_631 = arith.constant 0 : i32
        %get3A_632 = arith.index_cast %get3A_631 : i32 to index
        %get3A_633 = arith.constant 720 : index
        %get3A_634 = tpu.vector_load %arg7[%get3A_632, %get3A_633] {strides = array<i32>} : memref<1x1024xf32, #tpu.memory_space<vmem>>, vector<1x16xf32>,
        %get3A_635 = vector.shape_cast %get3A_634 : vector<1x16xf32> to vector<16xf32>
        %add3A_636 = arith.addf %get3A_630, %get3A_635 : vector<16xf32>
        %add3A_637 = arith.addf %add3A_624, %add3A_636 : vector<16xf32>
        %mul3A_638 = arith.mulf %add3A_636, %add3A_636 : vector<16xf32>
        %add3A_639 = arith.addf %add3A_626, %mul3A_638 : vector<16xf32>
        %get3A_640 = arith.index_cast %scan3A_38 : i32 to index
        %get3A_641 = arith.constant 736 : index
        %get3A_642 = tpu.vector_load %arg10[%get3A_640, %get3A_641] {strides = array<i32>} : memref<16x1024xf32, #tpu.memory_space<vmem>>, vector<1x16xf32>,
        %get3A_643 = vector.shape_cast %get3A_642 : vector<1x16xf32> to vector<16xf32>
        %get3A_644 = arith.constant 0 : i32
        %get3A_645 = arith.index_cast %get3A_644 : i32 to index
        %get3A_646 = arith.constant 736 : index
        %get3A_647 = tpu.vector_load %arg7[%get3A_645, %get3A_646] {strides = array<i32>} : memref<1x1024xf32, #tpu.memory_space<vmem>>, vector<1x16xf32>,
        %get3A_648 = vector.shape_cast %get3A_647 : vector<1x16xf32> to vector<16xf32>
        %add3A_649 = arith.addf %get3A_643, %get3A_648 : vector<16xf32>
        %add3A_650 = arith.addf %add3A_637, %add3A_649 : vector<16xf32>
        %mul3A_651 = arith.mulf %add3A_649, %add3A_649 : vector<16xf32>
        %add3A_652 = arith.addf %add3A_639, %mul3A_651 : vector<16xf32>
        %get3A_653 = arith.index_cast %scan3A_38 : i32 to index
        %get3A_654 = arith.constant 752 : index
        %get3A_655 = tpu.vector_load %arg10[%get3A_653, %get3A_654] {strides = array<i32>} : memref<16x1024xf32, #tpu.memory_space<vmem>>, vector<1x16xf32>,
        %get3A_656 = vector.shape_cast %get3A_655 : vector<1x16xf32> to vector<16xf32>
        %get3A_657 = arith.constant 0 : i32
        %get3A_658 = arith.index_cast %get3A_657 : i32 to index
        %get3A_659 = arith.constant 752 : index
        %get3A_660 = tpu.vector_load %arg7[%get3A_658, %get3A_659] {strides = array<i32>} : memref<1x1024xf32, #tpu.memory_space<vmem>>, vector<1x16xf32>,
        %get3A_661 = vector.shape_cast %get3A_660 : vector<1x16xf32> to vector<16xf32>
        %add3A_662 = arith.addf %get3A_656, %get3A_661 : vector<16xf32>
        %add3A_663 = arith.addf %add3A_650, %add3A_662 : vector<16xf32>
        %mul3A_664 = arith.mulf %add3A_662, %add3A_662 : vector<16xf32>
        %add3A_665 = arith.addf %add3A_652, %mul3A_664 : vector<16xf32>
        %get3A_666 = arith.index_cast %scan3A_38 : i32 to index
        %get3A_667 = arith.constant 768 : index
        %get3A_668 = tpu.vector_load %arg10[%get3A_666, %get3A_667] {strides = array<i32>} : memref<16x1024xf32, #tpu.memory_space<vmem>>, vector<1x16xf32>,
        %get3A_669 = vector.shape_cast %get3A_668 : vector<1x16xf32> to vector<16xf32>
        %get3A_670 = arith.constant 0 : i32
        %get3A_671 = arith.index_cast %get3A_670 : i32 to index
        %get3A_672 = arith.constant 768 : index
        %get3A_673 = tpu.vector_load %arg7[%get3A_671, %get3A_672] {strides = array<i32>} : memref<1x1024xf32, #tpu.memory_space<vmem>>, vector<1x16xf32>,
        %get3A_674 = vector.shape_cast %get3A_673 : vector<1x16xf32> to vector<16xf32>
        %add3A_675 = arith.addf %get3A_669, %get3A_674 : vector<16xf32>
        %add3A_676 = arith.addf %add3A_663, %add3A_675 : vector<16xf32>
        %mul3A_677 = arith.mulf %add3A_675, %add3A_675 : vector<16xf32>
        %add3A_678 = arith.addf %add3A_665, %mul3A_677 : vector<16xf32>
        %get3A_679 = arith.index_cast %scan3A_38 : i32 to index
        %get3A_680 = arith.constant 784 : index
        %get3A_681 = tpu.vector_load %arg10[%get3A_679, %get3A_680] {strides = array<i32>} : memref<16x1024xf32, #tpu.memory_space<vmem>>, vector<1x16xf32>,
        %get3A_682 = vector.shape_cast %get3A_681 : vector<1x16xf32> to vector<16xf32>
        %get3A_683 = arith.constant 0 : i32
        %get3A_684 = arith.index_cast %get3A_683 : i32 to index
        %get3A_685 = arith.constant 784 : index
        %get3A_686 = tpu.vector_load %arg7[%get3A_684, %get3A_685] {strides = array<i32>} : memref<1x1024xf32, #tpu.memory_space<vmem>>, vector<1x16xf32>,
        %get3A_687 = vector.shape_cast %get3A_686 : vector<1x16xf32> to vector<16xf32>
        %add3A_688 = arith.addf %get3A_682, %get3A_687 : vector<16xf32>
        %add3A_689 = arith.addf %add3A_676, %add3A_688 : vector<16xf32>
        %mul3A_690 = arith.mulf %add3A_688, %add3A_688 : vector<16xf32>
        %add3A_691 = arith.addf %add3A_678, %mul3A_690 : vector<16xf32>
        %get3A_692 = arith.index_cast %scan3A_38 : i32 to index
        %get3A_693 = arith.constant 800 : index
        %get3A_694 = tpu.vector_load %arg10[%get3A_692, %get3A_693] {strides = array<i32>} : memref<16x1024xf32, #tpu.memory_space<vmem>>, vector<1x16xf32>,
        %get3A_695 = vector.shape_cast %get3A_694 : vector<1x16xf32> to vector<16xf32>
        %get3A_696 = arith.constant 0 : i32
        %get3A_697 = arith.index_cast %get3A_696 : i32 to index
        %get3A_698 = arith.constant 800 : index
        %get3A_699 = tpu.vector_load %arg7[%get3A_697, %get3A_698] {strides = array<i32>} : memref<1x1024xf32, #tpu.memory_space<vmem>>, vector<1x16xf32>,
        %get3A_700 = vector.shape_cast %get3A_699 : vector<1x16xf32> to vector<16xf32>
        %add3A_701 = arith.addf %get3A_695, %get3A_700 : vector<16xf32>
        %add3A_702 = arith.addf %add3A_689, %add3A_701 : vector<16xf32>
        %mul3A_703 = arith.mulf %add3A_701, %add3A_701 : vector<16xf32>
        %add3A_704 = arith.addf %add3A_691, %mul3A_703 : vector<16xf32>
        %get3A_705 = arith.index_cast %scan3A_38 : i32 to index
        %get3A_706 = arith.constant 816 : index
        %get3A_707 = tpu.vector_load %arg10[%get3A_705, %get3A_706] {strides = array<i32>} : memref<16x1024xf32, #tpu.memory_space<vmem>>, vector<1x16xf32>,
        %get3A_708 = vector.shape_cast %get3A_707 : vector<1x16xf32> to vector<16xf32>
        %get3A_709 = arith.constant 0 : i32
        %get3A_710 = arith.index_cast %get3A_709 : i32 to index
        %get3A_711 = arith.constant 816 : index
        %get3A_712 = tpu.vector_load %arg7[%get3A_710, %get3A_711] {strides = array<i32>} : memref<1x1024xf32, #tpu.memory_space<vmem>>, vector<1x16xf32>,
        %get3A_713 = vector.shape_cast %get3A_712 : vector<1x16xf32> to vector<16xf32>
        %add3A_714 = arith.addf %get3A_708, %get3A_713 : vector<16xf32>
        %add3A_715 = arith.addf %add3A_702, %add3A_714 : vector<16xf32>
        %mul3A_716 = arith.mulf %add3A_714, %add3A_714 : vector<16xf32>
        %add3A_717 = arith.addf %add3A_704, %mul3A_716 : vector<16xf32>
        %get3A_718 = arith.index_cast %scan3A_38 : i32 to index
        %get3A_719 = arith.constant 832 : index
        %get3A_720 = tpu.vector_load %arg10[%get3A_718, %get3A_719] {strides = array<i32>} : memref<16x1024xf32, #tpu.memory_space<vmem>>, vector<1x16xf32>,
        %get3A_721 = vector.shape_cast %get3A_720 : vector<1x16xf32> to vector<16xf32>
        %get3A_722 = arith.constant 0 : i32
        %get3A_723 = arith.index_cast %get3A_722 : i32 to index
        %get3A_724 = arith.constant 832 : index
        %get3A_725 = tpu.vector_load %arg7[%get3A_723, %get3A_724] {strides = array<i32>} : memref<1x1024xf32, #tpu.memory_space<vmem>>, vector<1x16xf32>,
        %get3A_726 = vector.shape_cast %get3A_725 : vector<1x16xf32> to vector<16xf32>
        %add3A_727 = arith.addf %get3A_721, %get3A_726 : vector<16xf32>
        %add3A_728 = arith.addf %add3A_715, %add3A_727 : vector<16xf32>
        %mul3A_729 = arith.mulf %add3A_727, %add3A_727 : vector<16xf32>
        %add3A_730 = arith.addf %add3A_717, %mul3A_729 : vector<16xf32>
        %get3A_731 = arith.index_cast %scan3A_38 : i32 to index
        %get3A_732 = arith.constant 848 : index
        %get3A_733 = tpu.vector_load %arg10[%get3A_731, %get3A_732] {strides = array<i32>} : memref<16x1024xf32, #tpu.memory_space<vmem>>, vector<1x16xf32>,
        %get3A_734 = vector.shape_cast %get3A_733 : vector<1x16xf32> to vector<16xf32>
        %get3A_735 = arith.constant 0 : i32
        %get3A_736 = arith.index_cast %get3A_735 : i32 to index
        %get3A_737 = arith.constant 848 : index
        %get3A_738 = tpu.vector_load %arg7[%get3A_736, %get3A_737] {strides = array<i32>} : memref<1x1024xf32, #tpu.memory_space<vmem>>, vector<1x16xf32>,
        %get3A_739 = vector.shape_cast %get3A_738 : vector<1x16xf32> to vector<16xf32>
        %add3A_740 = arith.addf %get3A_734, %get3A_739 : vector<16xf32>
        %add3A_741 = arith.addf %add3A_728, %add3A_740 : vector<16xf32>
        %mul3A_742 = arith.mulf %add3A_740, %add3A_740 : vector<16xf32>
        %add3A_743 = arith.addf %add3A_730, %mul3A_742 : vector<16xf32>
        %get3A_744 = arith.index_cast %scan3A_38 : i32 to index
        %get3A_745 = arith.constant 864 : index
        %get3A_746 = tpu.vector_load %arg10[%get3A_744, %get3A_745] {strides = array<i32>} : memref<16x1024xf32, #tpu.memory_space<vmem>>, vector<1x16xf32>,
        %get3A_747 = vector.shape_cast %get3A_746 : vector<1x16xf32> to vector<16xf32>
        %get3A_748 = arith.constant 0 : i32
        %get3A_749 = arith.index_cast %get3A_748 : i32 to index
        %get3A_750 = arith.constant 864 : index
        %get3A_751 = tpu.vector_load %arg7[%get3A_749, %get3A_750] {strides = array<i32>} : memref<1x1024xf32, #tpu.memory_space<vmem>>, vector<1x16xf32>,
        %get3A_752 = vector.shape_cast %get3A_751 : vector<1x16xf32> to vector<16xf32>
        %add3A_753 = arith.addf %get3A_747, %get3A_752 : vector<16xf32>
        %add3A_754 = arith.addf %add3A_741, %add3A_753 : vector<16xf32>
        %mul3A_755 = arith.mulf %add3A_753, %add3A_753 : vector<16xf32>
        %add3A_756 = arith.addf %add3A_743, %mul3A_755 : vector<16xf32>
        %get3A_757 = arith.index_cast %scan3A_38 : i32 to index
        %get3A_758 = arith.constant 880 : index
        %get3A_759 = tpu.vector_load %arg10[%get3A_757, %get3A_758] {strides = array<i32>} : memref<16x1024xf32, #tpu.memory_space<vmem>>, vector<1x16xf32>,
        %get3A_760 = vector.shape_cast %get3A_759 : vector<1x16xf32> to vector<16xf32>
        %get3A_761 = arith.constant 0 : i32
        %get3A_762 = arith.index_cast %get3A_761 : i32 to index
        %get3A_763 = arith.constant 880 : index
        %get3A_764 = tpu.vector_load %arg7[%get3A_762, %get3A_763] {strides = array<i32>} : memref<1x1024xf32, #tpu.memory_space<vmem>>, vector<1x16xf32>,
        %get3A_765 = vector.shape_cast %get3A_764 : vector<1x16xf32> to vector<16xf32>
        %add3A_766 = arith.addf %get3A_760, %get3A_765 : vector<16xf32>
        %add3A_767 = arith.addf %add3A_754, %add3A_766 : vector<16xf32>
        %mul3A_768 = arith.mulf %add3A_766, %add3A_766 : vector<16xf32>
        %add3A_769 = arith.addf %add3A_756, %mul3A_768 : vector<16xf32>
        %get3A_770 = arith.index_cast %scan3A_38 : i32 to index
        %get3A_771 = arith.constant 896 : index
        %get3A_772 = tpu.vector_load %arg10[%get3A_770, %get3A_771] {strides = array<i32>} : memref<16x1024xf32, #tpu.memory_space<vmem>>, vector<1x16xf32>,
        %get3A_773 = vector.shape_cast %get3A_772 : vector<1x16xf32> to vector<16xf32>
        %get3A_774 = arith.constant 0 : i32
        %get3A_775 = arith.index_cast %get3A_774 : i32 to index
        %get3A_776 = arith.constant 896 : index
        %get3A_777 = tpu.vector_load %arg7[%get3A_775, %get3A_776] {strides = array<i32>} : memref<1x1024xf32, #tpu.memory_space<vmem>>, vector<1x16xf32>,
        %get3A_778 = vector.shape_cast %get3A_777 : vector<1x16xf32> to vector<16xf32>
        %add3A_779 = arith.addf %get3A_773, %get3A_778 : vector<16xf32>
        %add3A_780 = arith.addf %add3A_767, %add3A_779 : vector<16xf32>
        %mul3A_781 = arith.mulf %add3A_779, %add3A_779 : vector<16xf32>
        %add3A_782 = arith.addf %add3A_769, %mul3A_781 : vector<16xf32>
        %get3A_783 = arith.index_cast %scan3A_38 : i32 to index
        %get3A_784 = arith.constant 912 : index
        %get3A_785 = tpu.vector_load %arg10[%get3A_783, %get3A_784] {strides = array<i32>} : memref<16x1024xf32, #tpu.memory_space<vmem>>, vector<1x16xf32>,
        %get3A_786 = vector.shape_cast %get3A_785 : vector<1x16xf32> to vector<16xf32>
        %get3A_787 = arith.constant 0 : i32
        %get3A_788 = arith.index_cast %get3A_787 : i32 to index
        %get3A_789 = arith.constant 912 : index
        %get3A_790 = tpu.vector_load %arg7[%get3A_788, %get3A_789] {strides = array<i32>} : memref<1x1024xf32, #tpu.memory_space<vmem>>, vector<1x16xf32>,
        %get3A_791 = vector.shape_cast %get3A_790 : vector<1x16xf32> to vector<16xf32>
        %add3A_792 = arith.addf %get3A_786, %get3A_791 : vector<16xf32>
        %add3A_793 = arith.addf %add3A_780, %add3A_792 : vector<16xf32>
        %mul3A_794 = arith.mulf %add3A_792, %add3A_792 : vector<16xf32>
        %add3A_795 = arith.addf %add3A_782, %mul3A_794 : vector<16xf32>
        %get3A_796 = arith.index_cast %scan3A_38 : i32 to index
        %get3A_797 = arith.constant 928 : index
        %get3A_798 = tpu.vector_load %arg10[%get3A_796, %get3A_797] {strides = array<i32>} : memref<16x1024xf32, #tpu.memory_space<vmem>>, vector<1x16xf32>,
        %get3A_799 = vector.shape_cast %get3A_798 : vector<1x16xf32> to vector<16xf32>
        %get3A_800 = arith.constant 0 : i32
        %get3A_801 = arith.index_cast %get3A_800 : i32 to index
        %get3A_802 = arith.constant 928 : index
        %get3A_803 = tpu.vector_load %arg7[%get3A_801, %get3A_802] {strides = array<i32>} : memref<1x1024xf32, #tpu.memory_space<vmem>>, vector<1x16xf32>,
        %get3A_804 = vector.shape_cast %get3A_803 : vector<1x16xf32> to vector<16xf32>
        %add3A_805 = arith.addf %get3A_799, %get3A_804 : vector<16xf32>
        %add3A_806 = arith.addf %add3A_793, %add3A_805 : vector<16xf32>
        %mul3A_807 = arith.mulf %add3A_805, %add3A_805 : vector<16xf32>
        %add3A_808 = arith.addf %add3A_795, %mul3A_807 : vector<16xf32>
        %get3A_809 = arith.index_cast %scan3A_38 : i32 to index
        %get3A_810 = arith.constant 944 : index
        %get3A_811 = tpu.vector_load %arg10[%get3A_809, %get3A_810] {strides = array<i32>} : memref<16x1024xf32, #tpu.memory_space<vmem>>, vector<1x16xf32>,
        %get3A_812 = vector.shape_cast %get3A_811 : vector<1x16xf32> to vector<16xf32>
        %get3A_813 = arith.constant 0 : i32
        %get3A_814 = arith.index_cast %get3A_813 : i32 to index
        %get3A_815 = arith.constant 944 : index
        %get3A_816 = tpu.vector_load %arg7[%get3A_814, %get3A_815] {strides = array<i32>} : memref<1x1024xf32, #tpu.memory_space<vmem>>, vector<1x16xf32>,
        %get3A_817 = vector.shape_cast %get3A_816 : vector<1x16xf32> to vector<16xf32>
        %add3A_818 = arith.addf %get3A_812, %get3A_817 : vector<16xf32>
        %add3A_819 = arith.addf %add3A_806, %add3A_818 : vector<16xf32>
        %mul3A_820 = arith.mulf %add3A_818, %add3A_818 : vector<16xf32>
        %add3A_821 = arith.addf %add3A_808, %mul3A_820 : vector<16xf32>
        %get3A_822 = arith.index_cast %scan3A_38 : i32 to index
        %get3A_823 = arith.constant 960 : index
        %get3A_824 = tpu.vector_load %arg10[%get3A_822, %get3A_823] {strides = array<i32>} : memref<16x1024xf32, #tpu.memory_space<vmem>>, vector<1x16xf32>,
        %get3A_825 = vector.shape_cast %get3A_824 : vector<1x16xf32> to vector<16xf32>
        %get3A_826 = arith.constant 0 : i32
        %get3A_827 = arith.index_cast %get3A_826 : i32 to index
        %get3A_828 = arith.constant 960 : index
        %get3A_829 = tpu.vector_load %arg7[%get3A_827, %get3A_828] {strides = array<i32>} : memref<1x1024xf32, #tpu.memory_space<vmem>>, vector<1x16xf32>,
        %get3A_830 = vector.shape_cast %get3A_829 : vector<1x16xf32> to vector<16xf32>
        %add3A_831 = arith.addf %get3A_825, %get3A_830 : vector<16xf32>
        %add3A_832 = arith.addf %add3A_819, %add3A_831 : vector<16xf32>
        %mul3A_833 = arith.mulf %add3A_831, %add3A_831 : vector<16xf32>
        %add3A_834 = arith.addf %add3A_821, %mul3A_833 : vector<16xf32>
        %get3A_835 = arith.index_cast %scan3A_38 : i32 to index
        %get3A_836 = arith.constant 976 : index
        %get3A_837 = tpu.vector_load %arg10[%get3A_835, %get3A_836] {strides = array<i32>} : memref<16x1024xf32, #tpu.memory_space<vmem>>, vector<1x16xf32>,
        %get3A_838 = vector.shape_cast %get3A_837 : vector<1x16xf32> to vector<16xf32>
        %get3A_839 = arith.constant 0 : i32
        %get3A_840 = arith.index_cast %get3A_839 : i32 to index
        %get3A_841 = arith.constant 976 : index
        %get3A_842 = tpu.vector_load %arg7[%get3A_840, %get3A_841] {strides = array<i32>} : memref<1x1024xf32, #tpu.memory_space<vmem>>, vector<1x16xf32>,
        %get3A_843 = vector.shape_cast %get3A_842 : vector<1x16xf32> to vector<16xf32>
        %add3A_844 = arith.addf %get3A_838, %get3A_843 : vector<16xf32>
        %add3A_845 = arith.addf %add3A_832, %add3A_844 : vector<16xf32>
        %mul3A_846 = arith.mulf %add3A_844, %add3A_844 : vector<16xf32>
        %add3A_847 = arith.addf %add3A_834, %mul3A_846 : vector<16xf32>
        %get3A_848 = arith.index_cast %scan3A_38 : i32 to index
        %get3A_849 = arith.constant 992 : index
        %get3A_850 = tpu.vector_load %arg10[%get3A_848, %get3A_849] {strides = array<i32>} : memref<16x1024xf32, #tpu.memory_space<vmem>>, vector<1x16xf32>,
        %get3A_851 = vector.shape_cast %get3A_850 : vector<1x16xf32> to vector<16xf32>
        %get3A_852 = arith.constant 0 : i32
        %get3A_853 = arith.index_cast %get3A_852 : i32 to index
        %get3A_854 = arith.constant 992 : index
        %get3A_855 = tpu.vector_load %arg7[%get3A_853, %get3A_854] {strides = array<i32>} : memref<1x1024xf32, #tpu.memory_space<vmem>>, vector<1x16xf32>,
        %get3A_856 = vector.shape_cast %get3A_855 : vector<1x16xf32> to vector<16xf32>
        %add3A_857 = arith.addf %get3A_851, %get3A_856 : vector<16xf32>
        %add3A_858 = arith.addf %add3A_845, %add3A_857 : vector<16xf32>
        %mul3A_859 = arith.mulf %add3A_857, %add3A_857 : vector<16xf32>
        %add3A_860 = arith.addf %add3A_847, %mul3A_859 : vector<16xf32>
        %get3A_861 = arith.index_cast %scan3A_38 : i32 to index
        %get3A_862 = arith.constant 1008 : index
        %get3A_863 = tpu.vector_load %arg10[%get3A_861, %get3A_862] {strides = array<i32>} : memref<16x1024xf32, #tpu.memory_space<vmem>>, vector<1x16xf32>,
        %get3A_864 = vector.shape_cast %get3A_863 : vector<1x16xf32> to vector<16xf32>
        %get3A_865 = arith.constant 0 : i32
        %get3A_866 = arith.index_cast %get3A_865 : i32 to index
        %get3A_867 = arith.constant 1008 : index
        %get3A_868 = tpu.vector_load %arg7[%get3A_866, %get3A_867] {strides = array<i32>} : memref<1x1024xf32, #tpu.memory_space<vmem>>, vector<1x16xf32>,
        %get3A_869 = vector.shape_cast %get3A_868 : vector<1x16xf32> to vector<16xf32>
        %add3A_870 = arith.addf %get3A_864, %get3A_869 : vector<16xf32>
        %add3A_871 = arith.addf %add3A_858, %add3A_870 : vector<16xf32>
        %mul3A_872 = arith.mulf %add3A_870, %add3A_870 : vector<16xf32>
        %add3A_873 = arith.addf %add3A_860, %mul3A_872 : vector<16xf32>
        %iota3A = tpu.iota {dimensions = array<i32: 0>} : vector<16xi32>
        %xor3A = arith.constant 8 : i32
        %xor3A_874 = vector.broadcast %xor3A : i32 to vector<16xi32>
        %xor3A_875 = arith.xori %iota3A, %xor3A_874 : vector<16xi32>
        %broadcast_in_dim3A_876 = vector.shape_cast %xor3A_875 : vector<16xi32> to vector<16x1xi32>
        %gather3A = vector.shape_cast %broadcast_in_dim3A_876 : vector<16x1xi32> to vector<16xi32>
        %gather3A_877 = tpu.dynamic_gather %add3A_871[%gather3A] in [0] : vector<16xf32>, vector<16xi32> -> vector<16xf32>
        %add3A_878 = arith.addf %add3A_871, %gather3A_877 : vector<16xf32>
        %xor3A_879 = arith.constant 4 : i32
        %xor3A_880 = vector.broadcast %xor3A_879 : i32 to vector<16xi32>
        %xor3A_881 = arith.xori %iota3A, %xor3A_880 : vector<16xi32>
        %broadcast_in_dim3A_882 = vector.shape_cast %xor3A_881 : vector<16xi32> to vector<16x1xi32>
        %gather3A_883 = vector.shape_cast %broadcast_in_dim3A_882 : vector<16x1xi32> to vector<16xi32>
        %gather3A_884 = tpu.dynamic_gather %add3A_878[%gather3A_883] in [0] : vector<16xf32>, vector<16xi32> -> vector<16xf32>
        %add3A_885 = arith.addf %add3A_878, %gather3A_884 : vector<16xf32>
        %xor3A_886 = arith.constant 2 : i32
        %xor3A_887 = vector.broadcast %xor3A_886 : i32 to vector<16xi32>
        %xor3A_888 = arith.xori %iota3A, %xor3A_887 : vector<16xi32>
        %broadcast_in_dim3A_889 = vector.shape_cast %xor3A_888 : vector<16xi32> to vector<16x1xi32>
        %gather3A_890 = vector.shape_cast %broadcast_in_dim3A_889 : vector<16x1xi32> to vector<16xi32>
        %gather3A_891 = tpu.dynamic_gather %add3A_885[%gather3A_890] in [0] : vector<16xf32>, vector<16xi32> -> vector<16xf32>
        %add3A_892 = arith.addf %add3A_885, %gather3A_891 : vector<16xf32>
        %xor3A_893 = arith.constant 1 : i32
        %xor3A_894 = vector.broadcast %xor3A_893 : i32 to vector<16xi32>
        %xor3A_895 = arith.xori %iota3A, %xor3A_894 : vector<16xi32>
        %broadcast_in_dim3A_896 = vector.shape_cast %xor3A_895 : vector<16xi32> to vector<16x1xi32>
        %gather3A_897 = vector.shape_cast %broadcast_in_dim3A_896 : vector<16x1xi32> to vector<16xi32>
        %gather3A_898 = tpu.dynamic_gather %add3A_892[%gather3A_897] in [0] : vector<16xf32>, vector<16xi32> -> vector<16xf32>
        %add3A_899 = arith.addf %add3A_892, %gather3A_898 : vector<16xf32>
        %mul3A_900 = arith.constant 9.765625E-4 : f32
        %mul3A_901 = vector.broadcast %mul3A_900 : f32 to vector<16xf32>
        %mul3A_902 = arith.mulf %add3A_899, %mul3A_901 : vector<16xf32>
        %iota3A_903 = tpu.iota {dimensions = array<i32: 0>} : vector<16xi32>
        %xor3A_904 = arith.constant 8 : i32
        %xor3A_905 = vector.broadcast %xor3A_904 : i32 to vector<16xi32>
        %xor3A_906 = arith.xori %iota3A_903, %xor3A_905 : vector<16xi32>
        %broadcast_in_dim3A_907 = vector.shape_cast %xor3A_906 : vector<16xi32> to vector<16x1xi32>
        %gather3A_908 = vector.shape_cast %broadcast_in_dim3A_907 : vector<16x1xi32> to vector<16xi32>
        %gather3A_909 = tpu.dynamic_gather %add3A_873[%gather3A_908] in [0] : vector<16xf32>, vector<16xi32> -> vector<16xf32>
        %add3A_910 = arith.addf %add3A_873, %gather3A_909 : vector<16xf32>
        %xor3A_911 = arith.constant 4 : i32
        %xor3A_912 = vector.broadcast %xor3A_911 : i32 to vector<16xi32>
        %xor3A_913 = arith.xori %iota3A_903, %xor3A_912 : vector<16xi32>
        %broadcast_in_dim3A_914 = vector.shape_cast %xor3A_913 : vector<16xi32> to vector<16x1xi32>
        %gather3A_915 = vector.shape_cast %broadcast_in_dim3A_914 : vector<16x1xi32> to vector<16xi32>
        %gather3A_916 = tpu.dynamic_gather %add3A_910[%gather3A_915] in [0] : vector<16xf32>, vector<16xi32> -> vector<16xf32>
        %add3A_917 = arith.addf %add3A_910, %gather3A_916 : vector<16xf32>
        %xor3A_918 = arith.constant 2 : i32
        %xor3A_919 = vector.broadcast %xor3A_918 : i32 to vector<16xi32>
        %xor3A_920 = arith.xori %iota3A_903, %xor3A_919 : vector<16xi32>
        %broadcast_in_dim3A_921 = vector.shape_cast %xor3A_920 : vector<16xi32> to vector<16x1xi32>
        %gather3A_922 = vector.shape_cast %broadcast_in_dim3A_921 : vector<16x1xi32> to vector<16xi32>
        %gather3A_923 = tpu.dynamic_gather %add3A_917[%gather3A_922] in [0] : vector<16xf32>, vector<16xi32> -> vector<16xf32>
        %add3A_924 = arith.addf %add3A_917, %gather3A_923 : vector<16xf32>
        %xor3A_925 = arith.constant 1 : i32
        %xor3A_926 = vector.broadcast %xor3A_925 : i32 to vector<16xi32>
        %xor3A_927 = arith.xori %iota3A_903, %xor3A_926 : vector<16xi32>
        %broadcast_in_dim3A_928 = vector.shape_cast %xor3A_927 : vector<16xi32> to vector<16x1xi32>
        %gather3A_929 = vector.shape_cast %broadcast_in_dim3A_928 : vector<16x1xi32> to vector<16xi32>
        %gather3A_930 = tpu.dynamic_gather %add3A_924[%gather3A_929] in [0] : vector<16xf32>, vector<16xi32> -> vector<16xf32>
        %add3A_931 = arith.addf %add3A_924, %gather3A_930 : vector<16xf32>
        %mul3A_932 = arith.constant 9.765625E-4 : f32
        %mul3A_933 = vector.broadcast %mul3A_932 : f32 to vector<16xf32>
        %mul3A_934 = arith.mulf %add3A_931, %mul3A_933 : vector<16xf32>
        %mul3A_935 = arith.mulf %mul3A_902, %mul3A_902 : vector<16xf32>
        %sub3A_936 = arith.subf %mul3A_934, %mul3A_935 : vector<16xf32>
        %max3A = arith.constant 0.000000e+00 : f32
        %max3A_937 = vector.broadcast %max3A : f32 to vector<16xf32>
        %max3A_938 = arith.maximumf %sub3A_936, %max3A_937 : vector<16xf32>
        %add3A_939 = arith.constant 9.99999971E-10 : f32
        %add3A_940 = vector.broadcast %add3A_939 : f32 to vector<16xf32>
        %add3A_941 = arith.addf %max3A_938, %add3A_940 : vector<16xf32>
        %bitcast_convert_type3A = tpu.bitcast %add3A_941 : vector<16xf32> -> vector<16xi32>
        %shift_right_arithmetic3A = arith.constant 1 : i32
        %shift_right_arithmetic3A_942 = vector.broadcast %shift_right_arithmetic3A : i32 to vector<16xi32>
        %shift_right_arithmetic3A_943 = arith.shrsi %bitcast_convert_type3A, %shift_right_arithmetic3A_942 : vector<16xi32>
        %sub3A_944 = arith.constant 1597463007 : i32
        %sub3A_945 = vector.broadcast %sub3A_944 : i32 to vector<16xi32>
        %sub3A_946 = arith.subi %sub3A_945, %shift_right_arithmetic3A_943 : vector<16xi32>
        %bitcast_convert_type3A_947 = tpu.bitcast %sub3A_946 : vector<16xi32> -> vector<16xf32>
        %mul3A_948 = arith.constant 5.000000e-01 : f32
        %mul3A_949 = vector.broadcast %mul3A_948 : f32 to vector<16xf32>
        %mul3A_950 = arith.mulf %add3A_941, %mul3A_949 : vector<16xf32>
        %mul3A_951 = arith.mulf %mul3A_950, %bitcast_convert_type3A_947 : vector<16xf32>
        %mul3A_952 = arith.mulf %mul3A_951, %bitcast_convert_type3A_947 : vector<16xf32>
        %sub3A_953 = arith.constant 1.500000e+00 : f32
        %sub3A_954 = vector.broadcast %sub3A_953 : f32 to vector<16xf32>
        %sub3A_955 = arith.subf %sub3A_954, %mul3A_952 : vector<16xf32>
        %mul3A_956 = arith.mulf %bitcast_convert_type3A_947, %sub3A_955 : vector<16xf32>
        %mul3A_957 = arith.mulf %mul3A_950, %mul3A_956 : vector<16xf32>
        %mul3A_958 = arith.mulf %mul3A_957, %mul3A_956 : vector<16xf32>
        %sub3A_959 = arith.constant 1.500000e+00 : f32
        %sub3A_960 = vector.broadcast %sub3A_959 : f32 to vector<16xf32>
        %sub3A_961 = arith.subf %sub3A_960, %mul3A_958 : vector<16xf32>
        %mul3A_962 = arith.mulf %mul3A_956, %sub3A_961 : vector<16xf32>
        %mul3A_963 = arith.mulf %mul3A_950, %mul3A_962 : vector<16xf32>
        %mul3A_964 = arith.mulf %mul3A_963, %mul3A_962 : vector<16xf32>
        %sub3A_965 = arith.constant 1.500000e+00 : f32
        %sub3A_966 = vector.broadcast %sub3A_965 : f32 to vector<16xf32>
        %sub3A_967 = arith.subf %sub3A_966, %mul3A_964 : vector<16xf32>
        %mul3A_968 = arith.mulf %mul3A_962, %sub3A_967 : vector<16xf32>
        %get3A_969 = arith.index_cast %scan3A_38 : i32 to index
        %get3A_970 = arith.constant 0 : index
        %get3A_971 = tpu.vector_load %arg10[%get3A_969, %get3A_970] {strides = array<i32>} : memref<16x1024xf32, #tpu.memory_space<vmem>>, vector<1x16xf32>,
        %get3A_972 = vector.shape_cast %get3A_971 : vector<1x16xf32> to vector<16xf32>
        %get3A_973 = arith.constant 0 : i32
        %get3A_974 = arith.index_cast %get3A_973 : i32 to index
        %get3A_975 = arith.constant 0 : index
        %get3A_976 = tpu.vector_load %arg7[%get3A_974, %get3A_975] {strides = array<i32>} : memref<1x1024xf32, #tpu.memory_space<vmem>>, vector<1x16xf32>,
        %get3A_977 = vector.shape_cast %get3A_976 : vector<1x16xf32> to vector<16xf32>
        %add3A_978 = arith.addf %get3A_972, %get3A_977 : vector<16xf32>
        %get3A_979 = arith.constant 0 : index
        %get3A_980 = tpu.vector_load %arg8[%get3A_979] {strides = array<i32>} : memref<1024xf32, #tpu.memory_space<vmem>>, vector<16xf32>,
        %get3A_981 = vector.shape_cast %get3A_980 : vector<16xf32> to vector<16xf32>
        %get3A_982 = arith.constant 0 : index
        %get3A_983 = tpu.vector_load %arg9[%get3A_982] {strides = array<i32>} : memref<1024xf32, #tpu.memory_space<vmem>>, vector<16xf32>,
        %get3A_984 = vector.shape_cast %get3A_983 : vector<16xf32> to vector<16xf32>
        %sub3A_985 = arith.subf %add3A_978, %mul3A_902 : vector<16xf32>
        %mul3A_986 = arith.mulf %sub3A_985, %mul3A_968 : vector<16xf32>
        %mul3A_987 = arith.mulf %mul3A_986, %get3A_981 : vector<16xf32>
        %add3A_988 = arith.addf %mul3A_987, %get3A_984 : vector<16xf32>
        %swap3A = arith.index_cast %scan3A_38 : i32 to index
        %swap3A_989 = arith.constant 0 : index
        %swap3A_990 = tpu.vector_load %arg10[%swap3A, %swap3A_989] {strides = array<i32>} : memref<16x1024xf32, #tpu.memory_space<vmem>>, vector<1x16xf32>,
        %swap3A_991 = vector.shape_cast %swap3A_990 : vector<1x16xf32> to vector<16xf32>
        %swap3A_992 = vector.shape_cast %add3A_988 : vector<16xf32> to vector<1x16xf32>
        tpu.vector_store %arg10[%swap3A, %swap3A_989], %swap3A_992 {strides = array<i32>} : memref<16x1024xf32, #tpu.memory_space<vmem>>, vector<1x16xf32>,
        %get3A_993 = arith.index_cast %scan3A_38 : i32 to index
        %get3A_994 = arith.constant 16 : index
        %get3A_995 = tpu.vector_load %arg10[%get3A_993, %get3A_994] {strides = array<i32>} : memref<16x1024xf32, #tpu.memory_space<vmem>>, vector<1x16xf32>,
        %get3A_996 = vector.shape_cast %get3A_995 : vector<1x16xf32> to vector<16xf32>
        %get3A_997 = arith.constant 0 : i32
        %get3A_998 = arith.index_cast %get3A_997 : i32 to index
        %get3A_999 = arith.constant 16 : index
        %get3A_1000 = tpu.vector_load %arg7[%get3A_998, %get3A_999] {strides = array<i32>} : memref<1x1024xf32, #tpu.memory_space<vmem>>, vector<1x16xf32>,
        %get3A_1001 = vector.shape_cast %get3A_1000 : vector<1x16xf32> to vector<16xf32>
        %add3A_1002 = arith.addf %get3A_996, %get3A_1001 : vector<16xf32>
        %get3A_1003 = arith.constant 16 : index
        %get3A_1004 = tpu.vector_load %arg8[%get3A_1003] {strides = array<i32>} : memref<1024xf32, #tpu.memory_space<vmem>>, vector<16xf32>,
        %get3A_1005 = vector.shape_cast %get3A_1004 : vector<16xf32> to vector<16xf32>
        %get3A_1006 = arith.constant 16 : index
        %get3A_1007 = tpu.vector_load %arg9[%get3A_1006] {strides = array<i32>} : memref<1024xf32, #tpu.memory_space<vmem>>, vector<16xf32>,
        %get3A_1008 = vector.shape_cast %get3A_1007 : vector<16xf32> to vector<16xf32>
        %sub3A_1009 = arith.subf %add3A_1002, %mul3A_902 : vector<16xf32>
        %mul3A_1010 = arith.mulf %sub3A_1009, %mul3A_968 : vector<16xf32>
        %mul3A_1011 = arith.mulf %mul3A_1010, %get3A_1005 : vector<16xf32>
        %add3A_1012 = arith.addf %mul3A_1011, %get3A_1008 : vector<16xf32>
        %swap3A_1013 = arith.index_cast %scan3A_38 : i32 to index
        %swap3A_1014 = arith.constant 16 : index
        %swap3A_1015 = tpu.vector_load %arg10[%swap3A_1013, %swap3A_1014] {strides = array<i32>} : memref<16x1024xf32, #tpu.memory_space<vmem>>, vector<1x16xf32>,
        %swap3A_1016 = vector.shape_cast %swap3A_1015 : vector<1x16xf32> to vector<16xf32>
        %swap3A_1017 = vector.shape_cast %add3A_1012 : vector<16xf32> to vector<1x16xf32>
        tpu.vector_store %arg10[%swap3A_1013, %swap3A_1014], %swap3A_1017 {strides = array<i32>} : memref<16x1024xf32, #tpu.memory_space<vmem>>, vector<1x16xf32>,
        %get3A_1018 = arith.index_cast %scan3A_38 : i32 to index
        %get3A_1019 = arith.constant 32 : index
        %get3A_1020 = tpu.vector_load %arg10[%get3A_1018, %get3A_1019] {strides = array<i32>} : memref<16x1024xf32, #tpu.memory_space<vmem>>, vector<1x16xf32>,
        %get3A_1021 = vector.shape_cast %get3A_1020 : vector<1x16xf32> to vector<16xf32>
        %get3A_1022 = arith.constant 0 : i32
        %get3A_1023 = arith.index_cast %get3A_1022 : i32 to index
        %get3A_1024 = arith.constant 32 : index
        %get3A_1025 = tpu.vector_load %arg7[%get3A_1023, %get3A_1024] {strides = array<i32>} : memref<1x1024xf32, #tpu.memory_space<vmem>>, vector<1x16xf32>,
        %get3A_1026 = vector.shape_cast %get3A_1025 : vector<1x16xf32> to vector<16xf32>
        %add3A_1027 = arith.addf %get3A_1021, %get3A_1026 : vector<16xf32>
        %get3A_1028 = arith.constant 32 : index
        %get3A_1029 = tpu.vector_load %arg8[%get3A_1028] {strides = array<i32>} : memref<1024xf32, #tpu.memory_space<vmem>>, vector<16xf32>,
        %get3A_1030 = vector.shape_cast %get3A_1029 : vector<16xf32> to vector<16xf32>
        %get3A_1031 = arith.constant 32 : index
        %get3A_1032 = tpu.vector_load %arg9[%get3A_1031] {strides = array<i32>} : memref<1024xf32, #tpu.memory_space<vmem>>, vector<16xf32>,
        %get3A_1033 = vector.shape_cast %get3A_1032 : vector<16xf32> to vector<16xf32>
        %sub3A_1034 = arith.subf %add3A_1027, %mul3A_902 : vector<16xf32>
        %mul3A_1035 = arith.mulf %sub3A_1034, %mul3A_968 : vector<16xf32>
        %mul3A_1036 = arith.mulf %mul3A_1035, %get3A_1030 : vector<16xf32>
        %add3A_1037 = arith.addf %mul3A_1036, %get3A_1033 : vector<16xf32>
        %swap3A_1038 = arith.index_cast %scan3A_38 : i32 to index
        %swap3A_1039 = arith.constant 32 : index
        %swap3A_1040 = tpu.vector_load %arg10[%swap3A_1038, %swap3A_1039] {strides = array<i32>} : memref<16x1024xf32, #tpu.memory_space<vmem>>, vector<1x16xf32>,
        %swap3A_1041 = vector.shape_cast %swap3A_1040 : vector<1x16xf32> to vector<16xf32>
        %swap3A_1042 = vector.shape_cast %add3A_1037 : vector<16xf32> to vector<1x16xf32>
        tpu.vector_store %arg10[%swap3A_1038, %swap3A_1039], %swap3A_1042 {strides = array<i32>} : memref<16x1024xf32, #tpu.memory_space<vmem>>, vector<1x16xf32>,
        %get3A_1043 = arith.index_cast %scan3A_38 : i32 to index
        %get3A_1044 = arith.constant 48 : index
        %get3A_1045 = tpu.vector_load %arg10[%get3A_1043, %get3A_1044] {strides = array<i32>} : memref<16x1024xf32, #tpu.memory_space<vmem>>, vector<1x16xf32>,
        %get3A_1046 = vector.shape_cast %get3A_1045 : vector<1x16xf32> to vector<16xf32>
        %get3A_1047 = arith.constant 0 : i32
        %get3A_1048 = arith.index_cast %get3A_1047 : i32 to index
        %get3A_1049 = arith.constant 48 : index
        %get3A_1050 = tpu.vector_load %arg7[%get3A_1048, %get3A_1049] {strides = array<i32>} : memref<1x1024xf32, #tpu.memory_space<vmem>>, vector<1x16xf32>,
        %get3A_1051 = vector.shape_cast %get3A_1050 : vector<1x16xf32> to vector<16xf32>
        %add3A_1052 = arith.addf %get3A_1046, %get3A_1051 : vector<16xf32>
        %get3A_1053 = arith.constant 48 : index
        %get3A_1054 = tpu.vector_load %arg8[%get3A_1053] {strides = array<i32>} : memref<1024xf32, #tpu.memory_space<vmem>>, vector<16xf32>,
        %get3A_1055 = vector.shape_cast %get3A_1054 : vector<16xf32> to vector<16xf32>
        %get3A_1056 = arith.constant 48 : index
        %get3A_1057 = tpu.vector_load %arg9[%get3A_1056] {strides = array<i32>} : memref<1024xf32, #tpu.memory_space<vmem>>, vector<16xf32>,
        %get3A_1058 = vector.shape_cast %get3A_1057 : vector<16xf32> to vector<16xf32>
        %sub3A_1059 = arith.subf %add3A_1052, %mul3A_902 : vector<16xf32>
        %mul3A_1060 = arith.mulf %sub3A_1059, %mul3A_968 : vector<16xf32>
        %mul3A_1061 = arith.mulf %mul3A_1060, %get3A_1055 : vector<16xf32>
        %add3A_1062 = arith.addf %mul3A_1061, %get3A_1058 : vector<16xf32>
        %swap3A_1063 = arith.index_cast %scan3A_38 : i32 to index
        %swap3A_1064 = arith.constant 48 : index
        %swap3A_1065 = tpu.vector_load %arg10[%swap3A_1063, %swap3A_1064] {strides = array<i32>} : memref<16x1024xf32, #tpu.memory_space<vmem>>, vector<1x16xf32>,
        %swap3A_1066 = vector.shape_cast %swap3A_1065 : vector<1x16xf32> to vector<16xf32>
        %swap3A_1067 = vector.shape_cast %add3A_1062 : vector<16xf32> to vector<1x16xf32>
        tpu.vector_store %arg10[%swap3A_1063, %swap3A_1064], %swap3A_1067 {strides = array<i32>} : memref<16x1024xf32, #tpu.memory_space<vmem>>, vector<1x16xf32>,
        %get3A_1068 = arith.index_cast %scan3A_38 : i32 to index
        %get3A_1069 = arith.constant 64 : index
        %get3A_1070 = tpu.vector_load %arg10[%get3A_1068, %get3A_1069] {strides = array<i32>} : memref<16x1024xf32, #tpu.memory_space<vmem>>, vector<1x16xf32>,
        %get3A_1071 = vector.shape_cast %get3A_1070 : vector<1x16xf32> to vector<16xf32>
        %get3A_1072 = arith.constant 0 : i32
        %get3A_1073 = arith.index_cast %get3A_1072 : i32 to index
        %get3A_1074 = arith.constant 64 : index
        %get3A_1075 = tpu.vector_load %arg7[%get3A_1073, %get3A_1074] {strides = array<i32>} : memref<1x1024xf32, #tpu.memory_space<vmem>>, vector<1x16xf32>,
        %get3A_1076 = vector.shape_cast %get3A_1075 : vector<1x16xf32> to vector<16xf32>
        %add3A_1077 = arith.addf %get3A_1071, %get3A_1076 : vector<16xf32>
        %get3A_1078 = arith.constant 64 : index
        %get3A_1079 = tpu.vector_load %arg8[%get3A_1078] {strides = array<i32>} : memref<1024xf32, #tpu.memory_space<vmem>>, vector<16xf32>,
        %get3A_1080 = vector.shape_cast %get3A_1079 : vector<16xf32> to vector<16xf32>
        %get3A_1081 = arith.constant 64 : index
        %get3A_1082 = tpu.vector_load %arg9[%get3A_1081] {strides = array<i32>} : memref<1024xf32, #tpu.memory_space<vmem>>, vector<16xf32>,
        %get3A_1083 = vector.shape_cast %get3A_1082 : vector<16xf32> to vector<16xf32>
        %sub3A_1084 = arith.subf %add3A_1077, %mul3A_902 : vector<16xf32>
        %mul3A_1085 = arith.mulf %sub3A_1084, %mul3A_968 : vector<16xf32>
        %mul3A_1086 = arith.mulf %mul3A_1085, %get3A_1080 : vector<16xf32>
        %add3A_1087 = arith.addf %mul3A_1086, %get3A_1083 : vector<16xf32>
        %swap3A_1088 = arith.index_cast %scan3A_38 : i32 to index
        %swap3A_1089 = arith.constant 64 : index
        %swap3A_1090 = tpu.vector_load %arg10[%swap3A_1088, %swap3A_1089] {strides = array<i32>} : memref<16x1024xf32, #tpu.memory_space<vmem>>, vector<1x16xf32>,
        %swap3A_1091 = vector.shape_cast %swap3A_1090 : vector<1x16xf32> to vector<16xf32>
        %swap3A_1092 = vector.shape_cast %add3A_1087 : vector<16xf32> to vector<1x16xf32>
        tpu.vector_store %arg10[%swap3A_1088, %swap3A_1089], %swap3A_1092 {strides = array<i32>} : memref<16x1024xf32, #tpu.memory_space<vmem>>, vector<1x16xf32>,
        %get3A_1093 = arith.index_cast %scan3A_38 : i32 to index
        %get3A_1094 = arith.constant 80 : index
        %get3A_1095 = tpu.vector_load %arg10[%get3A_1093, %get3A_1094] {strides = array<i32>} : memref<16x1024xf32, #tpu.memory_space<vmem>>, vector<1x16xf32>,
        %get3A_1096 = vector.shape_cast %get3A_1095 : vector<1x16xf32> to vector<16xf32>
        %get3A_1097 = arith.constant 0 : i32
        %get3A_1098 = arith.index_cast %get3A_1097 : i32 to index
        %get3A_1099 = arith.constant 80 : index
        %get3A_1100 = tpu.vector_load %arg7[%get3A_1098, %get3A_1099] {strides = array<i32>} : memref<1x1024xf32, #tpu.memory_space<vmem>>, vector<1x16xf32>,
        %get3A_1101 = vector.shape_cast %get3A_1100 : vector<1x16xf32> to vector<16xf32>
        %add3A_1102 = arith.addf %get3A_1096, %get3A_1101 : vector<16xf32>
        %get3A_1103 = arith.constant 80 : index
        %get3A_1104 = tpu.vector_load %arg8[%get3A_1103] {strides = array<i32>} : memref<1024xf32, #tpu.memory_space<vmem>>, vector<16xf32>,
        %get3A_1105 = vector.shape_cast %get3A_1104 : vector<16xf32> to vector<16xf32>
        %get3A_1106 = arith.constant 80 : index
        %get3A_1107 = tpu.vector_load %arg9[%get3A_1106] {strides = array<i32>} : memref<1024xf32, #tpu.memory_space<vmem>>, vector<16xf32>,
        %get3A_1108 = vector.shape_cast %get3A_1107 : vector<16xf32> to vector<16xf32>
        %sub3A_1109 = arith.subf %add3A_1102, %mul3A_902 : vector<16xf32>
        %mul3A_1110 = arith.mulf %sub3A_1109, %mul3A_968 : vector<16xf32>
        %mul3A_1111 = arith.mulf %mul3A_1110, %get3A_1105 : vector<16xf32>
        %add3A_1112 = arith.addf %mul3A_1111, %get3A_1108 : vector<16xf32>
        %swap3A_1113 = arith.index_cast %scan3A_38 : i32 to index
        %swap3A_1114 = arith.constant 80 : index
        %swap3A_1115 = tpu.vector_load %arg10[%swap3A_1113, %swap3A_1114] {strides = array<i32>} : memref<16x1024xf32, #tpu.memory_space<vmem>>, vector<1x16xf32>,
        %swap3A_1116 = vector.shape_cast %swap3A_1115 : vector<1x16xf32> to vector<16xf32>
        %swap3A_1117 = vector.shape_cast %add3A_1112 : vector<16xf32> to vector<1x16xf32>
        tpu.vector_store %arg10[%swap3A_1113, %swap3A_1114], %swap3A_1117 {strides = array<i32>} : memref<16x1024xf32, #tpu.memory_space<vmem>>, vector<1x16xf32>,
        %get3A_1118 = arith.index_cast %scan3A_38 : i32 to index
        %get3A_1119 = arith.constant 96 : index
        %get3A_1120 = tpu.vector_load %arg10[%get3A_1118, %get3A_1119] {strides = array<i32>} : memref<16x1024xf32, #tpu.memory_space<vmem>>, vector<1x16xf32>,
        %get3A_1121 = vector.shape_cast %get3A_1120 : vector<1x16xf32> to vector<16xf32>
        %get3A_1122 = arith.constant 0 : i32
        %get3A_1123 = arith.index_cast %get3A_1122 : i32 to index
        %get3A_1124 = arith.constant 96 : index
        %get3A_1125 = tpu.vector_load %arg7[%get3A_1123, %get3A_1124] {strides = array<i32>} : memref<1x1024xf32, #tpu.memory_space<vmem>>, vector<1x16xf32>,
        %get3A_1126 = vector.shape_cast %get3A_1125 : vector<1x16xf32> to vector<16xf32>
        %add3A_1127 = arith.addf %get3A_1121, %get3A_1126 : vector<16xf32>
        %get3A_1128 = arith.constant 96 : index
        %get3A_1129 = tpu.vector_load %arg8[%get3A_1128] {strides = array<i32>} : memref<1024xf32, #tpu.memory_space<vmem>>, vector<16xf32>,
        %get3A_1130 = vector.shape_cast %get3A_1129 : vector<16xf32> to vector<16xf32>
        %get3A_1131 = arith.constant 96 : index
        %get3A_1132 = tpu.vector_load %arg9[%get3A_1131] {strides = array<i32>} : memref<1024xf32, #tpu.memory_space<vmem>>, vector<16xf32>,
        %get3A_1133 = vector.shape_cast %get3A_1132 : vector<16xf32> to vector<16xf32>
        %sub3A_1134 = arith.subf %add3A_1127, %mul3A_902 : vector<16xf32>
        %mul3A_1135 = arith.mulf %sub3A_1134, %mul3A_968 : vector<16xf32>
        %mul3A_1136 = arith.mulf %mul3A_1135, %get3A_1130 : vector<16xf32>
        %add3A_1137 = arith.addf %mul3A_1136, %get3A_1133 : vector<16xf32>
        %swap3A_1138 = arith.index_cast %scan3A_38 : i32 to index
        %swap3A_1139 = arith.constant 96 : index
        %swap3A_1140 = tpu.vector_load %arg10[%swap3A_1138, %swap3A_1139] {strides = array<i32>} : memref<16x1024xf32, #tpu.memory_space<vmem>>, vector<1x16xf32>,
        %swap3A_1141 = vector.shape_cast %swap3A_1140 : vector<1x16xf32> to vector<16xf32>
        %swap3A_1142 = vector.shape_cast %add3A_1137 : vector<16xf32> to vector<1x16xf32>
        tpu.vector_store %arg10[%swap3A_1138, %swap3A_1139], %swap3A_1142 {strides = array<i32>} : memref<16x1024xf32, #tpu.memory_space<vmem>>, vector<1x16xf32>,
        %get3A_1143 = arith.index_cast %scan3A_38 : i32 to index
        %get3A_1144 = arith.constant 112 : index
        %get3A_1145 = tpu.vector_load %arg10[%get3A_1143, %get3A_1144] {strides = array<i32>} : memref<16x1024xf32, #tpu.memory_space<vmem>>, vector<1x16xf32>,
        %get3A_1146 = vector.shape_cast %get3A_1145 : vector<1x16xf32> to vector<16xf32>
        %get3A_1147 = arith.constant 0 : i32
        %get3A_1148 = arith.index_cast %get3A_1147 : i32 to index
        %get3A_1149 = arith.constant 112 : index
        %get3A_1150 = tpu.vector_load %arg7[%get3A_1148, %get3A_1149] {strides = array<i32>} : memref<1x1024xf32, #tpu.memory_space<vmem>>, vector<1x16xf32>,
        %get3A_1151 = vector.shape_cast %get3A_1150 : vector<1x16xf32> to vector<16xf32>
        %add3A_1152 = arith.addf %get3A_1146, %get3A_1151 : vector<16xf32>
        %get3A_1153 = arith.constant 112 : index
        %get3A_1154 = tpu.vector_load %arg8[%get3A_1153] {strides = array<i32>} : memref<1024xf32, #tpu.memory_space<vmem>>, vector<16xf32>,
        %get3A_1155 = vector.shape_cast %get3A_1154 : vector<16xf32> to vector<16xf32>
        %get3A_1156 = arith.constant 112 : index
        %get3A_1157 = tpu.vector_load %arg9[%get3A_1156] {strides = array<i32>} : memref<1024xf32, #tpu.memory_space<vmem>>, vector<16xf32>,
        %get3A_1158 = vector.shape_cast %get3A_1157 : vector<16xf32> to vector<16xf32>
        %sub3A_1159 = arith.subf %add3A_1152, %mul3A_902 : vector<16xf32>
        %mul3A_1160 = arith.mulf %sub3A_1159, %mul3A_968 : vector<16xf32>
        %mul3A_1161 = arith.mulf %mul3A_1160, %get3A_1155 : vector<16xf32>
        %add3A_1162 = arith.addf %mul3A_1161, %get3A_1158 : vector<16xf32>
        %swap3A_1163 = arith.index_cast %scan3A_38 : i32 to index
        %swap3A_1164 = arith.constant 112 : index
        %swap3A_1165 = tpu.vector_load %arg10[%swap3A_1163, %swap3A_1164] {strides = array<i32>} : memref<16x1024xf32, #tpu.memory_space<vmem>>, vector<1x16xf32>,
        %swap3A_1166 = vector.shape_cast %swap3A_1165 : vector<1x16xf32> to vector<16xf32>
        %swap3A_1167 = vector.shape_cast %add3A_1162 : vector<16xf32> to vector<1x16xf32>
        tpu.vector_store %arg10[%swap3A_1163, %swap3A_1164], %swap3A_1167 {strides = array<i32>} : memref<16x1024xf32, #tpu.memory_space<vmem>>, vector<1x16xf32>,
        %get3A_1168 = arith.index_cast %scan3A_38 : i32 to index
        %get3A_1169 = arith.constant 128 : index
        %get3A_1170 = tpu.vector_load %arg10[%get3A_1168, %get3A_1169] {strides = array<i32>} : memref<16x1024xf32, #tpu.memory_space<vmem>>, vector<1x16xf32>,
        %get3A_1171 = vector.shape_cast %get3A_1170 : vector<1x16xf32> to vector<16xf32>
        %get3A_1172 = arith.constant 0 : i32
        %get3A_1173 = arith.index_cast %get3A_1172 : i32 to index
        %get3A_1174 = arith.constant 128 : index
        %get3A_1175 = tpu.vector_load %arg7[%get3A_1173, %get3A_1174] {strides = array<i32>} : memref<1x1024xf32, #tpu.memory_space<vmem>>, vector<1x16xf32>,
        %get3A_1176 = vector.shape_cast %get3A_1175 : vector<1x16xf32> to vector<16xf32>
        %add3A_1177 = arith.addf %get3A_1171, %get3A_1176 : vector<16xf32>
        %get3A_1178 = arith.constant 128 : index
        %get3A_1179 = tpu.vector_load %arg8[%get3A_1178] {strides = array<i32>} : memref<1024xf32, #tpu.memory_space<vmem>>, vector<16xf32>,
        %get3A_1180 = vector.shape_cast %get3A_1179 : vector<16xf32> to vector<16xf32>
        %get3A_1181 = arith.constant 128 : index
        %get3A_1182 = tpu.vector_load %arg9[%get3A_1181] {strides = array<i32>} : memref<1024xf32, #tpu.memory_space<vmem>>, vector<16xf32>,
        %get3A_1183 = vector.shape_cast %get3A_1182 : vector<16xf32> to vector<16xf32>
        %sub3A_1184 = arith.subf %add3A_1177, %mul3A_902 : vector<16xf32>
        %mul3A_1185 = arith.mulf %sub3A_1184, %mul3A_968 : vector<16xf32>
        %mul3A_1186 = arith.mulf %mul3A_1185, %get3A_1180 : vector<16xf32>
        %add3A_1187 = arith.addf %mul3A_1186, %get3A_1183 : vector<16xf32>
        %swap3A_1188 = arith.index_cast %scan3A_38 : i32 to index
        %swap3A_1189 = arith.constant 128 : index
        %swap3A_1190 = tpu.vector_load %arg10[%swap3A_1188, %swap3A_1189] {strides = array<i32>} : memref<16x1024xf32, #tpu.memory_space<vmem>>, vector<1x16xf32>,
        %swap3A_1191 = vector.shape_cast %swap3A_1190 : vector<1x16xf32> to vector<16xf32>
        %swap3A_1192 = vector.shape_cast %add3A_1187 : vector<16xf32> to vector<1x16xf32>
        tpu.vector_store %arg10[%swap3A_1188, %swap3A_1189], %swap3A_1192 {strides = array<i32>} : memref<16x1024xf32, #tpu.memory_space<vmem>>, vector<1x16xf32>,
        %get3A_1193 = arith.index_cast %scan3A_38 : i32 to index
        %get3A_1194 = arith.constant 144 : index
        %get3A_1195 = tpu.vector_load %arg10[%get3A_1193, %get3A_1194] {strides = array<i32>} : memref<16x1024xf32, #tpu.memory_space<vmem>>, vector<1x16xf32>,
        %get3A_1196 = vector.shape_cast %get3A_1195 : vector<1x16xf32> to vector<16xf32>
        %get3A_1197 = arith.constant 0 : i32
        %get3A_1198 = arith.index_cast %get3A_1197 : i32 to index
        %get3A_1199 = arith.constant 144 : index
        %get3A_1200 = tpu.vector_load %arg7[%get3A_1198, %get3A_1199] {strides = array<i32>} : memref<1x1024xf32, #tpu.memory_space<vmem>>, vector<1x16xf32>,
        %get3A_1201 = vector.shape_cast %get3A_1200 : vector<1x16xf32> to vector<16xf32>
        %add3A_1202 = arith.addf %get3A_1196, %get3A_1201 : vector<16xf32>
        %get3A_1203 = arith.constant 144 : index
        %get3A_1204 = tpu.vector_load %arg8[%get3A_1203] {strides = array<i32>} : memref<1024xf32, #tpu.memory_space<vmem>>, vector<16xf32>,
        %get3A_1205 = vector.shape_cast %get3A_1204 : vector<16xf32> to vector<16xf32>
        %get3A_1206 = arith.constant 144 : index
        %get3A_1207 = tpu.vector_load %arg9[%get3A_1206] {strides = array<i32>} : memref<1024xf32, #tpu.memory_space<vmem>>, vector<16xf32>,
        %get3A_1208 = vector.shape_cast %get3A_1207 : vector<16xf32> to vector<16xf32>
        %sub3A_1209 = arith.subf %add3A_1202, %mul3A_902 : vector<16xf32>
        %mul3A_1210 = arith.mulf %sub3A_1209, %mul3A_968 : vector<16xf32>
        %mul3A_1211 = arith.mulf %mul3A_1210, %get3A_1205 : vector<16xf32>
        %add3A_1212 = arith.addf %mul3A_1211, %get3A_1208 : vector<16xf32>
        %swap3A_1213 = arith.index_cast %scan3A_38 : i32 to index
        %swap3A_1214 = arith.constant 144 : index
        %swap3A_1215 = tpu.vector_load %arg10[%swap3A_1213, %swap3A_1214] {strides = array<i32>} : memref<16x1024xf32, #tpu.memory_space<vmem>>, vector<1x16xf32>,
        %swap3A_1216 = vector.shape_cast %swap3A_1215 : vector<1x16xf32> to vector<16xf32>
        %swap3A_1217 = vector.shape_cast %add3A_1212 : vector<16xf32> to vector<1x16xf32>
        tpu.vector_store %arg10[%swap3A_1213, %swap3A_1214], %swap3A_1217 {strides = array<i32>} : memref<16x1024xf32, #tpu.memory_space<vmem>>, vector<1x16xf32>,
        %get3A_1218 = arith.index_cast %scan3A_38 : i32 to index
        %get3A_1219 = arith.constant 160 : index
        %get3A_1220 = tpu.vector_load %arg10[%get3A_1218, %get3A_1219] {strides = array<i32>} : memref<16x1024xf32, #tpu.memory_space<vmem>>, vector<1x16xf32>,
        %get3A_1221 = vector.shape_cast %get3A_1220 : vector<1x16xf32> to vector<16xf32>
        %get3A_1222 = arith.constant 0 : i32
        %get3A_1223 = arith.index_cast %get3A_1222 : i32 to index
        %get3A_1224 = arith.constant 160 : index
        %get3A_1225 = tpu.vector_load %arg7[%get3A_1223, %get3A_1224] {strides = array<i32>} : memref<1x1024xf32, #tpu.memory_space<vmem>>, vector<1x16xf32>,
        %get3A_1226 = vector.shape_cast %get3A_1225 : vector<1x16xf32> to vector<16xf32>
        %add3A_1227 = arith.addf %get3A_1221, %get3A_1226 : vector<16xf32>
        %get3A_1228 = arith.constant 160 : index
        %get3A_1229 = tpu.vector_load %arg8[%get3A_1228] {strides = array<i32>} : memref<1024xf32, #tpu.memory_space<vmem>>, vector<16xf32>,
        %get3A_1230 = vector.shape_cast %get3A_1229 : vector<16xf32> to vector<16xf32>
        %get3A_1231 = arith.constant 160 : index
        %get3A_1232 = tpu.vector_load %arg9[%get3A_1231] {strides = array<i32>} : memref<1024xf32, #tpu.memory_space<vmem>>, vector<16xf32>,
        %get3A_1233 = vector.shape_cast %get3A_1232 : vector<16xf32> to vector<16xf32>
        %sub3A_1234 = arith.subf %add3A_1227, %mul3A_902 : vector<16xf32>
        %mul3A_1235 = arith.mulf %sub3A_1234, %mul3A_968 : vector<16xf32>
        %mul3A_1236 = arith.mulf %mul3A_1235, %get3A_1230 : vector<16xf32>
        %add3A_1237 = arith.addf %mul3A_1236, %get3A_1233 : vector<16xf32>
        %swap3A_1238 = arith.index_cast %scan3A_38 : i32 to index
        %swap3A_1239 = arith.constant 160 : index
        %swap3A_1240 = tpu.vector_load %arg10[%swap3A_1238, %swap3A_1239] {strides = array<i32>} : memref<16x1024xf32, #tpu.memory_space<vmem>>, vector<1x16xf32>,
        %swap3A_1241 = vector.shape_cast %swap3A_1240 : vector<1x16xf32> to vector<16xf32>
        %swap3A_1242 = vector.shape_cast %add3A_1237 : vector<16xf32> to vector<1x16xf32>
        tpu.vector_store %arg10[%swap3A_1238, %swap3A_1239], %swap3A_1242 {strides = array<i32>} : memref<16x1024xf32, #tpu.memory_space<vmem>>, vector<1x16xf32>,
        %get3A_1243 = arith.index_cast %scan3A_38 : i32 to index
        %get3A_1244 = arith.constant 176 : index
        %get3A_1245 = tpu.vector_load %arg10[%get3A_1243, %get3A_1244] {strides = array<i32>} : memref<16x1024xf32, #tpu.memory_space<vmem>>, vector<1x16xf32>,
        %get3A_1246 = vector.shape_cast %get3A_1245 : vector<1x16xf32> to vector<16xf32>
        %get3A_1247 = arith.constant 0 : i32
        %get3A_1248 = arith.index_cast %get3A_1247 : i32 to index
        %get3A_1249 = arith.constant 176 : index
        %get3A_1250 = tpu.vector_load %arg7[%get3A_1248, %get3A_1249] {strides = array<i32>} : memref<1x1024xf32, #tpu.memory_space<vmem>>, vector<1x16xf32>,
        %get3A_1251 = vector.shape_cast %get3A_1250 : vector<1x16xf32> to vector<16xf32>
        %add3A_1252 = arith.addf %get3A_1246, %get3A_1251 : vector<16xf32>
        %get3A_1253 = arith.constant 176 : index
        %get3A_1254 = tpu.vector_load %arg8[%get3A_1253] {strides = array<i32>} : memref<1024xf32, #tpu.memory_space<vmem>>, vector<16xf32>,
        %get3A_1255 = vector.shape_cast %get3A_1254 : vector<16xf32> to vector<16xf32>
        %get3A_1256 = arith.constant 176 : index
        %get3A_1257 = tpu.vector_load %arg9[%get3A_1256] {strides = array<i32>} : memref<1024xf32, #tpu.memory_space<vmem>>, vector<16xf32>,
        %get3A_1258 = vector.shape_cast %get3A_1257 : vector<16xf32> to vector<16xf32>
        %sub3A_1259 = arith.subf %add3A_1252, %mul3A_902 : vector<16xf32>
        %mul3A_1260 = arith.mulf %sub3A_1259, %mul3A_968 : vector<16xf32>
        %mul3A_1261 = arith.mulf %mul3A_1260, %get3A_1255 : vector<16xf32>
        %add3A_1262 = arith.addf %mul3A_1261, %get3A_1258 : vector<16xf32>
        %swap3A_1263 = arith.index_cast %scan3A_38 : i32 to index
        %swap3A_1264 = arith.constant 176 : index
        %swap3A_1265 = tpu.vector_load %arg10[%swap3A_1263, %swap3A_1264] {strides = array<i32>} : memref<16x1024xf32, #tpu.memory_space<vmem>>, vector<1x16xf32>,
        %swap3A_1266 = vector.shape_cast %swap3A_1265 : vector<1x16xf32> to vector<16xf32>
        %swap3A_1267 = vector.shape_cast %add3A_1262 : vector<16xf32> to vector<1x16xf32>
        tpu.vector_store %arg10[%swap3A_1263, %swap3A_1264], %swap3A_1267 {strides = array<i32>} : memref<16x1024xf32, #tpu.memory_space<vmem>>, vector<1x16xf32>,
        %get3A_1268 = arith.index_cast %scan3A_38 : i32 to index
        %get3A_1269 = arith.constant 192 : index
        %get3A_1270 = tpu.vector_load %arg10[%get3A_1268, %get3A_1269] {strides = array<i32>} : memref<16x1024xf32, #tpu.memory_space<vmem>>, vector<1x16xf32>,
        %get3A_1271 = vector.shape_cast %get3A_1270 : vector<1x16xf32> to vector<16xf32>
        %get3A_1272 = arith.constant 0 : i32
        %get3A_1273 = arith.index_cast %get3A_1272 : i32 to index
        %get3A_1274 = arith.constant 192 : index
        %get3A_1275 = tpu.vector_load %arg7[%get3A_1273, %get3A_1274] {strides = array<i32>} : memref<1x1024xf32, #tpu.memory_space<vmem>>, vector<1x16xf32>,
        %get3A_1276 = vector.shape_cast %get3A_1275 : vector<1x16xf32> to vector<16xf32>
        %add3A_1277 = arith.addf %get3A_1271, %get3A_1276 : vector<16xf32>
        %get3A_1278 = arith.constant 192 : index
        %get3A_1279 = tpu.vector_load %arg8[%get3A_1278] {strides = array<i32>} : memref<1024xf32, #tpu.memory_space<vmem>>, vector<16xf32>,
        %get3A_1280 = vector.shape_cast %get3A_1279 : vector<16xf32> to vector<16xf32>
        %get3A_1281 = arith.constant 192 : index
        %get3A_1282 = tpu.vector_load %arg9[%get3A_1281] {strides = array<i32>} : memref<1024xf32, #tpu.memory_space<vmem>>, vector<16xf32>,
        %get3A_1283 = vector.shape_cast %get3A_1282 : vector<16xf32> to vector<16xf32>
        %sub3A_1284 = arith.subf %add3A_1277, %mul3A_902 : vector<16xf32>
        %mul3A_1285 = arith.mulf %sub3A_1284, %mul3A_968 : vector<16xf32>
        %mul3A_1286 = arith.mulf %mul3A_1285, %get3A_1280 : vector<16xf32>
        %add3A_1287 = arith.addf %mul3A_1286, %get3A_1283 : vector<16xf32>
        %swap3A_1288 = arith.index_cast %scan3A_38 : i32 to index
        %swap3A_1289 = arith.constant 192 : index
        %swap3A_1290 = tpu.vector_load %arg10[%swap3A_1288, %swap3A_1289] {strides = array<i32>} : memref<16x1024xf32, #tpu.memory_space<vmem>>, vector<1x16xf32>,
        %swap3A_1291 = vector.shape_cast %swap3A_1290 : vector<1x16xf32> to vector<16xf32>
        %swap3A_1292 = vector.shape_cast %add3A_1287 : vector<16xf32> to vector<1x16xf32>
        tpu.vector_store %arg10[%swap3A_1288, %swap3A_1289], %swap3A_1292 {strides = array<i32>} : memref<16x1024xf32, #tpu.memory_space<vmem>>, vector<1x16xf32>,
        %get3A_1293 = arith.index_cast %scan3A_38 : i32 to index
        %get3A_1294 = arith.constant 208 : index
        %get3A_1295 = tpu.vector_load %arg10[%get3A_1293, %get3A_1294] {strides = array<i32>} : memref<16x1024xf32, #tpu.memory_space<vmem>>, vector<1x16xf32>,
        %get3A_1296 = vector.shape_cast %get3A_1295 : vector<1x16xf32> to vector<16xf32>
        %get3A_1297 = arith.constant 0 : i32
        %get3A_1298 = arith.index_cast %get3A_1297 : i32 to index
        %get3A_1299 = arith.constant 208 : index
        %get3A_1300 = tpu.vector_load %arg7[%get3A_1298, %get3A_1299] {strides = array<i32>} : memref<1x1024xf32, #tpu.memory_space<vmem>>, vector<1x16xf32>,
        %get3A_1301 = vector.shape_cast %get3A_1300 : vector<1x16xf32> to vector<16xf32>
        %add3A_1302 = arith.addf %get3A_1296, %get3A_1301 : vector<16xf32>
        %get3A_1303 = arith.constant 208 : index
        %get3A_1304 = tpu.vector_load %arg8[%get3A_1303] {strides = array<i32>} : memref<1024xf32, #tpu.memory_space<vmem>>, vector<16xf32>,
        %get3A_1305 = vector.shape_cast %get3A_1304 : vector<16xf32> to vector<16xf32>
        %get3A_1306 = arith.constant 208 : index
        %get3A_1307 = tpu.vector_load %arg9[%get3A_1306] {strides = array<i32>} : memref<1024xf32, #tpu.memory_space<vmem>>, vector<16xf32>,
        %get3A_1308 = vector.shape_cast %get3A_1307 : vector<16xf32> to vector<16xf32>
        %sub3A_1309 = arith.subf %add3A_1302, %mul3A_902 : vector<16xf32>
        %mul3A_1310 = arith.mulf %sub3A_1309, %mul3A_968 : vector<16xf32>
        %mul3A_1311 = arith.mulf %mul3A_1310, %get3A_1305 : vector<16xf32>
        %add3A_1312 = arith.addf %mul3A_1311, %get3A_1308 : vector<16xf32>
        %swap3A_1313 = arith.index_cast %scan3A_38 : i32 to index
        %swap3A_1314 = arith.constant 208 : index
        %swap3A_1315 = tpu.vector_load %arg10[%swap3A_1313, %swap3A_1314] {strides = array<i32>} : memref<16x1024xf32, #tpu.memory_space<vmem>>, vector<1x16xf32>,
        %swap3A_1316 = vector.shape_cast %swap3A_1315 : vector<1x16xf32> to vector<16xf32>
        %swap3A_1317 = vector.shape_cast %add3A_1312 : vector<16xf32> to vector<1x16xf32>
        tpu.vector_store %arg10[%swap3A_1313, %swap3A_1314], %swap3A_1317 {strides = array<i32>} : memref<16x1024xf32, #tpu.memory_space<vmem>>, vector<1x16xf32>,
        %get3A_1318 = arith.index_cast %scan3A_38 : i32 to index
        %get3A_1319 = arith.constant 224 : index
        %get3A_1320 = tpu.vector_load %arg10[%get3A_1318, %get3A_1319] {strides = array<i32>} : memref<16x1024xf32, #tpu.memory_space<vmem>>, vector<1x16xf32>,
        %get3A_1321 = vector.shape_cast %get3A_1320 : vector<1x16xf32> to vector<16xf32>
        %get3A_1322 = arith.constant 0 : i32
        %get3A_1323 = arith.index_cast %get3A_1322 : i32 to index
        %get3A_1324 = arith.constant 224 : index
        %get3A_1325 = tpu.vector_load %arg7[%get3A_1323, %get3A_1324] {strides = array<i32>} : memref<1x1024xf32, #tpu.memory_space<vmem>>, vector<1x16xf32>,
        %get3A_1326 = vector.shape_cast %get3A_1325 : vector<1x16xf32> to vector<16xf32>
        %add3A_1327 = arith.addf %get3A_1321, %get3A_1326 : vector<16xf32>
        %get3A_1328 = arith.constant 224 : index
        %get3A_1329 = tpu.vector_load %arg8[%get3A_1328] {strides = array<i32>} : memref<1024xf32, #tpu.memory_space<vmem>>, vector<16xf32>,
        %get3A_1330 = vector.shape_cast %get3A_1329 : vector<16xf32> to vector<16xf32>
        %get3A_1331 = arith.constant 224 : index
        %get3A_1332 = tpu.vector_load %arg9[%get3A_1331] {strides = array<i32>} : memref<1024xf32, #tpu.memory_space<vmem>>, vector<16xf32>,
        %get3A_1333 = vector.shape_cast %get3A_1332 : vector<16xf32> to vector<16xf32>
        %sub3A_1334 = arith.subf %add3A_1327, %mul3A_902 : vector<16xf32>
        %mul3A_1335 = arith.mulf %sub3A_1334, %mul3A_968 : vector<16xf32>
        %mul3A_1336 = arith.mulf %mul3A_1335, %get3A_1330 : vector<16xf32>
        %add3A_1337 = arith.addf %mul3A_1336, %get3A_1333 : vector<16xf32>
        %swap3A_1338 = arith.index_cast %scan3A_38 : i32 to index
        %swap3A_1339 = arith.constant 224 : index
        %swap3A_1340 = tpu.vector_load %arg10[%swap3A_1338, %swap3A_1339] {strides = array<i32>} : memref<16x1024xf32, #tpu.memory_space<vmem>>, vector<1x16xf32>,
        %swap3A_1341 = vector.shape_cast %swap3A_1340 : vector<1x16xf32> to vector<16xf32>
        %swap3A_1342 = vector.shape_cast %add3A_1337 : vector<16xf32> to vector<1x16xf32>
        tpu.vector_store %arg10[%swap3A_1338, %swap3A_1339], %swap3A_1342 {strides = array<i32>} : memref<16x1024xf32, #tpu.memory_space<vmem>>, vector<1x16xf32>,
        %get3A_1343 = arith.index_cast %scan3A_38 : i32 to index
        %get3A_1344 = arith.constant 240 : index
        %get3A_1345 = tpu.vector_load %arg10[%get3A_1343, %get3A_1344] {strides = array<i32>} : memref<16x1024xf32, #tpu.memory_space<vmem>>, vector<1x16xf32>,
        %get3A_1346 = vector.shape_cast %get3A_1345 : vector<1x16xf32> to vector<16xf32>
        %get3A_1347 = arith.constant 0 : i32
        %get3A_1348 = arith.index_cast %get3A_1347 : i32 to index
        %get3A_1349 = arith.constant 240 : index
        %get3A_1350 = tpu.vector_load %arg7[%get3A_1348, %get3A_1349] {strides = array<i32>} : memref<1x1024xf32, #tpu.memory_space<vmem>>, vector<1x16xf32>,
        %get3A_1351 = vector.shape_cast %get3A_1350 : vector<1x16xf32> to vector<16xf32>
        %add3A_1352 = arith.addf %get3A_1346, %get3A_1351 : vector<16xf32>
        %get3A_1353 = arith.constant 240 : index
        %get3A_1354 = tpu.vector_load %arg8[%get3A_1353] {strides = array<i32>} : memref<1024xf32, #tpu.memory_space<vmem>>, vector<16xf32>,
        %get3A_1355 = vector.shape_cast %get3A_1354 : vector<16xf32> to vector<16xf32>
        %get3A_1356 = arith.constant 240 : index
        %get3A_1357 = tpu.vector_load %arg9[%get3A_1356] {strides = array<i32>} : memref<1024xf32, #tpu.memory_space<vmem>>, vector<16xf32>,
        %get3A_1358 = vector.shape_cast %get3A_1357 : vector<16xf32> to vector<16xf32>
        %sub3A_1359 = arith.subf %add3A_1352, %mul3A_902 : vector<16xf32>
        %mul3A_1360 = arith.mulf %sub3A_1359, %mul3A_968 : vector<16xf32>
        %mul3A_1361 = arith.mulf %mul3A_1360, %get3A_1355 : vector<16xf32>
        %add3A_1362 = arith.addf %mul3A_1361, %get3A_1358 : vector<16xf32>
        %swap3A_1363 = arith.index_cast %scan3A_38 : i32 to index
        %swap3A_1364 = arith.constant 240 : index
        %swap3A_1365 = tpu.vector_load %arg10[%swap3A_1363, %swap3A_1364] {strides = array<i32>} : memref<16x1024xf32, #tpu.memory_space<vmem>>, vector<1x16xf32>,
        %swap3A_1366 = vector.shape_cast %swap3A_1365 : vector<1x16xf32> to vector<16xf32>
        %swap3A_1367 = vector.shape_cast %add3A_1362 : vector<16xf32> to vector<1x16xf32>
        tpu.vector_store %arg10[%swap3A_1363, %swap3A_1364], %swap3A_1367 {strides = array<i32>} : memref<16x1024xf32, #tpu.memory_space<vmem>>, vector<1x16xf32>,
        %get3A_1368 = arith.index_cast %scan3A_38 : i32 to index
        %get3A_1369 = arith.constant 256 : index
        %get3A_1370 = tpu.vector_load %arg10[%get3A_1368, %get3A_1369] {strides = array<i32>} : memref<16x1024xf32, #tpu.memory_space<vmem>>, vector<1x16xf32>,
        %get3A_1371 = vector.shape_cast %get3A_1370 : vector<1x16xf32> to vector<16xf32>
        %get3A_1372 = arith.constant 0 : i32
        %get3A_1373 = arith.index_cast %get3A_1372 : i32 to index
        %get3A_1374 = arith.constant 256 : index
        %get3A_1375 = tpu.vector_load %arg7[%get3A_1373, %get3A_1374] {strides = array<i32>} : memref<1x1024xf32, #tpu.memory_space<vmem>>, vector<1x16xf32>,
        %get3A_1376 = vector.shape_cast %get3A_1375 : vector<1x16xf32> to vector<16xf32>
        %add3A_1377 = arith.addf %get3A_1371, %get3A_1376 : vector<16xf32>
        %get3A_1378 = arith.constant 256 : index
        %get3A_1379 = tpu.vector_load %arg8[%get3A_1378] {strides = array<i32>} : memref<1024xf32, #tpu.memory_space<vmem>>, vector<16xf32>,
        %get3A_1380 = vector.shape_cast %get3A_1379 : vector<16xf32> to vector<16xf32>
        %get3A_1381 = arith.constant 256 : index
        %get3A_1382 = tpu.vector_load %arg9[%get3A_1381] {strides = array<i32>} : memref<1024xf32, #tpu.memory_space<vmem>>, vector<16xf32>,
        %get3A_1383 = vector.shape_cast %get3A_1382 : vector<16xf32> to vector<16xf32>
        %sub3A_1384 = arith.subf %add3A_1377, %mul3A_902 : vector<16xf32>
        %mul3A_1385 = arith.mulf %sub3A_1384, %mul3A_968 : vector<16xf32>
        %mul3A_1386 = arith.mulf %mul3A_1385, %get3A_1380 : vector<16xf32>
        %add3A_1387 = arith.addf %mul3A_1386, %get3A_1383 : vector<16xf32>
        %swap3A_1388 = arith.index_cast %scan3A_38 : i32 to index
        %swap3A_1389 = arith.constant 256 : index
        %swap3A_1390 = tpu.vector_load %arg10[%swap3A_1388, %swap3A_1389] {strides = array<i32>} : memref<16x1024xf32, #tpu.memory_space<vmem>>, vector<1x16xf32>,
        %swap3A_1391 = vector.shape_cast %swap3A_1390 : vector<1x16xf32> to vector<16xf32>
        %swap3A_1392 = vector.shape_cast %add3A_1387 : vector<16xf32> to vector<1x16xf32>
        tpu.vector_store %arg10[%swap3A_1388, %swap3A_1389], %swap3A_1392 {strides = array<i32>} : memref<16x1024xf32, #tpu.memory_space<vmem>>, vector<1x16xf32>,
        %get3A_1393 = arith.index_cast %scan3A_38 : i32 to index
        %get3A_1394 = arith.constant 272 : index
        %get3A_1395 = tpu.vector_load %arg10[%get3A_1393, %get3A_1394] {strides = array<i32>} : memref<16x1024xf32, #tpu.memory_space<vmem>>, vector<1x16xf32>,
        %get3A_1396 = vector.shape_cast %get3A_1395 : vector<1x16xf32> to vector<16xf32>
        %get3A_1397 = arith.constant 0 : i32
        %get3A_1398 = arith.index_cast %get3A_1397 : i32 to index
        %get3A_1399 = arith.constant 272 : index
        %get3A_1400 = tpu.vector_load %arg7[%get3A_1398, %get3A_1399] {strides = array<i32>} : memref<1x1024xf32, #tpu.memory_space<vmem>>, vector<1x16xf32>,
        %get3A_1401 = vector.shape_cast %get3A_1400 : vector<1x16xf32> to vector<16xf32>
        %add3A_1402 = arith.addf %get3A_1396, %get3A_1401 : vector<16xf32>
        %get3A_1403 = arith.constant 272 : index
        %get3A_1404 = tpu.vector_load %arg8[%get3A_1403] {strides = array<i32>} : memref<1024xf32, #tpu.memory_space<vmem>>, vector<16xf32>,
        %get3A_1405 = vector.shape_cast %get3A_1404 : vector<16xf32> to vector<16xf32>
        %get3A_1406 = arith.constant 272 : index
        %get3A_1407 = tpu.vector_load %arg9[%get3A_1406] {strides = array<i32>} : memref<1024xf32, #tpu.memory_space<vmem>>, vector<16xf32>,
        %get3A_1408 = vector.shape_cast %get3A_1407 : vector<16xf32> to vector<16xf32>
        %sub3A_1409 = arith.subf %add3A_1402, %mul3A_902 : vector<16xf32>
        %mul3A_1410 = arith.mulf %sub3A_1409, %mul3A_968 : vector<16xf32>
        %mul3A_1411 = arith.mulf %mul3A_1410, %get3A_1405 : vector<16xf32>
        %add3A_1412 = arith.addf %mul3A_1411, %get3A_1408 : vector<16xf32>
        %swap3A_1413 = arith.index_cast %scan3A_38 : i32 to index
        %swap3A_1414 = arith.constant 272 : index
        %swap3A_1415 = tpu.vector_load %arg10[%swap3A_1413, %swap3A_1414] {strides = array<i32>} : memref<16x1024xf32, #tpu.memory_space<vmem>>, vector<1x16xf32>,
        %swap3A_1416 = vector.shape_cast %swap3A_1415 : vector<1x16xf32> to vector<16xf32>
        %swap3A_1417 = vector.shape_cast %add3A_1412 : vector<16xf32> to vector<1x16xf32>
        tpu.vector_store %arg10[%swap3A_1413, %swap3A_1414], %swap3A_1417 {strides = array<i32>} : memref<16x1024xf32, #tpu.memory_space<vmem>>, vector<1x16xf32>,
        %get3A_1418 = arith.index_cast %scan3A_38 : i32 to index
        %get3A_1419 = arith.constant 288 : index
        %get3A_1420 = tpu.vector_load %arg10[%get3A_1418, %get3A_1419] {strides = array<i32>} : memref<16x1024xf32, #tpu.memory_space<vmem>>, vector<1x16xf32>,
        %get3A_1421 = vector.shape_cast %get3A_1420 : vector<1x16xf32> to vector<16xf32>
        %get3A_1422 = arith.constant 0 : i32
        %get3A_1423 = arith.index_cast %get3A_1422 : i32 to index
        %get3A_1424 = arith.constant 288 : index
        %get3A_1425 = tpu.vector_load %arg7[%get3A_1423, %get3A_1424] {strides = array<i32>} : memref<1x1024xf32, #tpu.memory_space<vmem>>, vector<1x16xf32>,
        %get3A_1426 = vector.shape_cast %get3A_1425 : vector<1x16xf32> to vector<16xf32>
        %add3A_1427 = arith.addf %get3A_1421, %get3A_1426 : vector<16xf32>
        %get3A_1428 = arith.constant 288 : index
        %get3A_1429 = tpu.vector_load %arg8[%get3A_1428] {strides = array<i32>} : memref<1024xf32, #tpu.memory_space<vmem>>, vector<16xf32>,
        %get3A_1430 = vector.shape_cast %get3A_1429 : vector<16xf32> to vector<16xf32>
        %get3A_1431 = arith.constant 288 : index
        %get3A_1432 = tpu.vector_load %arg9[%get3A_1431] {strides = array<i32>} : memref<1024xf32, #tpu.memory_space<vmem>>, vector<16xf32>,
        %get3A_1433 = vector.shape_cast %get3A_1432 : vector<16xf32> to vector<16xf32>
        %sub3A_1434 = arith.subf %add3A_1427, %mul3A_902 : vector<16xf32>
        %mul3A_1435 = arith.mulf %sub3A_1434, %mul3A_968 : vector<16xf32>
        %mul3A_1436 = arith.mulf %mul3A_1435, %get3A_1430 : vector<16xf32>
        %add3A_1437 = arith.addf %mul3A_1436, %get3A_1433 : vector<16xf32>
        %swap3A_1438 = arith.index_cast %scan3A_38 : i32 to index
        %swap3A_1439 = arith.constant 288 : index
        %swap3A_1440 = tpu.vector_load %arg10[%swap3A_1438, %swap3A_1439] {strides = array<i32>} : memref<16x1024xf32, #tpu.memory_space<vmem>>, vector<1x16xf32>,
        %swap3A_1441 = vector.shape_cast %swap3A_1440 : vector<1x16xf32> to vector<16xf32>
        %swap3A_1442 = vector.shape_cast %add3A_1437 : vector<16xf32> to vector<1x16xf32>
        tpu.vector_store %arg10[%swap3A_1438, %swap3A_1439], %swap3A_1442 {strides = array<i32>} : memref<16x1024xf32, #tpu.memory_space<vmem>>, vector<1x16xf32>,
        %get3A_1443 = arith.index_cast %scan3A_38 : i32 to index
        %get3A_1444 = arith.constant 304 : index
        %get3A_1445 = tpu.vector_load %arg10[%get3A_1443, %get3A_1444] {strides = array<i32>} : memref<16x1024xf32, #tpu.memory_space<vmem>>, vector<1x16xf32>,
        %get3A_1446 = vector.shape_cast %get3A_1445 : vector<1x16xf32> to vector<16xf32>
        %get3A_1447 = arith.constant 0 : i32
        %get3A_1448 = arith.index_cast %get3A_1447 : i32 to index
        %get3A_1449 = arith.constant 304 : index
        %get3A_1450 = tpu.vector_load %arg7[%get3A_1448, %get3A_1449] {strides = array<i32>} : memref<1x1024xf32, #tpu.memory_space<vmem>>, vector<1x16xf32>,
        %get3A_1451 = vector.shape_cast %get3A_1450 : vector<1x16xf32> to vector<16xf32>
        %add3A_1452 = arith.addf %get3A_1446, %get3A_1451 : vector<16xf32>
        %get3A_1453 = arith.constant 304 : index
        %get3A_1454 = tpu.vector_load %arg8[%get3A_1453] {strides = array<i32>} : memref<1024xf32, #tpu.memory_space<vmem>>, vector<16xf32>,
        %get3A_1455 = vector.shape_cast %get3A_1454 : vector<16xf32> to vector<16xf32>
        %get3A_1456 = arith.constant 304 : index
        %get3A_1457 = tpu.vector_load %arg9[%get3A_1456] {strides = array<i32>} : memref<1024xf32, #tpu.memory_space<vmem>>, vector<16xf32>,
        %get3A_1458 = vector.shape_cast %get3A_1457 : vector<16xf32> to vector<16xf32>
        %sub3A_1459 = arith.subf %add3A_1452, %mul3A_902 : vector<16xf32>
        %mul3A_1460 = arith.mulf %sub3A_1459, %mul3A_968 : vector<16xf32>
        %mul3A_1461 = arith.mulf %mul3A_1460, %get3A_1455 : vector<16xf32>
        %add3A_1462 = arith.addf %mul3A_1461, %get3A_1458 : vector<16xf32>
        %swap3A_1463 = arith.index_cast %scan3A_38 : i32 to index
        %swap3A_1464 = arith.constant 304 : index
        %swap3A_1465 = tpu.vector_load %arg10[%swap3A_1463, %swap3A_1464] {strides = array<i32>} : memref<16x1024xf32, #tpu.memory_space<vmem>>, vector<1x16xf32>,
        %swap3A_1466 = vector.shape_cast %swap3A_1465 : vector<1x16xf32> to vector<16xf32>
        %swap3A_1467 = vector.shape_cast %add3A_1462 : vector<16xf32> to vector<1x16xf32>
        tpu.vector_store %arg10[%swap3A_1463, %swap3A_1464], %swap3A_1467 {strides = array<i32>} : memref<16x1024xf32, #tpu.memory_space<vmem>>, vector<1x16xf32>,
        %get3A_1468 = arith.index_cast %scan3A_38 : i32 to index
        %get3A_1469 = arith.constant 320 : index
        %get3A_1470 = tpu.vector_load %arg10[%get3A_1468, %get3A_1469] {strides = array<i32>} : memref<16x1024xf32, #tpu.memory_space<vmem>>, vector<1x16xf32>,
        %get3A_1471 = vector.shape_cast %get3A_1470 : vector<1x16xf32> to vector<16xf32>
        %get3A_1472 = arith.constant 0 : i32
        %get3A_1473 = arith.index_cast %get3A_1472 : i32 to index
        %get3A_1474 = arith.constant 320 : index
        %get3A_1475 = tpu.vector_load %arg7[%get3A_1473, %get3A_1474] {strides = array<i32>} : memref<1x1024xf32, #tpu.memory_space<vmem>>, vector<1x16xf32>,
        %get3A_1476 = vector.shape_cast %get3A_1475 : vector<1x16xf32> to vector<16xf32>
        %add3A_1477 = arith.addf %get3A_1471, %get3A_1476 : vector<16xf32>
        %get3A_1478 = arith.constant 320 : index
        %get3A_1479 = tpu.vector_load %arg8[%get3A_1478] {strides = array<i32>} : memref<1024xf32, #tpu.memory_space<vmem>>, vector<16xf32>,
        %get3A_1480 = vector.shape_cast %get3A_1479 : vector<16xf32> to vector<16xf32>
        %get3A_1481 = arith.constant 320 : index
        %get3A_1482 = tpu.vector_load %arg9[%get3A_1481] {strides = array<i32>} : memref<1024xf32, #tpu.memory_space<vmem>>, vector<16xf32>,
        %get3A_1483 = vector.shape_cast %get3A_1482 : vector<16xf32> to vector<16xf32>
        %sub3A_1484 = arith.subf %add3A_1477, %mul3A_902 : vector<16xf32>
        %mul3A_1485 = arith.mulf %sub3A_1484, %mul3A_968 : vector<16xf32>
        %mul3A_1486 = arith.mulf %mul3A_1485, %get3A_1480 : vector<16xf32>
        %add3A_1487 = arith.addf %mul3A_1486, %get3A_1483 : vector<16xf32>
        %swap3A_1488 = arith.index_cast %scan3A_38 : i32 to index
        %swap3A_1489 = arith.constant 320 : index
        %swap3A_1490 = tpu.vector_load %arg10[%swap3A_1488, %swap3A_1489] {strides = array<i32>} : memref<16x1024xf32, #tpu.memory_space<vmem>>, vector<1x16xf32>,
        %swap3A_1491 = vector.shape_cast %swap3A_1490 : vector<1x16xf32> to vector<16xf32>
        %swap3A_1492 = vector.shape_cast %add3A_1487 : vector<16xf32> to vector<1x16xf32>
        tpu.vector_store %arg10[%swap3A_1488, %swap3A_1489], %swap3A_1492 {strides = array<i32>} : memref<16x1024xf32, #tpu.memory_space<vmem>>, vector<1x16xf32>,
        %get3A_1493 = arith.index_cast %scan3A_38 : i32 to index
        %get3A_1494 = arith.constant 336 : index
        %get3A_1495 = tpu.vector_load %arg10[%get3A_1493, %get3A_1494] {strides = array<i32>} : memref<16x1024xf32, #tpu.memory_space<vmem>>, vector<1x16xf32>,
        %get3A_1496 = vector.shape_cast %get3A_1495 : vector<1x16xf32> to vector<16xf32>
        %get3A_1497 = arith.constant 0 : i32
        %get3A_1498 = arith.index_cast %get3A_1497 : i32 to index
        %get3A_1499 = arith.constant 336 : index
        %get3A_1500 = tpu.vector_load %arg7[%get3A_1498, %get3A_1499] {strides = array<i32>} : memref<1x1024xf32, #tpu.memory_space<vmem>>, vector<1x16xf32>,
        %get3A_1501 = vector.shape_cast %get3A_1500 : vector<1x16xf32> to vector<16xf32>
        %add3A_1502 = arith.addf %get3A_1496, %get3A_1501 : vector<16xf32>
        %get3A_1503 = arith.constant 336 : index
        %get3A_1504 = tpu.vector_load %arg8[%get3A_1503] {strides = array<i32>} : memref<1024xf32, #tpu.memory_space<vmem>>, vector<16xf32>,
        %get3A_1505 = vector.shape_cast %get3A_1504 : vector<16xf32> to vector<16xf32>
        %get3A_1506 = arith.constant 336 : index
        %get3A_1507 = tpu.vector_load %arg9[%get3A_1506] {strides = array<i32>} : memref<1024xf32, #tpu.memory_space<vmem>>, vector<16xf32>,
        %get3A_1508 = vector.shape_cast %get3A_1507 : vector<16xf32> to vector<16xf32>
        %sub3A_1509 = arith.subf %add3A_1502, %mul3A_902 : vector<16xf32>
        %mul3A_1510 = arith.mulf %sub3A_1509, %mul3A_968 : vector<16xf32>
        %mul3A_1511 = arith.mulf %mul3A_1510, %get3A_1505 : vector<16xf32>
        %add3A_1512 = arith.addf %mul3A_1511, %get3A_1508 : vector<16xf32>
        %swap3A_1513 = arith.index_cast %scan3A_38 : i32 to index
        %swap3A_1514 = arith.constant 336 : index
        %swap3A_1515 = tpu.vector_load %arg10[%swap3A_1513, %swap3A_1514] {strides = array<i32>} : memref<16x1024xf32, #tpu.memory_space<vmem>>, vector<1x16xf32>,
        %swap3A_1516 = vector.shape_cast %swap3A_1515 : vector<1x16xf32> to vector<16xf32>
        %swap3A_1517 = vector.shape_cast %add3A_1512 : vector<16xf32> to vector<1x16xf32>
        tpu.vector_store %arg10[%swap3A_1513, %swap3A_1514], %swap3A_1517 {strides = array<i32>} : memref<16x1024xf32, #tpu.memory_space<vmem>>, vector<1x16xf32>,
        %get3A_1518 = arith.index_cast %scan3A_38 : i32 to index
        %get3A_1519 = arith.constant 352 : index
        %get3A_1520 = tpu.vector_load %arg10[%get3A_1518, %get3A_1519] {strides = array<i32>} : memref<16x1024xf32, #tpu.memory_space<vmem>>, vector<1x16xf32>,
        %get3A_1521 = vector.shape_cast %get3A_1520 : vector<1x16xf32> to vector<16xf32>
        %get3A_1522 = arith.constant 0 : i32
        %get3A_1523 = arith.index_cast %get3A_1522 : i32 to index
        %get3A_1524 = arith.constant 352 : index
        %get3A_1525 = tpu.vector_load %arg7[%get3A_1523, %get3A_1524] {strides = array<i32>} : memref<1x1024xf32, #tpu.memory_space<vmem>>, vector<1x16xf32>,
        %get3A_1526 = vector.shape_cast %get3A_1525 : vector<1x16xf32> to vector<16xf32>
        %add3A_1527 = arith.addf %get3A_1521, %get3A_1526 : vector<16xf32>
        %get3A_1528 = arith.constant 352 : index
        %get3A_1529 = tpu.vector_load %arg8[%get3A_1528] {strides = array<i32>} : memref<1024xf32, #tpu.memory_space<vmem>>, vector<16xf32>,
        %get3A_1530 = vector.shape_cast %get3A_1529 : vector<16xf32> to vector<16xf32>
        %get3A_1531 = arith.constant 352 : index
        %get3A_1532 = tpu.vector_load %arg9[%get3A_1531] {strides = array<i32>} : memref<1024xf32, #tpu.memory_space<vmem>>, vector<16xf32>,
        %get3A_1533 = vector.shape_cast %get3A_1532 : vector<16xf32> to vector<16xf32>
        %sub3A_1534 = arith.subf %add3A_1527, %mul3A_902 : vector<16xf32>
        %mul3A_1535 = arith.mulf %sub3A_1534, %mul3A_968 : vector<16xf32>
        %mul3A_1536 = arith.mulf %mul3A_1535, %get3A_1530 : vector<16xf32>
        %add3A_1537 = arith.addf %mul3A_1536, %get3A_1533 : vector<16xf32>
        %swap3A_1538 = arith.index_cast %scan3A_38 : i32 to index
        %swap3A_1539 = arith.constant 352 : index
        %swap3A_1540 = tpu.vector_load %arg10[%swap3A_1538, %swap3A_1539] {strides = array<i32>} : memref<16x1024xf32, #tpu.memory_space<vmem>>, vector<1x16xf32>,
        %swap3A_1541 = vector.shape_cast %swap3A_1540 : vector<1x16xf32> to vector<16xf32>
        %swap3A_1542 = vector.shape_cast %add3A_1537 : vector<16xf32> to vector<1x16xf32>
        tpu.vector_store %arg10[%swap3A_1538, %swap3A_1539], %swap3A_1542 {strides = array<i32>} : memref<16x1024xf32, #tpu.memory_space<vmem>>, vector<1x16xf32>,
        %get3A_1543 = arith.index_cast %scan3A_38 : i32 to index
        %get3A_1544 = arith.constant 368 : index
        %get3A_1545 = tpu.vector_load %arg10[%get3A_1543, %get3A_1544] {strides = array<i32>} : memref<16x1024xf32, #tpu.memory_space<vmem>>, vector<1x16xf32>,
        %get3A_1546 = vector.shape_cast %get3A_1545 : vector<1x16xf32> to vector<16xf32>
        %get3A_1547 = arith.constant 0 : i32
        %get3A_1548 = arith.index_cast %get3A_1547 : i32 to index
        %get3A_1549 = arith.constant 368 : index
        %get3A_1550 = tpu.vector_load %arg7[%get3A_1548, %get3A_1549] {strides = array<i32>} : memref<1x1024xf32, #tpu.memory_space<vmem>>, vector<1x16xf32>,
        %get3A_1551 = vector.shape_cast %get3A_1550 : vector<1x16xf32> to vector<16xf32>
        %add3A_1552 = arith.addf %get3A_1546, %get3A_1551 : vector<16xf32>
        %get3A_1553 = arith.constant 368 : index
        %get3A_1554 = tpu.vector_load %arg8[%get3A_1553] {strides = array<i32>} : memref<1024xf32, #tpu.memory_space<vmem>>, vector<16xf32>,
        %get3A_1555 = vector.shape_cast %get3A_1554 : vector<16xf32> to vector<16xf32>
        %get3A_1556 = arith.constant 368 : index
        %get3A_1557 = tpu.vector_load %arg9[%get3A_1556] {strides = array<i32>} : memref<1024xf32, #tpu.memory_space<vmem>>, vector<16xf32>,
        %get3A_1558 = vector.shape_cast %get3A_1557 : vector<16xf32> to vector<16xf32>
        %sub3A_1559 = arith.subf %add3A_1552, %mul3A_902 : vector<16xf32>
        %mul3A_1560 = arith.mulf %sub3A_1559, %mul3A_968 : vector<16xf32>
        %mul3A_1561 = arith.mulf %mul3A_1560, %get3A_1555 : vector<16xf32>
        %add3A_1562 = arith.addf %mul3A_1561, %get3A_1558 : vector<16xf32>
        %swap3A_1563 = arith.index_cast %scan3A_38 : i32 to index
        %swap3A_1564 = arith.constant 368 : index
        %swap3A_1565 = tpu.vector_load %arg10[%swap3A_1563, %swap3A_1564] {strides = array<i32>} : memref<16x1024xf32, #tpu.memory_space<vmem>>, vector<1x16xf32>,
        %swap3A_1566 = vector.shape_cast %swap3A_1565 : vector<1x16xf32> to vector<16xf32>
        %swap3A_1567 = vector.shape_cast %add3A_1562 : vector<16xf32> to vector<1x16xf32>
        tpu.vector_store %arg10[%swap3A_1563, %swap3A_1564], %swap3A_1567 {strides = array<i32>} : memref<16x1024xf32, #tpu.memory_space<vmem>>, vector<1x16xf32>,
        %get3A_1568 = arith.index_cast %scan3A_38 : i32 to index
        %get3A_1569 = arith.constant 384 : index
        %get3A_1570 = tpu.vector_load %arg10[%get3A_1568, %get3A_1569] {strides = array<i32>} : memref<16x1024xf32, #tpu.memory_space<vmem>>, vector<1x16xf32>,
        %get3A_1571 = vector.shape_cast %get3A_1570 : vector<1x16xf32> to vector<16xf32>
        %get3A_1572 = arith.constant 0 : i32
        %get3A_1573 = arith.index_cast %get3A_1572 : i32 to index
        %get3A_1574 = arith.constant 384 : index
        %get3A_1575 = tpu.vector_load %arg7[%get3A_1573, %get3A_1574] {strides = array<i32>} : memref<1x1024xf32, #tpu.memory_space<vmem>>, vector<1x16xf32>,
        %get3A_1576 = vector.shape_cast %get3A_1575 : vector<1x16xf32> to vector<16xf32>
        %add3A_1577 = arith.addf %get3A_1571, %get3A_1576 : vector<16xf32>
        %get3A_1578 = arith.constant 384 : index
        %get3A_1579 = tpu.vector_load %arg8[%get3A_1578] {strides = array<i32>} : memref<1024xf32, #tpu.memory_space<vmem>>, vector<16xf32>,
        %get3A_1580 = vector.shape_cast %get3A_1579 : vector<16xf32> to vector<16xf32>
        %get3A_1581 = arith.constant 384 : index
        %get3A_1582 = tpu.vector_load %arg9[%get3A_1581] {strides = array<i32>} : memref<1024xf32, #tpu.memory_space<vmem>>, vector<16xf32>,
        %get3A_1583 = vector.shape_cast %get3A_1582 : vector<16xf32> to vector<16xf32>
        %sub3A_1584 = arith.subf %add3A_1577, %mul3A_902 : vector<16xf32>
        %mul3A_1585 = arith.mulf %sub3A_1584, %mul3A_968 : vector<16xf32>
        %mul3A_1586 = arith.mulf %mul3A_1585, %get3A_1580 : vector<16xf32>
        %add3A_1587 = arith.addf %mul3A_1586, %get3A_1583 : vector<16xf32>
        %swap3A_1588 = arith.index_cast %scan3A_38 : i32 to index
        %swap3A_1589 = arith.constant 384 : index
        %swap3A_1590 = tpu.vector_load %arg10[%swap3A_1588, %swap3A_1589] {strides = array<i32>} : memref<16x1024xf32, #tpu.memory_space<vmem>>, vector<1x16xf32>,
        %swap3A_1591 = vector.shape_cast %swap3A_1590 : vector<1x16xf32> to vector<16xf32>
        %swap3A_1592 = vector.shape_cast %add3A_1587 : vector<16xf32> to vector<1x16xf32>
        tpu.vector_store %arg10[%swap3A_1588, %swap3A_1589], %swap3A_1592 {strides = array<i32>} : memref<16x1024xf32, #tpu.memory_space<vmem>>, vector<1x16xf32>,
        %get3A_1593 = arith.index_cast %scan3A_38 : i32 to index
        %get3A_1594 = arith.constant 400 : index
        %get3A_1595 = tpu.vector_load %arg10[%get3A_1593, %get3A_1594] {strides = array<i32>} : memref<16x1024xf32, #tpu.memory_space<vmem>>, vector<1x16xf32>,
        %get3A_1596 = vector.shape_cast %get3A_1595 : vector<1x16xf32> to vector<16xf32>
        %get3A_1597 = arith.constant 0 : i32
        %get3A_1598 = arith.index_cast %get3A_1597 : i32 to index
        %get3A_1599 = arith.constant 400 : index
        %get3A_1600 = tpu.vector_load %arg7[%get3A_1598, %get3A_1599] {strides = array<i32>} : memref<1x1024xf32, #tpu.memory_space<vmem>>, vector<1x16xf32>,
        %get3A_1601 = vector.shape_cast %get3A_1600 : vector<1x16xf32> to vector<16xf32>
        %add3A_1602 = arith.addf %get3A_1596, %get3A_1601 : vector<16xf32>
        %get3A_1603 = arith.constant 400 : index
        %get3A_1604 = tpu.vector_load %arg8[%get3A_1603] {strides = array<i32>} : memref<1024xf32, #tpu.memory_space<vmem>>, vector<16xf32>,
        %get3A_1605 = vector.shape_cast %get3A_1604 : vector<16xf32> to vector<16xf32>
        %get3A_1606 = arith.constant 400 : index
        %get3A_1607 = tpu.vector_load %arg9[%get3A_1606] {strides = array<i32>} : memref<1024xf32, #tpu.memory_space<vmem>>, vector<16xf32>,
        %get3A_1608 = vector.shape_cast %get3A_1607 : vector<16xf32> to vector<16xf32>
        %sub3A_1609 = arith.subf %add3A_1602, %mul3A_902 : vector<16xf32>
        %mul3A_1610 = arith.mulf %sub3A_1609, %mul3A_968 : vector<16xf32>
        %mul3A_1611 = arith.mulf %mul3A_1610, %get3A_1605 : vector<16xf32>
        %add3A_1612 = arith.addf %mul3A_1611, %get3A_1608 : vector<16xf32>
        %swap3A_1613 = arith.index_cast %scan3A_38 : i32 to index
        %swap3A_1614 = arith.constant 400 : index
        %swap3A_1615 = tpu.vector_load %arg10[%swap3A_1613, %swap3A_1614] {strides = array<i32>} : memref<16x1024xf32, #tpu.memory_space<vmem>>, vector<1x16xf32>,
        %swap3A_1616 = vector.shape_cast %swap3A_1615 : vector<1x16xf32> to vector<16xf32>
        %swap3A_1617 = vector.shape_cast %add3A_1612 : vector<16xf32> to vector<1x16xf32>
        tpu.vector_store %arg10[%swap3A_1613, %swap3A_1614], %swap3A_1617 {strides = array<i32>} : memref<16x1024xf32, #tpu.memory_space<vmem>>, vector<1x16xf32>,
        %get3A_1618 = arith.index_cast %scan3A_38 : i32 to index
        %get3A_1619 = arith.constant 416 : index
        %get3A_1620 = tpu.vector_load %arg10[%get3A_1618, %get3A_1619] {strides = array<i32>} : memref<16x1024xf32, #tpu.memory_space<vmem>>, vector<1x16xf32>,
        %get3A_1621 = vector.shape_cast %get3A_1620 : vector<1x16xf32> to vector<16xf32>
        %get3A_1622 = arith.constant 0 : i32
        %get3A_1623 = arith.index_cast %get3A_1622 : i32 to index
        %get3A_1624 = arith.constant 416 : index
        %get3A_1625 = tpu.vector_load %arg7[%get3A_1623, %get3A_1624] {strides = array<i32>} : memref<1x1024xf32, #tpu.memory_space<vmem>>, vector<1x16xf32>,
        %get3A_1626 = vector.shape_cast %get3A_1625 : vector<1x16xf32> to vector<16xf32>
        %add3A_1627 = arith.addf %get3A_1621, %get3A_1626 : vector<16xf32>
        %get3A_1628 = arith.constant 416 : index
        %get3A_1629 = tpu.vector_load %arg8[%get3A_1628] {strides = array<i32>} : memref<1024xf32, #tpu.memory_space<vmem>>, vector<16xf32>,
        %get3A_1630 = vector.shape_cast %get3A_1629 : vector<16xf32> to vector<16xf32>
        %get3A_1631 = arith.constant 416 : index
        %get3A_1632 = tpu.vector_load %arg9[%get3A_1631] {strides = array<i32>} : memref<1024xf32, #tpu.memory_space<vmem>>, vector<16xf32>,
        %get3A_1633 = vector.shape_cast %get3A_1632 : vector<16xf32> to vector<16xf32>
        %sub3A_1634 = arith.subf %add3A_1627, %mul3A_902 : vector<16xf32>
        %mul3A_1635 = arith.mulf %sub3A_1634, %mul3A_968 : vector<16xf32>
        %mul3A_1636 = arith.mulf %mul3A_1635, %get3A_1630 : vector<16xf32>
        %add3A_1637 = arith.addf %mul3A_1636, %get3A_1633 : vector<16xf32>
        %swap3A_1638 = arith.index_cast %scan3A_38 : i32 to index
        %swap3A_1639 = arith.constant 416 : index
        %swap3A_1640 = tpu.vector_load %arg10[%swap3A_1638, %swap3A_1639] {strides = array<i32>} : memref<16x1024xf32, #tpu.memory_space<vmem>>, vector<1x16xf32>,
        %swap3A_1641 = vector.shape_cast %swap3A_1640 : vector<1x16xf32> to vector<16xf32>
        %swap3A_1642 = vector.shape_cast %add3A_1637 : vector<16xf32> to vector<1x16xf32>
        tpu.vector_store %arg10[%swap3A_1638, %swap3A_1639], %swap3A_1642 {strides = array<i32>} : memref<16x1024xf32, #tpu.memory_space<vmem>>, vector<1x16xf32>,
        %get3A_1643 = arith.index_cast %scan3A_38 : i32 to index
        %get3A_1644 = arith.constant 432 : index
        %get3A_1645 = tpu.vector_load %arg10[%get3A_1643, %get3A_1644] {strides = array<i32>} : memref<16x1024xf32, #tpu.memory_space<vmem>>, vector<1x16xf32>,
        %get3A_1646 = vector.shape_cast %get3A_1645 : vector<1x16xf32> to vector<16xf32>
        %get3A_1647 = arith.constant 0 : i32
        %get3A_1648 = arith.index_cast %get3A_1647 : i32 to index
        %get3A_1649 = arith.constant 432 : index
        %get3A_1650 = tpu.vector_load %arg7[%get3A_1648, %get3A_1649] {strides = array<i32>} : memref<1x1024xf32, #tpu.memory_space<vmem>>, vector<1x16xf32>,
        %get3A_1651 = vector.shape_cast %get3A_1650 : vector<1x16xf32> to vector<16xf32>
        %add3A_1652 = arith.addf %get3A_1646, %get3A_1651 : vector<16xf32>
        %get3A_1653 = arith.constant 432 : index
        %get3A_1654 = tpu.vector_load %arg8[%get3A_1653] {strides = array<i32>} : memref<1024xf32, #tpu.memory_space<vmem>>, vector<16xf32>,
        %get3A_1655 = vector.shape_cast %get3A_1654 : vector<16xf32> to vector<16xf32>
        %get3A_1656 = arith.constant 432 : index
        %get3A_1657 = tpu.vector_load %arg9[%get3A_1656] {strides = array<i32>} : memref<1024xf32, #tpu.memory_space<vmem>>, vector<16xf32>,
        %get3A_1658 = vector.shape_cast %get3A_1657 : vector<16xf32> to vector<16xf32>
        %sub3A_1659 = arith.subf %add3A_1652, %mul3A_902 : vector<16xf32>
        %mul3A_1660 = arith.mulf %sub3A_1659, %mul3A_968 : vector<16xf32>
        %mul3A_1661 = arith.mulf %mul3A_1660, %get3A_1655 : vector<16xf32>
        %add3A_1662 = arith.addf %mul3A_1661, %get3A_1658 : vector<16xf32>
        %swap3A_1663 = arith.index_cast %scan3A_38 : i32 to index
        %swap3A_1664 = arith.constant 432 : index
        %swap3A_1665 = tpu.vector_load %arg10[%swap3A_1663, %swap3A_1664] {strides = array<i32>} : memref<16x1024xf32, #tpu.memory_space<vmem>>, vector<1x16xf32>,
        %swap3A_1666 = vector.shape_cast %swap3A_1665 : vector<1x16xf32> to vector<16xf32>
        %swap3A_1667 = vector.shape_cast %add3A_1662 : vector<16xf32> to vector<1x16xf32>
        tpu.vector_store %arg10[%swap3A_1663, %swap3A_1664], %swap3A_1667 {strides = array<i32>} : memref<16x1024xf32, #tpu.memory_space<vmem>>, vector<1x16xf32>,
        %get3A_1668 = arith.index_cast %scan3A_38 : i32 to index
        %get3A_1669 = arith.constant 448 : index
        %get3A_1670 = tpu.vector_load %arg10[%get3A_1668, %get3A_1669] {strides = array<i32>} : memref<16x1024xf32, #tpu.memory_space<vmem>>, vector<1x16xf32>,
        %get3A_1671 = vector.shape_cast %get3A_1670 : vector<1x16xf32> to vector<16xf32>
        %get3A_1672 = arith.constant 0 : i32
        %get3A_1673 = arith.index_cast %get3A_1672 : i32 to index
        %get3A_1674 = arith.constant 448 : index
        %get3A_1675 = tpu.vector_load %arg7[%get3A_1673, %get3A_1674] {strides = array<i32>} : memref<1x1024xf32, #tpu.memory_space<vmem>>, vector<1x16xf32>,
        %get3A_1676 = vector.shape_cast %get3A_1675 : vector<1x16xf32> to vector<16xf32>
        %add3A_1677 = arith.addf %get3A_1671, %get3A_1676 : vector<16xf32>
        %get3A_1678 = arith.constant 448 : index
        %get3A_1679 = tpu.vector_load %arg8[%get3A_1678] {strides = array<i32>} : memref<1024xf32, #tpu.memory_space<vmem>>, vector<16xf32>,
        %get3A_1680 = vector.shape_cast %get3A_1679 : vector<16xf32> to vector<16xf32>
        %get3A_1681 = arith.constant 448 : index
        %get3A_1682 = tpu.vector_load %arg9[%get3A_1681] {strides = array<i32>} : memref<1024xf32, #tpu.memory_space<vmem>>, vector<16xf32>,
        %get3A_1683 = vector.shape_cast %get3A_1682 : vector<16xf32> to vector<16xf32>
        %sub3A_1684 = arith.subf %add3A_1677, %mul3A_902 : vector<16xf32>
        %mul3A_1685 = arith.mulf %sub3A_1684, %mul3A_968 : vector<16xf32>
        %mul3A_1686 = arith.mulf %mul3A_1685, %get3A_1680 : vector<16xf32>
        %add3A_1687 = arith.addf %mul3A_1686, %get3A_1683 : vector<16xf32>
        %swap3A_1688 = arith.index_cast %scan3A_38 : i32 to index
        %swap3A_1689 = arith.constant 448 : index
        %swap3A_1690 = tpu.vector_load %arg10[%swap3A_1688, %swap3A_1689] {strides = array<i32>} : memref<16x1024xf32, #tpu.memory_space<vmem>>, vector<1x16xf32>,
        %swap3A_1691 = vector.shape_cast %swap3A_1690 : vector<1x16xf32> to vector<16xf32>
        %swap3A_1692 = vector.shape_cast %add3A_1687 : vector<16xf32> to vector<1x16xf32>
        tpu.vector_store %arg10[%swap3A_1688, %swap3A_1689], %swap3A_1692 {strides = array<i32>} : memref<16x1024xf32, #tpu.memory_space<vmem>>, vector<1x16xf32>,
        %get3A_1693 = arith.index_cast %scan3A_38 : i32 to index
        %get3A_1694 = arith.constant 464 : index
        %get3A_1695 = tpu.vector_load %arg10[%get3A_1693, %get3A_1694] {strides = array<i32>} : memref<16x1024xf32, #tpu.memory_space<vmem>>, vector<1x16xf32>,
        %get3A_1696 = vector.shape_cast %get3A_1695 : vector<1x16xf32> to vector<16xf32>
        %get3A_1697 = arith.constant 0 : i32
        %get3A_1698 = arith.index_cast %get3A_1697 : i32 to index
        %get3A_1699 = arith.constant 464 : index
        %get3A_1700 = tpu.vector_load %arg7[%get3A_1698, %get3A_1699] {strides = array<i32>} : memref<1x1024xf32, #tpu.memory_space<vmem>>, vector<1x16xf32>,
        %get3A_1701 = vector.shape_cast %get3A_1700 : vector<1x16xf32> to vector<16xf32>
        %add3A_1702 = arith.addf %get3A_1696, %get3A_1701 : vector<16xf32>
        %get3A_1703 = arith.constant 464 : index
        %get3A_1704 = tpu.vector_load %arg8[%get3A_1703] {strides = array<i32>} : memref<1024xf32, #tpu.memory_space<vmem>>, vector<16xf32>,
        %get3A_1705 = vector.shape_cast %get3A_1704 : vector<16xf32> to vector<16xf32>
        %get3A_1706 = arith.constant 464 : index
        %get3A_1707 = tpu.vector_load %arg9[%get3A_1706] {strides = array<i32>} : memref<1024xf32, #tpu.memory_space<vmem>>, vector<16xf32>,
        %get3A_1708 = vector.shape_cast %get3A_1707 : vector<16xf32> to vector<16xf32>
        %sub3A_1709 = arith.subf %add3A_1702, %mul3A_902 : vector<16xf32>
        %mul3A_1710 = arith.mulf %sub3A_1709, %mul3A_968 : vector<16xf32>
        %mul3A_1711 = arith.mulf %mul3A_1710, %get3A_1705 : vector<16xf32>
        %add3A_1712 = arith.addf %mul3A_1711, %get3A_1708 : vector<16xf32>
        %swap3A_1713 = arith.index_cast %scan3A_38 : i32 to index
        %swap3A_1714 = arith.constant 464 : index
        %swap3A_1715 = tpu.vector_load %arg10[%swap3A_1713, %swap3A_1714] {strides = array<i32>} : memref<16x1024xf32, #tpu.memory_space<vmem>>, vector<1x16xf32>,
        %swap3A_1716 = vector.shape_cast %swap3A_1715 : vector<1x16xf32> to vector<16xf32>
        %swap3A_1717 = vector.shape_cast %add3A_1712 : vector<16xf32> to vector<1x16xf32>
        tpu.vector_store %arg10[%swap3A_1713, %swap3A_1714], %swap3A_1717 {strides = array<i32>} : memref<16x1024xf32, #tpu.memory_space<vmem>>, vector<1x16xf32>,
        %get3A_1718 = arith.index_cast %scan3A_38 : i32 to index
        %get3A_1719 = arith.constant 480 : index
        %get3A_1720 = tpu.vector_load %arg10[%get3A_1718, %get3A_1719] {strides = array<i32>} : memref<16x1024xf32, #tpu.memory_space<vmem>>, vector<1x16xf32>,
        %get3A_1721 = vector.shape_cast %get3A_1720 : vector<1x16xf32> to vector<16xf32>
        %get3A_1722 = arith.constant 0 : i32
        %get3A_1723 = arith.index_cast %get3A_1722 : i32 to index
        %get3A_1724 = arith.constant 480 : index
        %get3A_1725 = tpu.vector_load %arg7[%get3A_1723, %get3A_1724] {strides = array<i32>} : memref<1x1024xf32, #tpu.memory_space<vmem>>, vector<1x16xf32>,
        %get3A_1726 = vector.shape_cast %get3A_1725 : vector<1x16xf32> to vector<16xf32>
        %add3A_1727 = arith.addf %get3A_1721, %get3A_1726 : vector<16xf32>
        %get3A_1728 = arith.constant 480 : index
        %get3A_1729 = tpu.vector_load %arg8[%get3A_1728] {strides = array<i32>} : memref<1024xf32, #tpu.memory_space<vmem>>, vector<16xf32>,
        %get3A_1730 = vector.shape_cast %get3A_1729 : vector<16xf32> to vector<16xf32>
        %get3A_1731 = arith.constant 480 : index
        %get3A_1732 = tpu.vector_load %arg9[%get3A_1731] {strides = array<i32>} : memref<1024xf32, #tpu.memory_space<vmem>>, vector<16xf32>,
        %get3A_1733 = vector.shape_cast %get3A_1732 : vector<16xf32> to vector<16xf32>
        %sub3A_1734 = arith.subf %add3A_1727, %mul3A_902 : vector<16xf32>
        %mul3A_1735 = arith.mulf %sub3A_1734, %mul3A_968 : vector<16xf32>
        %mul3A_1736 = arith.mulf %mul3A_1735, %get3A_1730 : vector<16xf32>
        %add3A_1737 = arith.addf %mul3A_1736, %get3A_1733 : vector<16xf32>
        %swap3A_1738 = arith.index_cast %scan3A_38 : i32 to index
        %swap3A_1739 = arith.constant 480 : index
        %swap3A_1740 = tpu.vector_load %arg10[%swap3A_1738, %swap3A_1739] {strides = array<i32>} : memref<16x1024xf32, #tpu.memory_space<vmem>>, vector<1x16xf32>,
        %swap3A_1741 = vector.shape_cast %swap3A_1740 : vector<1x16xf32> to vector<16xf32>
        %swap3A_1742 = vector.shape_cast %add3A_1737 : vector<16xf32> to vector<1x16xf32>
        tpu.vector_store %arg10[%swap3A_1738, %swap3A_1739], %swap3A_1742 {strides = array<i32>} : memref<16x1024xf32, #tpu.memory_space<vmem>>, vector<1x16xf32>,
        %get3A_1743 = arith.index_cast %scan3A_38 : i32 to index
        %get3A_1744 = arith.constant 496 : index
        %get3A_1745 = tpu.vector_load %arg10[%get3A_1743, %get3A_1744] {strides = array<i32>} : memref<16x1024xf32, #tpu.memory_space<vmem>>, vector<1x16xf32>,
        %get3A_1746 = vector.shape_cast %get3A_1745 : vector<1x16xf32> to vector<16xf32>
        %get3A_1747 = arith.constant 0 : i32
        %get3A_1748 = arith.index_cast %get3A_1747 : i32 to index
        %get3A_1749 = arith.constant 496 : index
        %get3A_1750 = tpu.vector_load %arg7[%get3A_1748, %get3A_1749] {strides = array<i32>} : memref<1x1024xf32, #tpu.memory_space<vmem>>, vector<1x16xf32>,
        %get3A_1751 = vector.shape_cast %get3A_1750 : vector<1x16xf32> to vector<16xf32>
        %add3A_1752 = arith.addf %get3A_1746, %get3A_1751 : vector<16xf32>
        %get3A_1753 = arith.constant 496 : index
        %get3A_1754 = tpu.vector_load %arg8[%get3A_1753] {strides = array<i32>} : memref<1024xf32, #tpu.memory_space<vmem>>, vector<16xf32>,
        %get3A_1755 = vector.shape_cast %get3A_1754 : vector<16xf32> to vector<16xf32>
        %get3A_1756 = arith.constant 496 : index
        %get3A_1757 = tpu.vector_load %arg9[%get3A_1756] {strides = array<i32>} : memref<1024xf32, #tpu.memory_space<vmem>>, vector<16xf32>,
        %get3A_1758 = vector.shape_cast %get3A_1757 : vector<16xf32> to vector<16xf32>
        %sub3A_1759 = arith.subf %add3A_1752, %mul3A_902 : vector<16xf32>
        %mul3A_1760 = arith.mulf %sub3A_1759, %mul3A_968 : vector<16xf32>
        %mul3A_1761 = arith.mulf %mul3A_1760, %get3A_1755 : vector<16xf32>
        %add3A_1762 = arith.addf %mul3A_1761, %get3A_1758 : vector<16xf32>
        %swap3A_1763 = arith.index_cast %scan3A_38 : i32 to index
        %swap3A_1764 = arith.constant 496 : index
        %swap3A_1765 = tpu.vector_load %arg10[%swap3A_1763, %swap3A_1764] {strides = array<i32>} : memref<16x1024xf32, #tpu.memory_space<vmem>>, vector<1x16xf32>,
        %swap3A_1766 = vector.shape_cast %swap3A_1765 : vector<1x16xf32> to vector<16xf32>
        %swap3A_1767 = vector.shape_cast %add3A_1762 : vector<16xf32> to vector<1x16xf32>
        tpu.vector_store %arg10[%swap3A_1763, %swap3A_1764], %swap3A_1767 {strides = array<i32>} : memref<16x1024xf32, #tpu.memory_space<vmem>>, vector<1x16xf32>,
        %get3A_1768 = arith.index_cast %scan3A_38 : i32 to index
        %get3A_1769 = arith.constant 512 : index
        %get3A_1770 = tpu.vector_load %arg10[%get3A_1768, %get3A_1769] {strides = array<i32>} : memref<16x1024xf32, #tpu.memory_space<vmem>>, vector<1x16xf32>,
        %get3A_1771 = vector.shape_cast %get3A_1770 : vector<1x16xf32> to vector<16xf32>
        %get3A_1772 = arith.constant 0 : i32
        %get3A_1773 = arith.index_cast %get3A_1772 : i32 to index
        %get3A_1774 = arith.constant 512 : index
        %get3A_1775 = tpu.vector_load %arg7[%get3A_1773, %get3A_1774] {strides = array<i32>} : memref<1x1024xf32, #tpu.memory_space<vmem>>, vector<1x16xf32>,
        %get3A_1776 = vector.shape_cast %get3A_1775 : vector<1x16xf32> to vector<16xf32>
        %add3A_1777 = arith.addf %get3A_1771, %get3A_1776 : vector<16xf32>
        %get3A_1778 = arith.constant 512 : index
        %get3A_1779 = tpu.vector_load %arg8[%get3A_1778] {strides = array<i32>} : memref<1024xf32, #tpu.memory_space<vmem>>, vector<16xf32>,
        %get3A_1780 = vector.shape_cast %get3A_1779 : vector<16xf32> to vector<16xf32>
        %get3A_1781 = arith.constant 512 : index
        %get3A_1782 = tpu.vector_load %arg9[%get3A_1781] {strides = array<i32>} : memref<1024xf32, #tpu.memory_space<vmem>>, vector<16xf32>,
        %get3A_1783 = vector.shape_cast %get3A_1782 : vector<16xf32> to vector<16xf32>
        %sub3A_1784 = arith.subf %add3A_1777, %mul3A_902 : vector<16xf32>
        %mul3A_1785 = arith.mulf %sub3A_1784, %mul3A_968 : vector<16xf32>
        %mul3A_1786 = arith.mulf %mul3A_1785, %get3A_1780 : vector<16xf32>
        %add3A_1787 = arith.addf %mul3A_1786, %get3A_1783 : vector<16xf32>
        %swap3A_1788 = arith.index_cast %scan3A_38 : i32 to index
        %swap3A_1789 = arith.constant 512 : index
        %swap3A_1790 = tpu.vector_load %arg10[%swap3A_1788, %swap3A_1789] {strides = array<i32>} : memref<16x1024xf32, #tpu.memory_space<vmem>>, vector<1x16xf32>,
        %swap3A_1791 = vector.shape_cast %swap3A_1790 : vector<1x16xf32> to vector<16xf32>
        %swap3A_1792 = vector.shape_cast %add3A_1787 : vector<16xf32> to vector<1x16xf32>
        tpu.vector_store %arg10[%swap3A_1788, %swap3A_1789], %swap3A_1792 {strides = array<i32>} : memref<16x1024xf32, #tpu.memory_space<vmem>>, vector<1x16xf32>,
        %get3A_1793 = arith.index_cast %scan3A_38 : i32 to index
        %get3A_1794 = arith.constant 528 : index
        %get3A_1795 = tpu.vector_load %arg10[%get3A_1793, %get3A_1794] {strides = array<i32>} : memref<16x1024xf32, #tpu.memory_space<vmem>>, vector<1x16xf32>,
        %get3A_1796 = vector.shape_cast %get3A_1795 : vector<1x16xf32> to vector<16xf32>
        %get3A_1797 = arith.constant 0 : i32
        %get3A_1798 = arith.index_cast %get3A_1797 : i32 to index
        %get3A_1799 = arith.constant 528 : index
        %get3A_1800 = tpu.vector_load %arg7[%get3A_1798, %get3A_1799] {strides = array<i32>} : memref<1x1024xf32, #tpu.memory_space<vmem>>, vector<1x16xf32>,
        %get3A_1801 = vector.shape_cast %get3A_1800 : vector<1x16xf32> to vector<16xf32>
        %add3A_1802 = arith.addf %get3A_1796, %get3A_1801 : vector<16xf32>
        %get3A_1803 = arith.constant 528 : index
        %get3A_1804 = tpu.vector_load %arg8[%get3A_1803] {strides = array<i32>} : memref<1024xf32, #tpu.memory_space<vmem>>, vector<16xf32>,
        %get3A_1805 = vector.shape_cast %get3A_1804 : vector<16xf32> to vector<16xf32>
        %get3A_1806 = arith.constant 528 : index
        %get3A_1807 = tpu.vector_load %arg9[%get3A_1806] {strides = array<i32>} : memref<1024xf32, #tpu.memory_space<vmem>>, vector<16xf32>,
        %get3A_1808 = vector.shape_cast %get3A_1807 : vector<16xf32> to vector<16xf32>
        %sub3A_1809 = arith.subf %add3A_1802, %mul3A_902 : vector<16xf32>
        %mul3A_1810 = arith.mulf %sub3A_1809, %mul3A_968 : vector<16xf32>
        %mul3A_1811 = arith.mulf %mul3A_1810, %get3A_1805 : vector<16xf32>
        %add3A_1812 = arith.addf %mul3A_1811, %get3A_1808 : vector<16xf32>
        %swap3A_1813 = arith.index_cast %scan3A_38 : i32 to index
        %swap3A_1814 = arith.constant 528 : index
        %swap3A_1815 = tpu.vector_load %arg10[%swap3A_1813, %swap3A_1814] {strides = array<i32>} : memref<16x1024xf32, #tpu.memory_space<vmem>>, vector<1x16xf32>,
        %swap3A_1816 = vector.shape_cast %swap3A_1815 : vector<1x16xf32> to vector<16xf32>
        %swap3A_1817 = vector.shape_cast %add3A_1812 : vector<16xf32> to vector<1x16xf32>
        tpu.vector_store %arg10[%swap3A_1813, %swap3A_1814], %swap3A_1817 {strides = array<i32>} : memref<16x1024xf32, #tpu.memory_space<vmem>>, vector<1x16xf32>,
        %get3A_1818 = arith.index_cast %scan3A_38 : i32 to index
        %get3A_1819 = arith.constant 544 : index
        %get3A_1820 = tpu.vector_load %arg10[%get3A_1818, %get3A_1819] {strides = array<i32>} : memref<16x1024xf32, #tpu.memory_space<vmem>>, vector<1x16xf32>,
        %get3A_1821 = vector.shape_cast %get3A_1820 : vector<1x16xf32> to vector<16xf32>
        %get3A_1822 = arith.constant 0 : i32
        %get3A_1823 = arith.index_cast %get3A_1822 : i32 to index
        %get3A_1824 = arith.constant 544 : index
        %get3A_1825 = tpu.vector_load %arg7[%get3A_1823, %get3A_1824] {strides = array<i32>} : memref<1x1024xf32, #tpu.memory_space<vmem>>, vector<1x16xf32>,
        %get3A_1826 = vector.shape_cast %get3A_1825 : vector<1x16xf32> to vector<16xf32>
        %add3A_1827 = arith.addf %get3A_1821, %get3A_1826 : vector<16xf32>
        %get3A_1828 = arith.constant 544 : index
        %get3A_1829 = tpu.vector_load %arg8[%get3A_1828] {strides = array<i32>} : memref<1024xf32, #tpu.memory_space<vmem>>, vector<16xf32>,
        %get3A_1830 = vector.shape_cast %get3A_1829 : vector<16xf32> to vector<16xf32>
        %get3A_1831 = arith.constant 544 : index
        %get3A_1832 = tpu.vector_load %arg9[%get3A_1831] {strides = array<i32>} : memref<1024xf32, #tpu.memory_space<vmem>>, vector<16xf32>,
        %get3A_1833 = vector.shape_cast %get3A_1832 : vector<16xf32> to vector<16xf32>
        %sub3A_1834 = arith.subf %add3A_1827, %mul3A_902 : vector<16xf32>
        %mul3A_1835 = arith.mulf %sub3A_1834, %mul3A_968 : vector<16xf32>
        %mul3A_1836 = arith.mulf %mul3A_1835, %get3A_1830 : vector<16xf32>
        %add3A_1837 = arith.addf %mul3A_1836, %get3A_1833 : vector<16xf32>
        %swap3A_1838 = arith.index_cast %scan3A_38 : i32 to index
        %swap3A_1839 = arith.constant 544 : index
        %swap3A_1840 = tpu.vector_load %arg10[%swap3A_1838, %swap3A_1839] {strides = array<i32>} : memref<16x1024xf32, #tpu.memory_space<vmem>>, vector<1x16xf32>,
        %swap3A_1841 = vector.shape_cast %swap3A_1840 : vector<1x16xf32> to vector<16xf32>
        %swap3A_1842 = vector.shape_cast %add3A_1837 : vector<16xf32> to vector<1x16xf32>
        tpu.vector_store %arg10[%swap3A_1838, %swap3A_1839], %swap3A_1842 {strides = array<i32>} : memref<16x1024xf32, #tpu.memory_space<vmem>>, vector<1x16xf32>,
        %get3A_1843 = arith.index_cast %scan3A_38 : i32 to index
        %get3A_1844 = arith.constant 560 : index
        %get3A_1845 = tpu.vector_load %arg10[%get3A_1843, %get3A_1844] {strides = array<i32>} : memref<16x1024xf32, #tpu.memory_space<vmem>>, vector<1x16xf32>,
        %get3A_1846 = vector.shape_cast %get3A_1845 : vector<1x16xf32> to vector<16xf32>
        %get3A_1847 = arith.constant 0 : i32
        %get3A_1848 = arith.index_cast %get3A_1847 : i32 to index
        %get3A_1849 = arith.constant 560 : index
        %get3A_1850 = tpu.vector_load %arg7[%get3A_1848, %get3A_1849] {strides = array<i32>} : memref<1x1024xf32, #tpu.memory_space<vmem>>, vector<1x16xf32>,
        %get3A_1851 = vector.shape_cast %get3A_1850 : vector<1x16xf32> to vector<16xf32>
        %add3A_1852 = arith.addf %get3A_1846, %get3A_1851 : vector<16xf32>
        %get3A_1853 = arith.constant 560 : index
        %get3A_1854 = tpu.vector_load %arg8[%get3A_1853] {strides = array<i32>} : memref<1024xf32, #tpu.memory_space<vmem>>, vector<16xf32>,
        %get3A_1855 = vector.shape_cast %get3A_1854 : vector<16xf32> to vector<16xf32>
        %get3A_1856 = arith.constant 560 : index
        %get3A_1857 = tpu.vector_load %arg9[%get3A_1856] {strides = array<i32>} : memref<1024xf32, #tpu.memory_space<vmem>>, vector<16xf32>,
        %get3A_1858 = vector.shape_cast %get3A_1857 : vector<16xf32> to vector<16xf32>
        %sub3A_1859 = arith.subf %add3A_1852, %mul3A_902 : vector<16xf32>
        %mul3A_1860 = arith.mulf %sub3A_1859, %mul3A_968 : vector<16xf32>
        %mul3A_1861 = arith.mulf %mul3A_1860, %get3A_1855 : vector<16xf32>
        %add3A_1862 = arith.addf %mul3A_1861, %get3A_1858 : vector<16xf32>
        %swap3A_1863 = arith.index_cast %scan3A_38 : i32 to index
        %swap3A_1864 = arith.constant 560 : index
        %swap3A_1865 = tpu.vector_load %arg10[%swap3A_1863, %swap3A_1864] {strides = array<i32>} : memref<16x1024xf32, #tpu.memory_space<vmem>>, vector<1x16xf32>,
        %swap3A_1866 = vector.shape_cast %swap3A_1865 : vector<1x16xf32> to vector<16xf32>
        %swap3A_1867 = vector.shape_cast %add3A_1862 : vector<16xf32> to vector<1x16xf32>
        tpu.vector_store %arg10[%swap3A_1863, %swap3A_1864], %swap3A_1867 {strides = array<i32>} : memref<16x1024xf32, #tpu.memory_space<vmem>>, vector<1x16xf32>,
        %get3A_1868 = arith.index_cast %scan3A_38 : i32 to index
        %get3A_1869 = arith.constant 576 : index
        %get3A_1870 = tpu.vector_load %arg10[%get3A_1868, %get3A_1869] {strides = array<i32>} : memref<16x1024xf32, #tpu.memory_space<vmem>>, vector<1x16xf32>,
        %get3A_1871 = vector.shape_cast %get3A_1870 : vector<1x16xf32> to vector<16xf32>
        %get3A_1872 = arith.constant 0 : i32
        %get3A_1873 = arith.index_cast %get3A_1872 : i32 to index
        %get3A_1874 = arith.constant 576 : index
        %get3A_1875 = tpu.vector_load %arg7[%get3A_1873, %get3A_1874] {strides = array<i32>} : memref<1x1024xf32, #tpu.memory_space<vmem>>, vector<1x16xf32>,
        %get3A_1876 = vector.shape_cast %get3A_1875 : vector<1x16xf32> to vector<16xf32>
        %add3A_1877 = arith.addf %get3A_1871, %get3A_1876 : vector<16xf32>
        %get3A_1878 = arith.constant 576 : index
        %get3A_1879 = tpu.vector_load %arg8[%get3A_1878] {strides = array<i32>} : memref<1024xf32, #tpu.memory_space<vmem>>, vector<16xf32>,
        %get3A_1880 = vector.shape_cast %get3A_1879 : vector<16xf32> to vector<16xf32>
        %get3A_1881 = arith.constant 576 : index
        %get3A_1882 = tpu.vector_load %arg9[%get3A_1881] {strides = array<i32>} : memref<1024xf32, #tpu.memory_space<vmem>>, vector<16xf32>,
        %get3A_1883 = vector.shape_cast %get3A_1882 : vector<16xf32> to vector<16xf32>
        %sub3A_1884 = arith.subf %add3A_1877, %mul3A_902 : vector<16xf32>
        %mul3A_1885 = arith.mulf %sub3A_1884, %mul3A_968 : vector<16xf32>
        %mul3A_1886 = arith.mulf %mul3A_1885, %get3A_1880 : vector<16xf32>
        %add3A_1887 = arith.addf %mul3A_1886, %get3A_1883 : vector<16xf32>
        %swap3A_1888 = arith.index_cast %scan3A_38 : i32 to index
        %swap3A_1889 = arith.constant 576 : index
        %swap3A_1890 = tpu.vector_load %arg10[%swap3A_1888, %swap3A_1889] {strides = array<i32>} : memref<16x1024xf32, #tpu.memory_space<vmem>>, vector<1x16xf32>,
        %swap3A_1891 = vector.shape_cast %swap3A_1890 : vector<1x16xf32> to vector<16xf32>
        %swap3A_1892 = vector.shape_cast %add3A_1887 : vector<16xf32> to vector<1x16xf32>
        tpu.vector_store %arg10[%swap3A_1888, %swap3A_1889], %swap3A_1892 {strides = array<i32>} : memref<16x1024xf32, #tpu.memory_space<vmem>>, vector<1x16xf32>,
        %get3A_1893 = arith.index_cast %scan3A_38 : i32 to index
        %get3A_1894 = arith.constant 592 : index
        %get3A_1895 = tpu.vector_load %arg10[%get3A_1893, %get3A_1894] {strides = array<i32>} : memref<16x1024xf32, #tpu.memory_space<vmem>>, vector<1x16xf32>,
        %get3A_1896 = vector.shape_cast %get3A_1895 : vector<1x16xf32> to vector<16xf32>
        %get3A_1897 = arith.constant 0 : i32
        %get3A_1898 = arith.index_cast %get3A_1897 : i32 to index
        %get3A_1899 = arith.constant 592 : index
        %get3A_1900 = tpu.vector_load %arg7[%get3A_1898, %get3A_1899] {strides = array<i32>} : memref<1x1024xf32, #tpu.memory_space<vmem>>, vector<1x16xf32>,
        %get3A_1901 = vector.shape_cast %get3A_1900 : vector<1x16xf32> to vector<16xf32>
        %add3A_1902 = arith.addf %get3A_1896, %get3A_1901 : vector<16xf32>
        %get3A_1903 = arith.constant 592 : index
        %get3A_1904 = tpu.vector_load %arg8[%get3A_1903] {strides = array<i32>} : memref<1024xf32, #tpu.memory_space<vmem>>, vector<16xf32>,
        %get3A_1905 = vector.shape_cast %get3A_1904 : vector<16xf32> to vector<16xf32>
        %get3A_1906 = arith.constant 592 : index
        %get3A_1907 = tpu.vector_load %arg9[%get3A_1906] {strides = array<i32>} : memref<1024xf32, #tpu.memory_space<vmem>>, vector<16xf32>,
        %get3A_1908 = vector.shape_cast %get3A_1907 : vector<16xf32> to vector<16xf32>
        %sub3A_1909 = arith.subf %add3A_1902, %mul3A_902 : vector<16xf32>
        %mul3A_1910 = arith.mulf %sub3A_1909, %mul3A_968 : vector<16xf32>
        %mul3A_1911 = arith.mulf %mul3A_1910, %get3A_1905 : vector<16xf32>
        %add3A_1912 = arith.addf %mul3A_1911, %get3A_1908 : vector<16xf32>
        %swap3A_1913 = arith.index_cast %scan3A_38 : i32 to index
        %swap3A_1914 = arith.constant 592 : index
        %swap3A_1915 = tpu.vector_load %arg10[%swap3A_1913, %swap3A_1914] {strides = array<i32>} : memref<16x1024xf32, #tpu.memory_space<vmem>>, vector<1x16xf32>,
        %swap3A_1916 = vector.shape_cast %swap3A_1915 : vector<1x16xf32> to vector<16xf32>
        %swap3A_1917 = vector.shape_cast %add3A_1912 : vector<16xf32> to vector<1x16xf32>
        tpu.vector_store %arg10[%swap3A_1913, %swap3A_1914], %swap3A_1917 {strides = array<i32>} : memref<16x1024xf32, #tpu.memory_space<vmem>>, vector<1x16xf32>,
        %get3A_1918 = arith.index_cast %scan3A_38 : i32 to index
        %get3A_1919 = arith.constant 608 : index
        %get3A_1920 = tpu.vector_load %arg10[%get3A_1918, %get3A_1919] {strides = array<i32>} : memref<16x1024xf32, #tpu.memory_space<vmem>>, vector<1x16xf32>,
        %get3A_1921 = vector.shape_cast %get3A_1920 : vector<1x16xf32> to vector<16xf32>
        %get3A_1922 = arith.constant 0 : i32
        %get3A_1923 = arith.index_cast %get3A_1922 : i32 to index
        %get3A_1924 = arith.constant 608 : index
        %get3A_1925 = tpu.vector_load %arg7[%get3A_1923, %get3A_1924] {strides = array<i32>} : memref<1x1024xf32, #tpu.memory_space<vmem>>, vector<1x16xf32>,
        %get3A_1926 = vector.shape_cast %get3A_1925 : vector<1x16xf32> to vector<16xf32>
        %add3A_1927 = arith.addf %get3A_1921, %get3A_1926 : vector<16xf32>
        %get3A_1928 = arith.constant 608 : index
        %get3A_1929 = tpu.vector_load %arg8[%get3A_1928] {strides = array<i32>} : memref<1024xf32, #tpu.memory_space<vmem>>, vector<16xf32>,
        %get3A_1930 = vector.shape_cast %get3A_1929 : vector<16xf32> to vector<16xf32>
        %get3A_1931 = arith.constant 608 : index
        %get3A_1932 = tpu.vector_load %arg9[%get3A_1931] {strides = array<i32>} : memref<1024xf32, #tpu.memory_space<vmem>>, vector<16xf32>,
        %get3A_1933 = vector.shape_cast %get3A_1932 : vector<16xf32> to vector<16xf32>
        %sub3A_1934 = arith.subf %add3A_1927, %mul3A_902 : vector<16xf32>
        %mul3A_1935 = arith.mulf %sub3A_1934, %mul3A_968 : vector<16xf32>
        %mul3A_1936 = arith.mulf %mul3A_1935, %get3A_1930 : vector<16xf32>
        %add3A_1937 = arith.addf %mul3A_1936, %get3A_1933 : vector<16xf32>
        %swap3A_1938 = arith.index_cast %scan3A_38 : i32 to index
        %swap3A_1939 = arith.constant 608 : index
        %swap3A_1940 = tpu.vector_load %arg10[%swap3A_1938, %swap3A_1939] {strides = array<i32>} : memref<16x1024xf32, #tpu.memory_space<vmem>>, vector<1x16xf32>,
        %swap3A_1941 = vector.shape_cast %swap3A_1940 : vector<1x16xf32> to vector<16xf32>
        %swap3A_1942 = vector.shape_cast %add3A_1937 : vector<16xf32> to vector<1x16xf32>
        tpu.vector_store %arg10[%swap3A_1938, %swap3A_1939], %swap3A_1942 {strides = array<i32>} : memref<16x1024xf32, #tpu.memory_space<vmem>>, vector<1x16xf32>,
        %get3A_1943 = arith.index_cast %scan3A_38 : i32 to index
        %get3A_1944 = arith.constant 624 : index
        %get3A_1945 = tpu.vector_load %arg10[%get3A_1943, %get3A_1944] {strides = array<i32>} : memref<16x1024xf32, #tpu.memory_space<vmem>>, vector<1x16xf32>,
        %get3A_1946 = vector.shape_cast %get3A_1945 : vector<1x16xf32> to vector<16xf32>
        %get3A_1947 = arith.constant 0 : i32
        %get3A_1948 = arith.index_cast %get3A_1947 : i32 to index
        %get3A_1949 = arith.constant 624 : index
        %get3A_1950 = tpu.vector_load %arg7[%get3A_1948, %get3A_1949] {strides = array<i32>} : memref<1x1024xf32, #tpu.memory_space<vmem>>, vector<1x16xf32>,
        %get3A_1951 = vector.shape_cast %get3A_1950 : vector<1x16xf32> to vector<16xf32>
        %add3A_1952 = arith.addf %get3A_1946, %get3A_1951 : vector<16xf32>
        %get3A_1953 = arith.constant 624 : index
        %get3A_1954 = tpu.vector_load %arg8[%get3A_1953] {strides = array<i32>} : memref<1024xf32, #tpu.memory_space<vmem>>, vector<16xf32>,
        %get3A_1955 = vector.shape_cast %get3A_1954 : vector<16xf32> to vector<16xf32>
        %get3A_1956 = arith.constant 624 : index
        %get3A_1957 = tpu.vector_load %arg9[%get3A_1956] {strides = array<i32>} : memref<1024xf32, #tpu.memory_space<vmem>>, vector<16xf32>,
        %get3A_1958 = vector.shape_cast %get3A_1957 : vector<16xf32> to vector<16xf32>
        %sub3A_1959 = arith.subf %add3A_1952, %mul3A_902 : vector<16xf32>
        %mul3A_1960 = arith.mulf %sub3A_1959, %mul3A_968 : vector<16xf32>
        %mul3A_1961 = arith.mulf %mul3A_1960, %get3A_1955 : vector<16xf32>
        %add3A_1962 = arith.addf %mul3A_1961, %get3A_1958 : vector<16xf32>
        %swap3A_1963 = arith.index_cast %scan3A_38 : i32 to index
        %swap3A_1964 = arith.constant 624 : index
        %swap3A_1965 = tpu.vector_load %arg10[%swap3A_1963, %swap3A_1964] {strides = array<i32>} : memref<16x1024xf32, #tpu.memory_space<vmem>>, vector<1x16xf32>,
        %swap3A_1966 = vector.shape_cast %swap3A_1965 : vector<1x16xf32> to vector<16xf32>
        %swap3A_1967 = vector.shape_cast %add3A_1962 : vector<16xf32> to vector<1x16xf32>
        tpu.vector_store %arg10[%swap3A_1963, %swap3A_1964], %swap3A_1967 {strides = array<i32>} : memref<16x1024xf32, #tpu.memory_space<vmem>>, vector<1x16xf32>,
        %get3A_1968 = arith.index_cast %scan3A_38 : i32 to index
        %get3A_1969 = arith.constant 640 : index
        %get3A_1970 = tpu.vector_load %arg10[%get3A_1968, %get3A_1969] {strides = array<i32>} : memref<16x1024xf32, #tpu.memory_space<vmem>>, vector<1x16xf32>,
        %get3A_1971 = vector.shape_cast %get3A_1970 : vector<1x16xf32> to vector<16xf32>
        %get3A_1972 = arith.constant 0 : i32
        %get3A_1973 = arith.index_cast %get3A_1972 : i32 to index
        %get3A_1974 = arith.constant 640 : index
        %get3A_1975 = tpu.vector_load %arg7[%get3A_1973, %get3A_1974] {strides = array<i32>} : memref<1x1024xf32, #tpu.memory_space<vmem>>, vector<1x16xf32>,
        %get3A_1976 = vector.shape_cast %get3A_1975 : vector<1x16xf32> to vector<16xf32>
        %add3A_1977 = arith.addf %get3A_1971, %get3A_1976 : vector<16xf32>
        %get3A_1978 = arith.constant 640 : index
        %get3A_1979 = tpu.vector_load %arg8[%get3A_1978] {strides = array<i32>} : memref<1024xf32, #tpu.memory_space<vmem>>, vector<16xf32>,
        %get3A_1980 = vector.shape_cast %get3A_1979 : vector<16xf32> to vector<16xf32>
        %get3A_1981 = arith.constant 640 : index
        %get3A_1982 = tpu.vector_load %arg9[%get3A_1981] {strides = array<i32>} : memref<1024xf32, #tpu.memory_space<vmem>>, vector<16xf32>,
        %get3A_1983 = vector.shape_cast %get3A_1982 : vector<16xf32> to vector<16xf32>
        %sub3A_1984 = arith.subf %add3A_1977, %mul3A_902 : vector<16xf32>
        %mul3A_1985 = arith.mulf %sub3A_1984, %mul3A_968 : vector<16xf32>
        %mul3A_1986 = arith.mulf %mul3A_1985, %get3A_1980 : vector<16xf32>
        %add3A_1987 = arith.addf %mul3A_1986, %get3A_1983 : vector<16xf32>
        %swap3A_1988 = arith.index_cast %scan3A_38 : i32 to index
        %swap3A_1989 = arith.constant 640 : index
        %swap3A_1990 = tpu.vector_load %arg10[%swap3A_1988, %swap3A_1989] {strides = array<i32>} : memref<16x1024xf32, #tpu.memory_space<vmem>>, vector<1x16xf32>,
        %swap3A_1991 = vector.shape_cast %swap3A_1990 : vector<1x16xf32> to vector<16xf32>
        %swap3A_1992 = vector.shape_cast %add3A_1987 : vector<16xf32> to vector<1x16xf32>
        tpu.vector_store %arg10[%swap3A_1988, %swap3A_1989], %swap3A_1992 {strides = array<i32>} : memref<16x1024xf32, #tpu.memory_space<vmem>>, vector<1x16xf32>,
        %get3A_1993 = arith.index_cast %scan3A_38 : i32 to index
        %get3A_1994 = arith.constant 656 : index
        %get3A_1995 = tpu.vector_load %arg10[%get3A_1993, %get3A_1994] {strides = array<i32>} : memref<16x1024xf32, #tpu.memory_space<vmem>>, vector<1x16xf32>,
        %get3A_1996 = vector.shape_cast %get3A_1995 : vector<1x16xf32> to vector<16xf32>
        %get3A_1997 = arith.constant 0 : i32
        %get3A_1998 = arith.index_cast %get3A_1997 : i32 to index
        %get3A_1999 = arith.constant 656 : index
        %get3A_2000 = tpu.vector_load %arg7[%get3A_1998, %get3A_1999] {strides = array<i32>} : memref<1x1024xf32, #tpu.memory_space<vmem>>, vector<1x16xf32>,
        %get3A_2001 = vector.shape_cast %get3A_2000 : vector<1x16xf32> to vector<16xf32>
        %add3A_2002 = arith.addf %get3A_1996, %get3A_2001 : vector<16xf32>
        %get3A_2003 = arith.constant 656 : index
        %get3A_2004 = tpu.vector_load %arg8[%get3A_2003] {strides = array<i32>} : memref<1024xf32, #tpu.memory_space<vmem>>, vector<16xf32>,
        %get3A_2005 = vector.shape_cast %get3A_2004 : vector<16xf32> to vector<16xf32>
        %get3A_2006 = arith.constant 656 : index
        %get3A_2007 = tpu.vector_load %arg9[%get3A_2006] {strides = array<i32>} : memref<1024xf32, #tpu.memory_space<vmem>>, vector<16xf32>,
        %get3A_2008 = vector.shape_cast %get3A_2007 : vector<16xf32> to vector<16xf32>
        %sub3A_2009 = arith.subf %add3A_2002, %mul3A_902 : vector<16xf32>
        %mul3A_2010 = arith.mulf %sub3A_2009, %mul3A_968 : vector<16xf32>
        %mul3A_2011 = arith.mulf %mul3A_2010, %get3A_2005 : vector<16xf32>
        %add3A_2012 = arith.addf %mul3A_2011, %get3A_2008 : vector<16xf32>
        %swap3A_2013 = arith.index_cast %scan3A_38 : i32 to index
        %swap3A_2014 = arith.constant 656 : index
        %swap3A_2015 = tpu.vector_load %arg10[%swap3A_2013, %swap3A_2014] {strides = array<i32>} : memref<16x1024xf32, #tpu.memory_space<vmem>>, vector<1x16xf32>,
        %swap3A_2016 = vector.shape_cast %swap3A_2015 : vector<1x16xf32> to vector<16xf32>
        %swap3A_2017 = vector.shape_cast %add3A_2012 : vector<16xf32> to vector<1x16xf32>
        tpu.vector_store %arg10[%swap3A_2013, %swap3A_2014], %swap3A_2017 {strides = array<i32>} : memref<16x1024xf32, #tpu.memory_space<vmem>>, vector<1x16xf32>,
        %get3A_2018 = arith.index_cast %scan3A_38 : i32 to index
        %get3A_2019 = arith.constant 672 : index
        %get3A_2020 = tpu.vector_load %arg10[%get3A_2018, %get3A_2019] {strides = array<i32>} : memref<16x1024xf32, #tpu.memory_space<vmem>>, vector<1x16xf32>,
        %get3A_2021 = vector.shape_cast %get3A_2020 : vector<1x16xf32> to vector<16xf32>
        %get3A_2022 = arith.constant 0 : i32
        %get3A_2023 = arith.index_cast %get3A_2022 : i32 to index
        %get3A_2024 = arith.constant 672 : index
        %get3A_2025 = tpu.vector_load %arg7[%get3A_2023, %get3A_2024] {strides = array<i32>} : memref<1x1024xf32, #tpu.memory_space<vmem>>, vector<1x16xf32>,
        %get3A_2026 = vector.shape_cast %get3A_2025 : vector<1x16xf32> to vector<16xf32>
        %add3A_2027 = arith.addf %get3A_2021, %get3A_2026 : vector<16xf32>
        %get3A_2028 = arith.constant 672 : index
        %get3A_2029 = tpu.vector_load %arg8[%get3A_2028] {strides = array<i32>} : memref<1024xf32, #tpu.memory_space<vmem>>, vector<16xf32>,
        %get3A_2030 = vector.shape_cast %get3A_2029 : vector<16xf32> to vector<16xf32>
        %get3A_2031 = arith.constant 672 : index
        %get3A_2032 = tpu.vector_load %arg9[%get3A_2031] {strides = array<i32>} : memref<1024xf32, #tpu.memory_space<vmem>>, vector<16xf32>,
        %get3A_2033 = vector.shape_cast %get3A_2032 : vector<16xf32> to vector<16xf32>
        %sub3A_2034 = arith.subf %add3A_2027, %mul3A_902 : vector<16xf32>
        %mul3A_2035 = arith.mulf %sub3A_2034, %mul3A_968 : vector<16xf32>
        %mul3A_2036 = arith.mulf %mul3A_2035, %get3A_2030 : vector<16xf32>
        %add3A_2037 = arith.addf %mul3A_2036, %get3A_2033 : vector<16xf32>
        %swap3A_2038 = arith.index_cast %scan3A_38 : i32 to index
        %swap3A_2039 = arith.constant 672 : index
        %swap3A_2040 = tpu.vector_load %arg10[%swap3A_2038, %swap3A_2039] {strides = array<i32>} : memref<16x1024xf32, #tpu.memory_space<vmem>>, vector<1x16xf32>,
        %swap3A_2041 = vector.shape_cast %swap3A_2040 : vector<1x16xf32> to vector<16xf32>
        %swap3A_2042 = vector.shape_cast %add3A_2037 : vector<16xf32> to vector<1x16xf32>
        tpu.vector_store %arg10[%swap3A_2038, %swap3A_2039], %swap3A_2042 {strides = array<i32>} : memref<16x1024xf32, #tpu.memory_space<vmem>>, vector<1x16xf32>,
        %get3A_2043 = arith.index_cast %scan3A_38 : i32 to index
        %get3A_2044 = arith.constant 688 : index
        %get3A_2045 = tpu.vector_load %arg10[%get3A_2043, %get3A_2044] {strides = array<i32>} : memref<16x1024xf32, #tpu.memory_space<vmem>>, vector<1x16xf32>,
        %get3A_2046 = vector.shape_cast %get3A_2045 : vector<1x16xf32> to vector<16xf32>
        %get3A_2047 = arith.constant 0 : i32
        %get3A_2048 = arith.index_cast %get3A_2047 : i32 to index
        %get3A_2049 = arith.constant 688 : index
        %get3A_2050 = tpu.vector_load %arg7[%get3A_2048, %get3A_2049] {strides = array<i32>} : memref<1x1024xf32, #tpu.memory_space<vmem>>, vector<1x16xf32>,
        %get3A_2051 = vector.shape_cast %get3A_2050 : vector<1x16xf32> to vector<16xf32>
        %add3A_2052 = arith.addf %get3A_2046, %get3A_2051 : vector<16xf32>
        %get3A_2053 = arith.constant 688 : index
        %get3A_2054 = tpu.vector_load %arg8[%get3A_2053] {strides = array<i32>} : memref<1024xf32, #tpu.memory_space<vmem>>, vector<16xf32>,
        %get3A_2055 = vector.shape_cast %get3A_2054 : vector<16xf32> to vector<16xf32>
        %get3A_2056 = arith.constant 688 : index
        %get3A_2057 = tpu.vector_load %arg9[%get3A_2056] {strides = array<i32>} : memref<1024xf32, #tpu.memory_space<vmem>>, vector<16xf32>,
        %get3A_2058 = vector.shape_cast %get3A_2057 : vector<16xf32> to vector<16xf32>
        %sub3A_2059 = arith.subf %add3A_2052, %mul3A_902 : vector<16xf32>
        %mul3A_2060 = arith.mulf %sub3A_2059, %mul3A_968 : vector<16xf32>
        %mul3A_2061 = arith.mulf %mul3A_2060, %get3A_2055 : vector<16xf32>
        %add3A_2062 = arith.addf %mul3A_2061, %get3A_2058 : vector<16xf32>
        %swap3A_2063 = arith.index_cast %scan3A_38 : i32 to index
        %swap3A_2064 = arith.constant 688 : index
        %swap3A_2065 = tpu.vector_load %arg10[%swap3A_2063, %swap3A_2064] {strides = array<i32>} : memref<16x1024xf32, #tpu.memory_space<vmem>>, vector<1x16xf32>,
        %swap3A_2066 = vector.shape_cast %swap3A_2065 : vector<1x16xf32> to vector<16xf32>
        %swap3A_2067 = vector.shape_cast %add3A_2062 : vector<16xf32> to vector<1x16xf32>
        tpu.vector_store %arg10[%swap3A_2063, %swap3A_2064], %swap3A_2067 {strides = array<i32>} : memref<16x1024xf32, #tpu.memory_space<vmem>>, vector<1x16xf32>,
        %get3A_2068 = arith.index_cast %scan3A_38 : i32 to index
        %get3A_2069 = arith.constant 704 : index
        %get3A_2070 = tpu.vector_load %arg10[%get3A_2068, %get3A_2069] {strides = array<i32>} : memref<16x1024xf32, #tpu.memory_space<vmem>>, vector<1x16xf32>,
        %get3A_2071 = vector.shape_cast %get3A_2070 : vector<1x16xf32> to vector<16xf32>
        %get3A_2072 = arith.constant 0 : i32
        %get3A_2073 = arith.index_cast %get3A_2072 : i32 to index
        %get3A_2074 = arith.constant 704 : index
        %get3A_2075 = tpu.vector_load %arg7[%get3A_2073, %get3A_2074] {strides = array<i32>} : memref<1x1024xf32, #tpu.memory_space<vmem>>, vector<1x16xf32>,
        %get3A_2076 = vector.shape_cast %get3A_2075 : vector<1x16xf32> to vector<16xf32>
        %add3A_2077 = arith.addf %get3A_2071, %get3A_2076 : vector<16xf32>
        %get3A_2078 = arith.constant 704 : index
        %get3A_2079 = tpu.vector_load %arg8[%get3A_2078] {strides = array<i32>} : memref<1024xf32, #tpu.memory_space<vmem>>, vector<16xf32>,
        %get3A_2080 = vector.shape_cast %get3A_2079 : vector<16xf32> to vector<16xf32>
        %get3A_2081 = arith.constant 704 : index
        %get3A_2082 = tpu.vector_load %arg9[%get3A_2081] {strides = array<i32>} : memref<1024xf32, #tpu.memory_space<vmem>>, vector<16xf32>,
        %get3A_2083 = vector.shape_cast %get3A_2082 : vector<16xf32> to vector<16xf32>
        %sub3A_2084 = arith.subf %add3A_2077, %mul3A_902 : vector<16xf32>
        %mul3A_2085 = arith.mulf %sub3A_2084, %mul3A_968 : vector<16xf32>
        %mul3A_2086 = arith.mulf %mul3A_2085, %get3A_2080 : vector<16xf32>
        %add3A_2087 = arith.addf %mul3A_2086, %get3A_2083 : vector<16xf32>
        %swap3A_2088 = arith.index_cast %scan3A_38 : i32 to index
        %swap3A_2089 = arith.constant 704 : index
        %swap3A_2090 = tpu.vector_load %arg10[%swap3A_2088, %swap3A_2089] {strides = array<i32>} : memref<16x1024xf32, #tpu.memory_space<vmem>>, vector<1x16xf32>,
        %swap3A_2091 = vector.shape_cast %swap3A_2090 : vector<1x16xf32> to vector<16xf32>
        %swap3A_2092 = vector.shape_cast %add3A_2087 : vector<16xf32> to vector<1x16xf32>
        tpu.vector_store %arg10[%swap3A_2088, %swap3A_2089], %swap3A_2092 {strides = array<i32>} : memref<16x1024xf32, #tpu.memory_space<vmem>>, vector<1x16xf32>,
        %get3A_2093 = arith.index_cast %scan3A_38 : i32 to index
        %get3A_2094 = arith.constant 720 : index
        %get3A_2095 = tpu.vector_load %arg10[%get3A_2093, %get3A_2094] {strides = array<i32>} : memref<16x1024xf32, #tpu.memory_space<vmem>>, vector<1x16xf32>,
        %get3A_2096 = vector.shape_cast %get3A_2095 : vector<1x16xf32> to vector<16xf32>
        %get3A_2097 = arith.constant 0 : i32
        %get3A_2098 = arith.index_cast %get3A_2097 : i32 to index
        %get3A_2099 = arith.constant 720 : index
        %get3A_2100 = tpu.vector_load %arg7[%get3A_2098, %get3A_2099] {strides = array<i32>} : memref<1x1024xf32, #tpu.memory_space<vmem>>, vector<1x16xf32>,
        %get3A_2101 = vector.shape_cast %get3A_2100 : vector<1x16xf32> to vector<16xf32>
        %add3A_2102 = arith.addf %get3A_2096, %get3A_2101 : vector<16xf32>
        %get3A_2103 = arith.constant 720 : index
        %get3A_2104 = tpu.vector_load %arg8[%get3A_2103] {strides = array<i32>} : memref<1024xf32, #tpu.memory_space<vmem>>, vector<16xf32>,
        %get3A_2105 = vector.shape_cast %get3A_2104 : vector<16xf32> to vector<16xf32>
        %get3A_2106 = arith.constant 720 : index
        %get3A_2107 = tpu.vector_load %arg9[%get3A_2106] {strides = array<i32>} : memref<1024xf32, #tpu.memory_space<vmem>>, vector<16xf32>,
        %get3A_2108 = vector.shape_cast %get3A_2107 : vector<16xf32> to vector<16xf32>
        %sub3A_2109 = arith.subf %add3A_2102, %mul3A_902 : vector<16xf32>
        %mul3A_2110 = arith.mulf %sub3A_2109, %mul3A_968 : vector<16xf32>
        %mul3A_2111 = arith.mulf %mul3A_2110, %get3A_2105 : vector<16xf32>
        %add3A_2112 = arith.addf %mul3A_2111, %get3A_2108 : vector<16xf32>
        %swap3A_2113 = arith.index_cast %scan3A_38 : i32 to index
        %swap3A_2114 = arith.constant 720 : index
        %swap3A_2115 = tpu.vector_load %arg10[%swap3A_2113, %swap3A_2114] {strides = array<i32>} : memref<16x1024xf32, #tpu.memory_space<vmem>>, vector<1x16xf32>,
        %swap3A_2116 = vector.shape_cast %swap3A_2115 : vector<1x16xf32> to vector<16xf32>
        %swap3A_2117 = vector.shape_cast %add3A_2112 : vector<16xf32> to vector<1x16xf32>
        tpu.vector_store %arg10[%swap3A_2113, %swap3A_2114], %swap3A_2117 {strides = array<i32>} : memref<16x1024xf32, #tpu.memory_space<vmem>>, vector<1x16xf32>,
        %get3A_2118 = arith.index_cast %scan3A_38 : i32 to index
        %get3A_2119 = arith.constant 736 : index
        %get3A_2120 = tpu.vector_load %arg10[%get3A_2118, %get3A_2119] {strides = array<i32>} : memref<16x1024xf32, #tpu.memory_space<vmem>>, vector<1x16xf32>,
        %get3A_2121 = vector.shape_cast %get3A_2120 : vector<1x16xf32> to vector<16xf32>
        %get3A_2122 = arith.constant 0 : i32
        %get3A_2123 = arith.index_cast %get3A_2122 : i32 to index
        %get3A_2124 = arith.constant 736 : index
        %get3A_2125 = tpu.vector_load %arg7[%get3A_2123, %get3A_2124] {strides = array<i32>} : memref<1x1024xf32, #tpu.memory_space<vmem>>, vector<1x16xf32>,
        %get3A_2126 = vector.shape_cast %get3A_2125 : vector<1x16xf32> to vector<16xf32>
        %add3A_2127 = arith.addf %get3A_2121, %get3A_2126 : vector<16xf32>
        %get3A_2128 = arith.constant 736 : index
        %get3A_2129 = tpu.vector_load %arg8[%get3A_2128] {strides = array<i32>} : memref<1024xf32, #tpu.memory_space<vmem>>, vector<16xf32>,
        %get3A_2130 = vector.shape_cast %get3A_2129 : vector<16xf32> to vector<16xf32>
        %get3A_2131 = arith.constant 736 : index
        %get3A_2132 = tpu.vector_load %arg9[%get3A_2131] {strides = array<i32>} : memref<1024xf32, #tpu.memory_space<vmem>>, vector<16xf32>,
        %get3A_2133 = vector.shape_cast %get3A_2132 : vector<16xf32> to vector<16xf32>
        %sub3A_2134 = arith.subf %add3A_2127, %mul3A_902 : vector<16xf32>
        %mul3A_2135 = arith.mulf %sub3A_2134, %mul3A_968 : vector<16xf32>
        %mul3A_2136 = arith.mulf %mul3A_2135, %get3A_2130 : vector<16xf32>
        %add3A_2137 = arith.addf %mul3A_2136, %get3A_2133 : vector<16xf32>
        %swap3A_2138 = arith.index_cast %scan3A_38 : i32 to index
        %swap3A_2139 = arith.constant 736 : index
        %swap3A_2140 = tpu.vector_load %arg10[%swap3A_2138, %swap3A_2139] {strides = array<i32>} : memref<16x1024xf32, #tpu.memory_space<vmem>>, vector<1x16xf32>,
        %swap3A_2141 = vector.shape_cast %swap3A_2140 : vector<1x16xf32> to vector<16xf32>
        %swap3A_2142 = vector.shape_cast %add3A_2137 : vector<16xf32> to vector<1x16xf32>
        tpu.vector_store %arg10[%swap3A_2138, %swap3A_2139], %swap3A_2142 {strides = array<i32>} : memref<16x1024xf32, #tpu.memory_space<vmem>>, vector<1x16xf32>,
        %get3A_2143 = arith.index_cast %scan3A_38 : i32 to index
        %get3A_2144 = arith.constant 752 : index
        %get3A_2145 = tpu.vector_load %arg10[%get3A_2143, %get3A_2144] {strides = array<i32>} : memref<16x1024xf32, #tpu.memory_space<vmem>>, vector<1x16xf32>,
        %get3A_2146 = vector.shape_cast %get3A_2145 : vector<1x16xf32> to vector<16xf32>
        %get3A_2147 = arith.constant 0 : i32
        %get3A_2148 = arith.index_cast %get3A_2147 : i32 to index
        %get3A_2149 = arith.constant 752 : index
        %get3A_2150 = tpu.vector_load %arg7[%get3A_2148, %get3A_2149] {strides = array<i32>} : memref<1x1024xf32, #tpu.memory_space<vmem>>, vector<1x16xf32>,
        %get3A_2151 = vector.shape_cast %get3A_2150 : vector<1x16xf32> to vector<16xf32>
        %add3A_2152 = arith.addf %get3A_2146, %get3A_2151 : vector<16xf32>
        %get3A_2153 = arith.constant 752 : index
        %get3A_2154 = tpu.vector_load %arg8[%get3A_2153] {strides = array<i32>} : memref<1024xf32, #tpu.memory_space<vmem>>, vector<16xf32>,
        %get3A_2155 = vector.shape_cast %get3A_2154 : vector<16xf32> to vector<16xf32>
        %get3A_2156 = arith.constant 752 : index
        %get3A_2157 = tpu.vector_load %arg9[%get3A_2156] {strides = array<i32>} : memref<1024xf32, #tpu.memory_space<vmem>>, vector<16xf32>,
        %get3A_2158 = vector.shape_cast %get3A_2157 : vector<16xf32> to vector<16xf32>
        %sub3A_2159 = arith.subf %add3A_2152, %mul3A_902 : vector<16xf32>
        %mul3A_2160 = arith.mulf %sub3A_2159, %mul3A_968 : vector<16xf32>
        %mul3A_2161 = arith.mulf %mul3A_2160, %get3A_2155 : vector<16xf32>
        %add3A_2162 = arith.addf %mul3A_2161, %get3A_2158 : vector<16xf32>
        %swap3A_2163 = arith.index_cast %scan3A_38 : i32 to index
        %swap3A_2164 = arith.constant 752 : index
        %swap3A_2165 = tpu.vector_load %arg10[%swap3A_2163, %swap3A_2164] {strides = array<i32>} : memref<16x1024xf32, #tpu.memory_space<vmem>>, vector<1x16xf32>,
        %swap3A_2166 = vector.shape_cast %swap3A_2165 : vector<1x16xf32> to vector<16xf32>
        %swap3A_2167 = vector.shape_cast %add3A_2162 : vector<16xf32> to vector<1x16xf32>
        tpu.vector_store %arg10[%swap3A_2163, %swap3A_2164], %swap3A_2167 {strides = array<i32>} : memref<16x1024xf32, #tpu.memory_space<vmem>>, vector<1x16xf32>,
        %get3A_2168 = arith.index_cast %scan3A_38 : i32 to index
        %get3A_2169 = arith.constant 768 : index
        %get3A_2170 = tpu.vector_load %arg10[%get3A_2168, %get3A_2169] {strides = array<i32>} : memref<16x1024xf32, #tpu.memory_space<vmem>>, vector<1x16xf32>,
        %get3A_2171 = vector.shape_cast %get3A_2170 : vector<1x16xf32> to vector<16xf32>
        %get3A_2172 = arith.constant 0 : i32
        %get3A_2173 = arith.index_cast %get3A_2172 : i32 to index
        %get3A_2174 = arith.constant 768 : index
        %get3A_2175 = tpu.vector_load %arg7[%get3A_2173, %get3A_2174] {strides = array<i32>} : memref<1x1024xf32, #tpu.memory_space<vmem>>, vector<1x16xf32>,
        %get3A_2176 = vector.shape_cast %get3A_2175 : vector<1x16xf32> to vector<16xf32>
        %add3A_2177 = arith.addf %get3A_2171, %get3A_2176 : vector<16xf32>
        %get3A_2178 = arith.constant 768 : index
        %get3A_2179 = tpu.vector_load %arg8[%get3A_2178] {strides = array<i32>} : memref<1024xf32, #tpu.memory_space<vmem>>, vector<16xf32>,
        %get3A_2180 = vector.shape_cast %get3A_2179 : vector<16xf32> to vector<16xf32>
        %get3A_2181 = arith.constant 768 : index
        %get3A_2182 = tpu.vector_load %arg9[%get3A_2181] {strides = array<i32>} : memref<1024xf32, #tpu.memory_space<vmem>>, vector<16xf32>,
        %get3A_2183 = vector.shape_cast %get3A_2182 : vector<16xf32> to vector<16xf32>
        %sub3A_2184 = arith.subf %add3A_2177, %mul3A_902 : vector<16xf32>
        %mul3A_2185 = arith.mulf %sub3A_2184, %mul3A_968 : vector<16xf32>
        %mul3A_2186 = arith.mulf %mul3A_2185, %get3A_2180 : vector<16xf32>
        %add3A_2187 = arith.addf %mul3A_2186, %get3A_2183 : vector<16xf32>
        %swap3A_2188 = arith.index_cast %scan3A_38 : i32 to index
        %swap3A_2189 = arith.constant 768 : index
        %swap3A_2190 = tpu.vector_load %arg10[%swap3A_2188, %swap3A_2189] {strides = array<i32>} : memref<16x1024xf32, #tpu.memory_space<vmem>>, vector<1x16xf32>,
        %swap3A_2191 = vector.shape_cast %swap3A_2190 : vector<1x16xf32> to vector<16xf32>
        %swap3A_2192 = vector.shape_cast %add3A_2187 : vector<16xf32> to vector<1x16xf32>
        tpu.vector_store %arg10[%swap3A_2188, %swap3A_2189], %swap3A_2192 {strides = array<i32>} : memref<16x1024xf32, #tpu.memory_space<vmem>>, vector<1x16xf32>,
        %get3A_2193 = arith.index_cast %scan3A_38 : i32 to index
        %get3A_2194 = arith.constant 784 : index
        %get3A_2195 = tpu.vector_load %arg10[%get3A_2193, %get3A_2194] {strides = array<i32>} : memref<16x1024xf32, #tpu.memory_space<vmem>>, vector<1x16xf32>,
        %get3A_2196 = vector.shape_cast %get3A_2195 : vector<1x16xf32> to vector<16xf32>
        %get3A_2197 = arith.constant 0 : i32
        %get3A_2198 = arith.index_cast %get3A_2197 : i32 to index
        %get3A_2199 = arith.constant 784 : index
        %get3A_2200 = tpu.vector_load %arg7[%get3A_2198, %get3A_2199] {strides = array<i32>} : memref<1x1024xf32, #tpu.memory_space<vmem>>, vector<1x16xf32>,
        %get3A_2201 = vector.shape_cast %get3A_2200 : vector<1x16xf32> to vector<16xf32>
        %add3A_2202 = arith.addf %get3A_2196, %get3A_2201 : vector<16xf32>
        %get3A_2203 = arith.constant 784 : index
        %get3A_2204 = tpu.vector_load %arg8[%get3A_2203] {strides = array<i32>} : memref<1024xf32, #tpu.memory_space<vmem>>, vector<16xf32>,
        %get3A_2205 = vector.shape_cast %get3A_2204 : vector<16xf32> to vector<16xf32>
        %get3A_2206 = arith.constant 784 : index
        %get3A_2207 = tpu.vector_load %arg9[%get3A_2206] {strides = array<i32>} : memref<1024xf32, #tpu.memory_space<vmem>>, vector<16xf32>,
        %get3A_2208 = vector.shape_cast %get3A_2207 : vector<16xf32> to vector<16xf32>
        %sub3A_2209 = arith.subf %add3A_2202, %mul3A_902 : vector<16xf32>
        %mul3A_2210 = arith.mulf %sub3A_2209, %mul3A_968 : vector<16xf32>
        %mul3A_2211 = arith.mulf %mul3A_2210, %get3A_2205 : vector<16xf32>
        %add3A_2212 = arith.addf %mul3A_2211, %get3A_2208 : vector<16xf32>
        %swap3A_2213 = arith.index_cast %scan3A_38 : i32 to index
        %swap3A_2214 = arith.constant 784 : index
        %swap3A_2215 = tpu.vector_load %arg10[%swap3A_2213, %swap3A_2214] {strides = array<i32>} : memref<16x1024xf32, #tpu.memory_space<vmem>>, vector<1x16xf32>,
        %swap3A_2216 = vector.shape_cast %swap3A_2215 : vector<1x16xf32> to vector<16xf32>
        %swap3A_2217 = vector.shape_cast %add3A_2212 : vector<16xf32> to vector<1x16xf32>
        tpu.vector_store %arg10[%swap3A_2213, %swap3A_2214], %swap3A_2217 {strides = array<i32>} : memref<16x1024xf32, #tpu.memory_space<vmem>>, vector<1x16xf32>,
        %get3A_2218 = arith.index_cast %scan3A_38 : i32 to index
        %get3A_2219 = arith.constant 800 : index
        %get3A_2220 = tpu.vector_load %arg10[%get3A_2218, %get3A_2219] {strides = array<i32>} : memref<16x1024xf32, #tpu.memory_space<vmem>>, vector<1x16xf32>,
        %get3A_2221 = vector.shape_cast %get3A_2220 : vector<1x16xf32> to vector<16xf32>
        %get3A_2222 = arith.constant 0 : i32
        %get3A_2223 = arith.index_cast %get3A_2222 : i32 to index
        %get3A_2224 = arith.constant 800 : index
        %get3A_2225 = tpu.vector_load %arg7[%get3A_2223, %get3A_2224] {strides = array<i32>} : memref<1x1024xf32, #tpu.memory_space<vmem>>, vector<1x16xf32>,
        %get3A_2226 = vector.shape_cast %get3A_2225 : vector<1x16xf32> to vector<16xf32>
        %add3A_2227 = arith.addf %get3A_2221, %get3A_2226 : vector<16xf32>
        %get3A_2228 = arith.constant 800 : index
        %get3A_2229 = tpu.vector_load %arg8[%get3A_2228] {strides = array<i32>} : memref<1024xf32, #tpu.memory_space<vmem>>, vector<16xf32>,
        %get3A_2230 = vector.shape_cast %get3A_2229 : vector<16xf32> to vector<16xf32>
        %get3A_2231 = arith.constant 800 : index
        %get3A_2232 = tpu.vector_load %arg9[%get3A_2231] {strides = array<i32>} : memref<1024xf32, #tpu.memory_space<vmem>>, vector<16xf32>,
        %get3A_2233 = vector.shape_cast %get3A_2232 : vector<16xf32> to vector<16xf32>
        %sub3A_2234 = arith.subf %add3A_2227, %mul3A_902 : vector<16xf32>
        %mul3A_2235 = arith.mulf %sub3A_2234, %mul3A_968 : vector<16xf32>
        %mul3A_2236 = arith.mulf %mul3A_2235, %get3A_2230 : vector<16xf32>
        %add3A_2237 = arith.addf %mul3A_2236, %get3A_2233 : vector<16xf32>
        %swap3A_2238 = arith.index_cast %scan3A_38 : i32 to index
        %swap3A_2239 = arith.constant 800 : index
        %swap3A_2240 = tpu.vector_load %arg10[%swap3A_2238, %swap3A_2239] {strides = array<i32>} : memref<16x1024xf32, #tpu.memory_space<vmem>>, vector<1x16xf32>,
        %swap3A_2241 = vector.shape_cast %swap3A_2240 : vector<1x16xf32> to vector<16xf32>
        %swap3A_2242 = vector.shape_cast %add3A_2237 : vector<16xf32> to vector<1x16xf32>
        tpu.vector_store %arg10[%swap3A_2238, %swap3A_2239], %swap3A_2242 {strides = array<i32>} : memref<16x1024xf32, #tpu.memory_space<vmem>>, vector<1x16xf32>,
        %get3A_2243 = arith.index_cast %scan3A_38 : i32 to index
        %get3A_2244 = arith.constant 816 : index
        %get3A_2245 = tpu.vector_load %arg10[%get3A_2243, %get3A_2244] {strides = array<i32>} : memref<16x1024xf32, #tpu.memory_space<vmem>>, vector<1x16xf32>,
        %get3A_2246 = vector.shape_cast %get3A_2245 : vector<1x16xf32> to vector<16xf32>
        %get3A_2247 = arith.constant 0 : i32
        %get3A_2248 = arith.index_cast %get3A_2247 : i32 to index
        %get3A_2249 = arith.constant 816 : index
        %get3A_2250 = tpu.vector_load %arg7[%get3A_2248, %get3A_2249] {strides = array<i32>} : memref<1x1024xf32, #tpu.memory_space<vmem>>, vector<1x16xf32>,
        %get3A_2251 = vector.shape_cast %get3A_2250 : vector<1x16xf32> to vector<16xf32>
        %add3A_2252 = arith.addf %get3A_2246, %get3A_2251 : vector<16xf32>
        %get3A_2253 = arith.constant 816 : index
        %get3A_2254 = tpu.vector_load %arg8[%get3A_2253] {strides = array<i32>} : memref<1024xf32, #tpu.memory_space<vmem>>, vector<16xf32>,
        %get3A_2255 = vector.shape_cast %get3A_2254 : vector<16xf32> to vector<16xf32>
        %get3A_2256 = arith.constant 816 : index
        %get3A_2257 = tpu.vector_load %arg9[%get3A_2256] {strides = array<i32>} : memref<1024xf32, #tpu.memory_space<vmem>>, vector<16xf32>,
        %get3A_2258 = vector.shape_cast %get3A_2257 : vector<16xf32> to vector<16xf32>
        %sub3A_2259 = arith.subf %add3A_2252, %mul3A_902 : vector<16xf32>
        %mul3A_2260 = arith.mulf %sub3A_2259, %mul3A_968 : vector<16xf32>
        %mul3A_2261 = arith.mulf %mul3A_2260, %get3A_2255 : vector<16xf32>
        %add3A_2262 = arith.addf %mul3A_2261, %get3A_2258 : vector<16xf32>
        %swap3A_2263 = arith.index_cast %scan3A_38 : i32 to index
        %swap3A_2264 = arith.constant 816 : index
        %swap3A_2265 = tpu.vector_load %arg10[%swap3A_2263, %swap3A_2264] {strides = array<i32>} : memref<16x1024xf32, #tpu.memory_space<vmem>>, vector<1x16xf32>,
        %swap3A_2266 = vector.shape_cast %swap3A_2265 : vector<1x16xf32> to vector<16xf32>
        %swap3A_2267 = vector.shape_cast %add3A_2262 : vector<16xf32> to vector<1x16xf32>
        tpu.vector_store %arg10[%swap3A_2263, %swap3A_2264], %swap3A_2267 {strides = array<i32>} : memref<16x1024xf32, #tpu.memory_space<vmem>>, vector<1x16xf32>,
        %get3A_2268 = arith.index_cast %scan3A_38 : i32 to index
        %get3A_2269 = arith.constant 832 : index
        %get3A_2270 = tpu.vector_load %arg10[%get3A_2268, %get3A_2269] {strides = array<i32>} : memref<16x1024xf32, #tpu.memory_space<vmem>>, vector<1x16xf32>,
        %get3A_2271 = vector.shape_cast %get3A_2270 : vector<1x16xf32> to vector<16xf32>
        %get3A_2272 = arith.constant 0 : i32
        %get3A_2273 = arith.index_cast %get3A_2272 : i32 to index
        %get3A_2274 = arith.constant 832 : index
        %get3A_2275 = tpu.vector_load %arg7[%get3A_2273, %get3A_2274] {strides = array<i32>} : memref<1x1024xf32, #tpu.memory_space<vmem>>, vector<1x16xf32>,
        %get3A_2276 = vector.shape_cast %get3A_2275 : vector<1x16xf32> to vector<16xf32>
        %add3A_2277 = arith.addf %get3A_2271, %get3A_2276 : vector<16xf32>
        %get3A_2278 = arith.constant 832 : index
        %get3A_2279 = tpu.vector_load %arg8[%get3A_2278] {strides = array<i32>} : memref<1024xf32, #tpu.memory_space<vmem>>, vector<16xf32>,
        %get3A_2280 = vector.shape_cast %get3A_2279 : vector<16xf32> to vector<16xf32>
        %get3A_2281 = arith.constant 832 : index
        %get3A_2282 = tpu.vector_load %arg9[%get3A_2281] {strides = array<i32>} : memref<1024xf32, #tpu.memory_space<vmem>>, vector<16xf32>,
        %get3A_2283 = vector.shape_cast %get3A_2282 : vector<16xf32> to vector<16xf32>
        %sub3A_2284 = arith.subf %add3A_2277, %mul3A_902 : vector<16xf32>
        %mul3A_2285 = arith.mulf %sub3A_2284, %mul3A_968 : vector<16xf32>
        %mul3A_2286 = arith.mulf %mul3A_2285, %get3A_2280 : vector<16xf32>
        %add3A_2287 = arith.addf %mul3A_2286, %get3A_2283 : vector<16xf32>
        %swap3A_2288 = arith.index_cast %scan3A_38 : i32 to index
        %swap3A_2289 = arith.constant 832 : index
        %swap3A_2290 = tpu.vector_load %arg10[%swap3A_2288, %swap3A_2289] {strides = array<i32>} : memref<16x1024xf32, #tpu.memory_space<vmem>>, vector<1x16xf32>,
        %swap3A_2291 = vector.shape_cast %swap3A_2290 : vector<1x16xf32> to vector<16xf32>
        %swap3A_2292 = vector.shape_cast %add3A_2287 : vector<16xf32> to vector<1x16xf32>
        tpu.vector_store %arg10[%swap3A_2288, %swap3A_2289], %swap3A_2292 {strides = array<i32>} : memref<16x1024xf32, #tpu.memory_space<vmem>>, vector<1x16xf32>,
        %get3A_2293 = arith.index_cast %scan3A_38 : i32 to index
        %get3A_2294 = arith.constant 848 : index
        %get3A_2295 = tpu.vector_load %arg10[%get3A_2293, %get3A_2294] {strides = array<i32>} : memref<16x1024xf32, #tpu.memory_space<vmem>>, vector<1x16xf32>,
        %get3A_2296 = vector.shape_cast %get3A_2295 : vector<1x16xf32> to vector<16xf32>
        %get3A_2297 = arith.constant 0 : i32
        %get3A_2298 = arith.index_cast %get3A_2297 : i32 to index
        %get3A_2299 = arith.constant 848 : index
        %get3A_2300 = tpu.vector_load %arg7[%get3A_2298, %get3A_2299] {strides = array<i32>} : memref<1x1024xf32, #tpu.memory_space<vmem>>, vector<1x16xf32>,
        %get3A_2301 = vector.shape_cast %get3A_2300 : vector<1x16xf32> to vector<16xf32>
        %add3A_2302 = arith.addf %get3A_2296, %get3A_2301 : vector<16xf32>
        %get3A_2303 = arith.constant 848 : index
        %get3A_2304 = tpu.vector_load %arg8[%get3A_2303] {strides = array<i32>} : memref<1024xf32, #tpu.memory_space<vmem>>, vector<16xf32>,
        %get3A_2305 = vector.shape_cast %get3A_2304 : vector<16xf32> to vector<16xf32>
        %get3A_2306 = arith.constant 848 : index
        %get3A_2307 = tpu.vector_load %arg9[%get3A_2306] {strides = array<i32>} : memref<1024xf32, #tpu.memory_space<vmem>>, vector<16xf32>,
        %get3A_2308 = vector.shape_cast %get3A_2307 : vector<16xf32> to vector<16xf32>
        %sub3A_2309 = arith.subf %add3A_2302, %mul3A_902 : vector<16xf32>
        %mul3A_2310 = arith.mulf %sub3A_2309, %mul3A_968 : vector<16xf32>
        %mul3A_2311 = arith.mulf %mul3A_2310, %get3A_2305 : vector<16xf32>
        %add3A_2312 = arith.addf %mul3A_2311, %get3A_2308 : vector<16xf32>
        %swap3A_2313 = arith.index_cast %scan3A_38 : i32 to index
        %swap3A_2314 = arith.constant 848 : index
        %swap3A_2315 = tpu.vector_load %arg10[%swap3A_2313, %swap3A_2314] {strides = array<i32>} : memref<16x1024xf32, #tpu.memory_space<vmem>>, vector<1x16xf32>,
        %swap3A_2316 = vector.shape_cast %swap3A_2315 : vector<1x16xf32> to vector<16xf32>
        %swap3A_2317 = vector.shape_cast %add3A_2312 : vector<16xf32> to vector<1x16xf32>
        tpu.vector_store %arg10[%swap3A_2313, %swap3A_2314], %swap3A_2317 {strides = array<i32>} : memref<16x1024xf32, #tpu.memory_space<vmem>>, vector<1x16xf32>,
        %get3A_2318 = arith.index_cast %scan3A_38 : i32 to index
        %get3A_2319 = arith.constant 864 : index
        %get3A_2320 = tpu.vector_load %arg10[%get3A_2318, %get3A_2319] {strides = array<i32>} : memref<16x1024xf32, #tpu.memory_space<vmem>>, vector<1x16xf32>,
        %get3A_2321 = vector.shape_cast %get3A_2320 : vector<1x16xf32> to vector<16xf32>
        %get3A_2322 = arith.constant 0 : i32
        %get3A_2323 = arith.index_cast %get3A_2322 : i32 to index
        %get3A_2324 = arith.constant 864 : index
        %get3A_2325 = tpu.vector_load %arg7[%get3A_2323, %get3A_2324] {strides = array<i32>} : memref<1x1024xf32, #tpu.memory_space<vmem>>, vector<1x16xf32>,
        %get3A_2326 = vector.shape_cast %get3A_2325 : vector<1x16xf32> to vector<16xf32>
        %add3A_2327 = arith.addf %get3A_2321, %get3A_2326 : vector<16xf32>
        %get3A_2328 = arith.constant 864 : index
        %get3A_2329 = tpu.vector_load %arg8[%get3A_2328] {strides = array<i32>} : memref<1024xf32, #tpu.memory_space<vmem>>, vector<16xf32>,
        %get3A_2330 = vector.shape_cast %get3A_2329 : vector<16xf32> to vector<16xf32>
        %get3A_2331 = arith.constant 864 : index
        %get3A_2332 = tpu.vector_load %arg9[%get3A_2331] {strides = array<i32>} : memref<1024xf32, #tpu.memory_space<vmem>>, vector<16xf32>,
        %get3A_2333 = vector.shape_cast %get3A_2332 : vector<16xf32> to vector<16xf32>
        %sub3A_2334 = arith.subf %add3A_2327, %mul3A_902 : vector<16xf32>
        %mul3A_2335 = arith.mulf %sub3A_2334, %mul3A_968 : vector<16xf32>
        %mul3A_2336 = arith.mulf %mul3A_2335, %get3A_2330 : vector<16xf32>
        %add3A_2337 = arith.addf %mul3A_2336, %get3A_2333 : vector<16xf32>
        %swap3A_2338 = arith.index_cast %scan3A_38 : i32 to index
        %swap3A_2339 = arith.constant 864 : index
        %swap3A_2340 = tpu.vector_load %arg10[%swap3A_2338, %swap3A_2339] {strides = array<i32>} : memref<16x1024xf32, #tpu.memory_space<vmem>>, vector<1x16xf32>,
        %swap3A_2341 = vector.shape_cast %swap3A_2340 : vector<1x16xf32> to vector<16xf32>
        %swap3A_2342 = vector.shape_cast %add3A_2337 : vector<16xf32> to vector<1x16xf32>
        tpu.vector_store %arg10[%swap3A_2338, %swap3A_2339], %swap3A_2342 {strides = array<i32>} : memref<16x1024xf32, #tpu.memory_space<vmem>>, vector<1x16xf32>,
        %get3A_2343 = arith.index_cast %scan3A_38 : i32 to index
        %get3A_2344 = arith.constant 880 : index
        %get3A_2345 = tpu.vector_load %arg10[%get3A_2343, %get3A_2344] {strides = array<i32>} : memref<16x1024xf32, #tpu.memory_space<vmem>>, vector<1x16xf32>,
        %get3A_2346 = vector.shape_cast %get3A_2345 : vector<1x16xf32> to vector<16xf32>
        %get3A_2347 = arith.constant 0 : i32
        %get3A_2348 = arith.index_cast %get3A_2347 : i32 to index
        %get3A_2349 = arith.constant 880 : index
        %get3A_2350 = tpu.vector_load %arg7[%get3A_2348, %get3A_2349] {strides = array<i32>} : memref<1x1024xf32, #tpu.memory_space<vmem>>, vector<1x16xf32>,
        %get3A_2351 = vector.shape_cast %get3A_2350 : vector<1x16xf32> to vector<16xf32>
        %add3A_2352 = arith.addf %get3A_2346, %get3A_2351 : vector<16xf32>
        %get3A_2353 = arith.constant 880 : index
        %get3A_2354 = tpu.vector_load %arg8[%get3A_2353] {strides = array<i32>} : memref<1024xf32, #tpu.memory_space<vmem>>, vector<16xf32>,
        %get3A_2355 = vector.shape_cast %get3A_2354 : vector<16xf32> to vector<16xf32>
        %get3A_2356 = arith.constant 880 : index
        %get3A_2357 = tpu.vector_load %arg9[%get3A_2356] {strides = array<i32>} : memref<1024xf32, #tpu.memory_space<vmem>>, vector<16xf32>,
        %get3A_2358 = vector.shape_cast %get3A_2357 : vector<16xf32> to vector<16xf32>
        %sub3A_2359 = arith.subf %add3A_2352, %mul3A_902 : vector<16xf32>
        %mul3A_2360 = arith.mulf %sub3A_2359, %mul3A_968 : vector<16xf32>
        %mul3A_2361 = arith.mulf %mul3A_2360, %get3A_2355 : vector<16xf32>
        %add3A_2362 = arith.addf %mul3A_2361, %get3A_2358 : vector<16xf32>
        %swap3A_2363 = arith.index_cast %scan3A_38 : i32 to index
        %swap3A_2364 = arith.constant 880 : index
        %swap3A_2365 = tpu.vector_load %arg10[%swap3A_2363, %swap3A_2364] {strides = array<i32>} : memref<16x1024xf32, #tpu.memory_space<vmem>>, vector<1x16xf32>,
        %swap3A_2366 = vector.shape_cast %swap3A_2365 : vector<1x16xf32> to vector<16xf32>
        %swap3A_2367 = vector.shape_cast %add3A_2362 : vector<16xf32> to vector<1x16xf32>
        tpu.vector_store %arg10[%swap3A_2363, %swap3A_2364], %swap3A_2367 {strides = array<i32>} : memref<16x1024xf32, #tpu.memory_space<vmem>>, vector<1x16xf32>,
        %get3A_2368 = arith.index_cast %scan3A_38 : i32 to index
        %get3A_2369 = arith.constant 896 : index
        %get3A_2370 = tpu.vector_load %arg10[%get3A_2368, %get3A_2369] {strides = array<i32>} : memref<16x1024xf32, #tpu.memory_space<vmem>>, vector<1x16xf32>,
        %get3A_2371 = vector.shape_cast %get3A_2370 : vector<1x16xf32> to vector<16xf32>
        %get3A_2372 = arith.constant 0 : i32
        %get3A_2373 = arith.index_cast %get3A_2372 : i32 to index
        %get3A_2374 = arith.constant 896 : index
        %get3A_2375 = tpu.vector_load %arg7[%get3A_2373, %get3A_2374] {strides = array<i32>} : memref<1x1024xf32, #tpu.memory_space<vmem>>, vector<1x16xf32>,
        %get3A_2376 = vector.shape_cast %get3A_2375 : vector<1x16xf32> to vector<16xf32>
        %add3A_2377 = arith.addf %get3A_2371, %get3A_2376 : vector<16xf32>
        %get3A_2378 = arith.constant 896 : index
        %get3A_2379 = tpu.vector_load %arg8[%get3A_2378] {strides = array<i32>} : memref<1024xf32, #tpu.memory_space<vmem>>, vector<16xf32>,
        %get3A_2380 = vector.shape_cast %get3A_2379 : vector<16xf32> to vector<16xf32>
        %get3A_2381 = arith.constant 896 : index
        %get3A_2382 = tpu.vector_load %arg9[%get3A_2381] {strides = array<i32>} : memref<1024xf32, #tpu.memory_space<vmem>>, vector<16xf32>,
        %get3A_2383 = vector.shape_cast %get3A_2382 : vector<16xf32> to vector<16xf32>
        %sub3A_2384 = arith.subf %add3A_2377, %mul3A_902 : vector<16xf32>
        %mul3A_2385 = arith.mulf %sub3A_2384, %mul3A_968 : vector<16xf32>
        %mul3A_2386 = arith.mulf %mul3A_2385, %get3A_2380 : vector<16xf32>
        %add3A_2387 = arith.addf %mul3A_2386, %get3A_2383 : vector<16xf32>
        %swap3A_2388 = arith.index_cast %scan3A_38 : i32 to index
        %swap3A_2389 = arith.constant 896 : index
        %swap3A_2390 = tpu.vector_load %arg10[%swap3A_2388, %swap3A_2389] {strides = array<i32>} : memref<16x1024xf32, #tpu.memory_space<vmem>>, vector<1x16xf32>,
        %swap3A_2391 = vector.shape_cast %swap3A_2390 : vector<1x16xf32> to vector<16xf32>
        %swap3A_2392 = vector.shape_cast %add3A_2387 : vector<16xf32> to vector<1x16xf32>
        tpu.vector_store %arg10[%swap3A_2388, %swap3A_2389], %swap3A_2392 {strides = array<i32>} : memref<16x1024xf32, #tpu.memory_space<vmem>>, vector<1x16xf32>,
        %get3A_2393 = arith.index_cast %scan3A_38 : i32 to index
        %get3A_2394 = arith.constant 912 : index
        %get3A_2395 = tpu.vector_load %arg10[%get3A_2393, %get3A_2394] {strides = array<i32>} : memref<16x1024xf32, #tpu.memory_space<vmem>>, vector<1x16xf32>,
        %get3A_2396 = vector.shape_cast %get3A_2395 : vector<1x16xf32> to vector<16xf32>
        %get3A_2397 = arith.constant 0 : i32
        %get3A_2398 = arith.index_cast %get3A_2397 : i32 to index
        %get3A_2399 = arith.constant 912 : index
        %get3A_2400 = tpu.vector_load %arg7[%get3A_2398, %get3A_2399] {strides = array<i32>} : memref<1x1024xf32, #tpu.memory_space<vmem>>, vector<1x16xf32>,
        %get3A_2401 = vector.shape_cast %get3A_2400 : vector<1x16xf32> to vector<16xf32>
        %add3A_2402 = arith.addf %get3A_2396, %get3A_2401 : vector<16xf32>
        %get3A_2403 = arith.constant 912 : index
        %get3A_2404 = tpu.vector_load %arg8[%get3A_2403] {strides = array<i32>} : memref<1024xf32, #tpu.memory_space<vmem>>, vector<16xf32>,
        %get3A_2405 = vector.shape_cast %get3A_2404 : vector<16xf32> to vector<16xf32>
        %get3A_2406 = arith.constant 912 : index
        %get3A_2407 = tpu.vector_load %arg9[%get3A_2406] {strides = array<i32>} : memref<1024xf32, #tpu.memory_space<vmem>>, vector<16xf32>,
        %get3A_2408 = vector.shape_cast %get3A_2407 : vector<16xf32> to vector<16xf32>
        %sub3A_2409 = arith.subf %add3A_2402, %mul3A_902 : vector<16xf32>
        %mul3A_2410 = arith.mulf %sub3A_2409, %mul3A_968 : vector<16xf32>
        %mul3A_2411 = arith.mulf %mul3A_2410, %get3A_2405 : vector<16xf32>
        %add3A_2412 = arith.addf %mul3A_2411, %get3A_2408 : vector<16xf32>
        %swap3A_2413 = arith.index_cast %scan3A_38 : i32 to index
        %swap3A_2414 = arith.constant 912 : index
        %swap3A_2415 = tpu.vector_load %arg10[%swap3A_2413, %swap3A_2414] {strides = array<i32>} : memref<16x1024xf32, #tpu.memory_space<vmem>>, vector<1x16xf32>,
        %swap3A_2416 = vector.shape_cast %swap3A_2415 : vector<1x16xf32> to vector<16xf32>
        %swap3A_2417 = vector.shape_cast %add3A_2412 : vector<16xf32> to vector<1x16xf32>
        tpu.vector_store %arg10[%swap3A_2413, %swap3A_2414], %swap3A_2417 {strides = array<i32>} : memref<16x1024xf32, #tpu.memory_space<vmem>>, vector<1x16xf32>,
        %get3A_2418 = arith.index_cast %scan3A_38 : i32 to index
        %get3A_2419 = arith.constant 928 : index
        %get3A_2420 = tpu.vector_load %arg10[%get3A_2418, %get3A_2419] {strides = array<i32>} : memref<16x1024xf32, #tpu.memory_space<vmem>>, vector<1x16xf32>,
        %get3A_2421 = vector.shape_cast %get3A_2420 : vector<1x16xf32> to vector<16xf32>
        %get3A_2422 = arith.constant 0 : i32
        %get3A_2423 = arith.index_cast %get3A_2422 : i32 to index
        %get3A_2424 = arith.constant 928 : index
        %get3A_2425 = tpu.vector_load %arg7[%get3A_2423, %get3A_2424] {strides = array<i32>} : memref<1x1024xf32, #tpu.memory_space<vmem>>, vector<1x16xf32>,
        %get3A_2426 = vector.shape_cast %get3A_2425 : vector<1x16xf32> to vector<16xf32>
        %add3A_2427 = arith.addf %get3A_2421, %get3A_2426 : vector<16xf32>
        %get3A_2428 = arith.constant 928 : index
        %get3A_2429 = tpu.vector_load %arg8[%get3A_2428] {strides = array<i32>} : memref<1024xf32, #tpu.memory_space<vmem>>, vector<16xf32>,
        %get3A_2430 = vector.shape_cast %get3A_2429 : vector<16xf32> to vector<16xf32>
        %get3A_2431 = arith.constant 928 : index
        %get3A_2432 = tpu.vector_load %arg9[%get3A_2431] {strides = array<i32>} : memref<1024xf32, #tpu.memory_space<vmem>>, vector<16xf32>,
        %get3A_2433 = vector.shape_cast %get3A_2432 : vector<16xf32> to vector<16xf32>
        %sub3A_2434 = arith.subf %add3A_2427, %mul3A_902 : vector<16xf32>
        %mul3A_2435 = arith.mulf %sub3A_2434, %mul3A_968 : vector<16xf32>
        %mul3A_2436 = arith.mulf %mul3A_2435, %get3A_2430 : vector<16xf32>
        %add3A_2437 = arith.addf %mul3A_2436, %get3A_2433 : vector<16xf32>
        %swap3A_2438 = arith.index_cast %scan3A_38 : i32 to index
        %swap3A_2439 = arith.constant 928 : index
        %swap3A_2440 = tpu.vector_load %arg10[%swap3A_2438, %swap3A_2439] {strides = array<i32>} : memref<16x1024xf32, #tpu.memory_space<vmem>>, vector<1x16xf32>,
        %swap3A_2441 = vector.shape_cast %swap3A_2440 : vector<1x16xf32> to vector<16xf32>
        %swap3A_2442 = vector.shape_cast %add3A_2437 : vector<16xf32> to vector<1x16xf32>
        tpu.vector_store %arg10[%swap3A_2438, %swap3A_2439], %swap3A_2442 {strides = array<i32>} : memref<16x1024xf32, #tpu.memory_space<vmem>>, vector<1x16xf32>,
        %get3A_2443 = arith.index_cast %scan3A_38 : i32 to index
        %get3A_2444 = arith.constant 944 : index
        %get3A_2445 = tpu.vector_load %arg10[%get3A_2443, %get3A_2444] {strides = array<i32>} : memref<16x1024xf32, #tpu.memory_space<vmem>>, vector<1x16xf32>,
        %get3A_2446 = vector.shape_cast %get3A_2445 : vector<1x16xf32> to vector<16xf32>
        %get3A_2447 = arith.constant 0 : i32
        %get3A_2448 = arith.index_cast %get3A_2447 : i32 to index
        %get3A_2449 = arith.constant 944 : index
        %get3A_2450 = tpu.vector_load %arg7[%get3A_2448, %get3A_2449] {strides = array<i32>} : memref<1x1024xf32, #tpu.memory_space<vmem>>, vector<1x16xf32>,
        %get3A_2451 = vector.shape_cast %get3A_2450 : vector<1x16xf32> to vector<16xf32>
        %add3A_2452 = arith.addf %get3A_2446, %get3A_2451 : vector<16xf32>
        %get3A_2453 = arith.constant 944 : index
        %get3A_2454 = tpu.vector_load %arg8[%get3A_2453] {strides = array<i32>} : memref<1024xf32, #tpu.memory_space<vmem>>, vector<16xf32>,
        %get3A_2455 = vector.shape_cast %get3A_2454 : vector<16xf32> to vector<16xf32>
        %get3A_2456 = arith.constant 944 : index
        %get3A_2457 = tpu.vector_load %arg9[%get3A_2456] {strides = array<i32>} : memref<1024xf32, #tpu.memory_space<vmem>>, vector<16xf32>,
        %get3A_2458 = vector.shape_cast %get3A_2457 : vector<16xf32> to vector<16xf32>
        %sub3A_2459 = arith.subf %add3A_2452, %mul3A_902 : vector<16xf32>
        %mul3A_2460 = arith.mulf %sub3A_2459, %mul3A_968 : vector<16xf32>
        %mul3A_2461 = arith.mulf %mul3A_2460, %get3A_2455 : vector<16xf32>
        %add3A_2462 = arith.addf %mul3A_2461, %get3A_2458 : vector<16xf32>
        %swap3A_2463 = arith.index_cast %scan3A_38 : i32 to index
        %swap3A_2464 = arith.constant 944 : index
        %swap3A_2465 = tpu.vector_load %arg10[%swap3A_2463, %swap3A_2464] {strides = array<i32>} : memref<16x1024xf32, #tpu.memory_space<vmem>>, vector<1x16xf32>,
        %swap3A_2466 = vector.shape_cast %swap3A_2465 : vector<1x16xf32> to vector<16xf32>
        %swap3A_2467 = vector.shape_cast %add3A_2462 : vector<16xf32> to vector<1x16xf32>
        tpu.vector_store %arg10[%swap3A_2463, %swap3A_2464], %swap3A_2467 {strides = array<i32>} : memref<16x1024xf32, #tpu.memory_space<vmem>>, vector<1x16xf32>,
        %get3A_2468 = arith.index_cast %scan3A_38 : i32 to index
        %get3A_2469 = arith.constant 960 : index
        %get3A_2470 = tpu.vector_load %arg10[%get3A_2468, %get3A_2469] {strides = array<i32>} : memref<16x1024xf32, #tpu.memory_space<vmem>>, vector<1x16xf32>,
        %get3A_2471 = vector.shape_cast %get3A_2470 : vector<1x16xf32> to vector<16xf32>
        %get3A_2472 = arith.constant 0 : i32
        %get3A_2473 = arith.index_cast %get3A_2472 : i32 to index
        %get3A_2474 = arith.constant 960 : index
        %get3A_2475 = tpu.vector_load %arg7[%get3A_2473, %get3A_2474] {strides = array<i32>} : memref<1x1024xf32, #tpu.memory_space<vmem>>, vector<1x16xf32>,
        %get3A_2476 = vector.shape_cast %get3A_2475 : vector<1x16xf32> to vector<16xf32>
        %add3A_2477 = arith.addf %get3A_2471, %get3A_2476 : vector<16xf32>
        %get3A_2478 = arith.constant 960 : index
        %get3A_2479 = tpu.vector_load %arg8[%get3A_2478] {strides = array<i32>} : memref<1024xf32, #tpu.memory_space<vmem>>, vector<16xf32>,
        %get3A_2480 = vector.shape_cast %get3A_2479 : vector<16xf32> to vector<16xf32>
        %get3A_2481 = arith.constant 960 : index
        %get3A_2482 = tpu.vector_load %arg9[%get3A_2481] {strides = array<i32>} : memref<1024xf32, #tpu.memory_space<vmem>>, vector<16xf32>,
        %get3A_2483 = vector.shape_cast %get3A_2482 : vector<16xf32> to vector<16xf32>
        %sub3A_2484 = arith.subf %add3A_2477, %mul3A_902 : vector<16xf32>
        %mul3A_2485 = arith.mulf %sub3A_2484, %mul3A_968 : vector<16xf32>
        %mul3A_2486 = arith.mulf %mul3A_2485, %get3A_2480 : vector<16xf32>
        %add3A_2487 = arith.addf %mul3A_2486, %get3A_2483 : vector<16xf32>
        %swap3A_2488 = arith.index_cast %scan3A_38 : i32 to index
        %swap3A_2489 = arith.constant 960 : index
        %swap3A_2490 = tpu.vector_load %arg10[%swap3A_2488, %swap3A_2489] {strides = array<i32>} : memref<16x1024xf32, #tpu.memory_space<vmem>>, vector<1x16xf32>,
        %swap3A_2491 = vector.shape_cast %swap3A_2490 : vector<1x16xf32> to vector<16xf32>
        %swap3A_2492 = vector.shape_cast %add3A_2487 : vector<16xf32> to vector<1x16xf32>
        tpu.vector_store %arg10[%swap3A_2488, %swap3A_2489], %swap3A_2492 {strides = array<i32>} : memref<16x1024xf32, #tpu.memory_space<vmem>>, vector<1x16xf32>,
        %get3A_2493 = arith.index_cast %scan3A_38 : i32 to index
        %get3A_2494 = arith.constant 976 : index
        %get3A_2495 = tpu.vector_load %arg10[%get3A_2493, %get3A_2494] {strides = array<i32>} : memref<16x1024xf32, #tpu.memory_space<vmem>>, vector<1x16xf32>,
        %get3A_2496 = vector.shape_cast %get3A_2495 : vector<1x16xf32> to vector<16xf32>
        %get3A_2497 = arith.constant 0 : i32
        %get3A_2498 = arith.index_cast %get3A_2497 : i32 to index
        %get3A_2499 = arith.constant 976 : index
        %get3A_2500 = tpu.vector_load %arg7[%get3A_2498, %get3A_2499] {strides = array<i32>} : memref<1x1024xf32, #tpu.memory_space<vmem>>, vector<1x16xf32>,
        %get3A_2501 = vector.shape_cast %get3A_2500 : vector<1x16xf32> to vector<16xf32>
        %add3A_2502 = arith.addf %get3A_2496, %get3A_2501 : vector<16xf32>
        %get3A_2503 = arith.constant 976 : index
        %get3A_2504 = tpu.vector_load %arg8[%get3A_2503] {strides = array<i32>} : memref<1024xf32, #tpu.memory_space<vmem>>, vector<16xf32>,
        %get3A_2505 = vector.shape_cast %get3A_2504 : vector<16xf32> to vector<16xf32>
        %get3A_2506 = arith.constant 976 : index
        %get3A_2507 = tpu.vector_load %arg9[%get3A_2506] {strides = array<i32>} : memref<1024xf32, #tpu.memory_space<vmem>>, vector<16xf32>,
        %get3A_2508 = vector.shape_cast %get3A_2507 : vector<16xf32> to vector<16xf32>
        %sub3A_2509 = arith.subf %add3A_2502, %mul3A_902 : vector<16xf32>
        %mul3A_2510 = arith.mulf %sub3A_2509, %mul3A_968 : vector<16xf32>
        %mul3A_2511 = arith.mulf %mul3A_2510, %get3A_2505 : vector<16xf32>
        %add3A_2512 = arith.addf %mul3A_2511, %get3A_2508 : vector<16xf32>
        %swap3A_2513 = arith.index_cast %scan3A_38 : i32 to index
        %swap3A_2514 = arith.constant 976 : index
        %swap3A_2515 = tpu.vector_load %arg10[%swap3A_2513, %swap3A_2514] {strides = array<i32>} : memref<16x1024xf32, #tpu.memory_space<vmem>>, vector<1x16xf32>,
        %swap3A_2516 = vector.shape_cast %swap3A_2515 : vector<1x16xf32> to vector<16xf32>
        %swap3A_2517 = vector.shape_cast %add3A_2512 : vector<16xf32> to vector<1x16xf32>
        tpu.vector_store %arg10[%swap3A_2513, %swap3A_2514], %swap3A_2517 {strides = array<i32>} : memref<16x1024xf32, #tpu.memory_space<vmem>>, vector<1x16xf32>,
        %get3A_2518 = arith.index_cast %scan3A_38 : i32 to index
        %get3A_2519 = arith.constant 992 : index
        %get3A_2520 = tpu.vector_load %arg10[%get3A_2518, %get3A_2519] {strides = array<i32>} : memref<16x1024xf32, #tpu.memory_space<vmem>>, vector<1x16xf32>,
        %get3A_2521 = vector.shape_cast %get3A_2520 : vector<1x16xf32> to vector<16xf32>
        %get3A_2522 = arith.constant 0 : i32
        %get3A_2523 = arith.index_cast %get3A_2522 : i32 to index
        %get3A_2524 = arith.constant 992 : index
        %get3A_2525 = tpu.vector_load %arg7[%get3A_2523, %get3A_2524] {strides = array<i32>} : memref<1x1024xf32, #tpu.memory_space<vmem>>, vector<1x16xf32>,
        %get3A_2526 = vector.shape_cast %get3A_2525 : vector<1x16xf32> to vector<16xf32>
        %add3A_2527 = arith.addf %get3A_2521, %get3A_2526 : vector<16xf32>
        %get3A_2528 = arith.constant 992 : index
        %get3A_2529 = tpu.vector_load %arg8[%get3A_2528] {strides = array<i32>} : memref<1024xf32, #tpu.memory_space<vmem>>, vector<16xf32>,
        %get3A_2530 = vector.shape_cast %get3A_2529 : vector<16xf32> to vector<16xf32>
        %get3A_2531 = arith.constant 992 : index
        %get3A_2532 = tpu.vector_load %arg9[%get3A_2531] {strides = array<i32>} : memref<1024xf32, #tpu.memory_space<vmem>>, vector<16xf32>,
        %get3A_2533 = vector.shape_cast %get3A_2532 : vector<16xf32> to vector<16xf32>
        %sub3A_2534 = arith.subf %add3A_2527, %mul3A_902 : vector<16xf32>
        %mul3A_2535 = arith.mulf %sub3A_2534, %mul3A_968 : vector<16xf32>
        %mul3A_2536 = arith.mulf %mul3A_2535, %get3A_2530 : vector<16xf32>
        %add3A_2537 = arith.addf %mul3A_2536, %get3A_2533 : vector<16xf32>
        %swap3A_2538 = arith.index_cast %scan3A_38 : i32 to index
        %swap3A_2539 = arith.constant 992 : index
        %swap3A_2540 = tpu.vector_load %arg10[%swap3A_2538, %swap3A_2539] {strides = array<i32>} : memref<16x1024xf32, #tpu.memory_space<vmem>>, vector<1x16xf32>,
        %swap3A_2541 = vector.shape_cast %swap3A_2540 : vector<1x16xf32> to vector<16xf32>
        %swap3A_2542 = vector.shape_cast %add3A_2537 : vector<16xf32> to vector<1x16xf32>
        tpu.vector_store %arg10[%swap3A_2538, %swap3A_2539], %swap3A_2542 {strides = array<i32>} : memref<16x1024xf32, #tpu.memory_space<vmem>>, vector<1x16xf32>,
        %get3A_2543 = arith.index_cast %scan3A_38 : i32 to index
        %get3A_2544 = arith.constant 1008 : index
        %get3A_2545 = tpu.vector_load %arg10[%get3A_2543, %get3A_2544] {strides = array<i32>} : memref<16x1024xf32, #tpu.memory_space<vmem>>, vector<1x16xf32>,
        %get3A_2546 = vector.shape_cast %get3A_2545 : vector<1x16xf32> to vector<16xf32>
        %get3A_2547 = arith.constant 0 : i32
        %get3A_2548 = arith.index_cast %get3A_2547 : i32 to index
        %get3A_2549 = arith.constant 1008 : index
        %get3A_2550 = tpu.vector_load %arg7[%get3A_2548, %get3A_2549] {strides = array<i32>} : memref<1x1024xf32, #tpu.memory_space<vmem>>, vector<1x16xf32>,
        %get3A_2551 = vector.shape_cast %get3A_2550 : vector<1x16xf32> to vector<16xf32>
        %add3A_2552 = arith.addf %get3A_2546, %get3A_2551 : vector<16xf32>
        %get3A_2553 = arith.constant 1008 : index
        %get3A_2554 = tpu.vector_load %arg8[%get3A_2553] {strides = array<i32>} : memref<1024xf32, #tpu.memory_space<vmem>>, vector<16xf32>,
        %get3A_2555 = vector.shape_cast %get3A_2554 : vector<16xf32> to vector<16xf32>
        %get3A_2556 = arith.constant 1008 : index
        %get3A_2557 = tpu.vector_load %arg9[%get3A_2556] {strides = array<i32>} : memref<1024xf32, #tpu.memory_space<vmem>>, vector<16xf32>,
        %get3A_2558 = vector.shape_cast %get3A_2557 : vector<16xf32> to vector<16xf32>
        %sub3A_2559 = arith.subf %add3A_2552, %mul3A_902 : vector<16xf32>
        %mul3A_2560 = arith.mulf %sub3A_2559, %mul3A_968 : vector<16xf32>
        %mul3A_2561 = arith.mulf %mul3A_2560, %get3A_2555 : vector<16xf32>
        %add3A_2562 = arith.addf %mul3A_2561, %get3A_2558 : vector<16xf32>
        %swap3A_2563 = arith.index_cast %scan3A_38 : i32 to index
        %swap3A_2564 = arith.constant 1008 : index
        %swap3A_2565 = tpu.vector_load %arg10[%swap3A_2563, %swap3A_2564] {strides = array<i32>} : memref<16x1024xf32, #tpu.memory_space<vmem>>, vector<1x16xf32>,
        %swap3A_2566 = vector.shape_cast %swap3A_2565 : vector<1x16xf32> to vector<16xf32>
        %swap3A_2567 = vector.shape_cast %add3A_2562 : vector<16xf32> to vector<1x16xf32>
        tpu.vector_store %arg10[%swap3A_2563, %swap3A_2564], %swap3A_2567 {strides = array<i32>} : memref<16x1024xf32, #tpu.memory_space<vmem>>, vector<1x16xf32>,
        %scan3A_2568 = arith.constant 0 : i32
        scf.yield %scan3A_2568 : i32
      }
      %scan3A_36 = arith.constant 16 : i32
      "tpu.region"() ({
        %run_scoped3A = tpu.sem_alloc : memref<!tpu.dma_semaphore, #tpu.memory_space<semaphore_mem>>
        %dma_start3A = arith.constant 0 : i32
        %dma_start3A_38 = tpu.memref_slice %arg6[%add3A_29, %dma_start3A] : memref<32768x1024xf32, #tpu.memory_space<hbm>> -> memref<16x1024xf32, #tpu.memory_space<hbm>>
        %dma_start3A_39 = arith.constant 0 : i32
        %dma_start3A_40 = tpu.memref_slice %arg6[%add3A_29, %dma_start3A_39] : memref<32768x1024xf32, #tpu.memory_space<hbm>> -> memref<16x1024xf32, #tpu.memory_space<hbm>>
        tpu.enqueue_dma source(%arg10 : memref<16x1024xf32, #tpu.memory_space<vmem>>) target(%dma_start3A_40 : memref<16x1024xf32, #tpu.memory_space<hbm>>) target_semaphore(%run_scoped3A : memref<!tpu.dma_semaphore, #tpu.memory_space<semaphore_mem>>)
        %dma_wait3A = arith.constant 0 : i32
        %dma_wait3A_41 = tpu.memref_slice %arg6[%add3A_29, %dma_wait3A] : memref<32768x1024xf32, #tpu.memory_space<hbm>> -> memref<16x1024xf32, #tpu.memory_space<hbm>>
        %dma_wait3A_42 = arith.constant 0 : i32
        %dma_wait3A_43 = tpu.memref_slice %arg6[%add3A_29, %dma_wait3A_42] : memref<32768x1024xf32, #tpu.memory_space<hbm>> -> memref<16x1024xf32, #tpu.memory_space<hbm>>
        tpu.wait_dma2 semaphore(%run_scoped3A : memref<!tpu.dma_semaphore, #tpu.memory_space<semaphore_mem>>) src(%arg10 : memref<16x1024xf32, #tpu.memory_space<vmem>>) dst(%dma_wait3A_43 : memref<16x1024xf32, #tpu.memory_space<hbm>>)
        tpu.yield
      }) : () -> ()
      %scan3A_37 = arith.constant 0 : i32
      scf.yield %scan3A_37 : i32
    }
    %scan3A_24 = arith.constant 64 : i32
    return
  }
}

</mosaic_0001>

<sc_bundles>
// kernel: kernel.3.cloned.1.call-start
scs
__scs_entry_jumppad:
0x0: {  	(pc) =	sbr.rel $0x88, $3  }
0x1: {  	(tag) =	ssettag $0x0;
	lr =	simm.s32 $0x1  }
0x2: {  	[smem:$0x3F9D] =	sst lr;
	_ =	strace $0xD0000000  }
0x3: {  	_ = 	snop  }
0x4: {  	_ = 	snop  }
0x5: {  	_ = 	snop  }
0x6: {  	_ = 	snop  }
0x7: {  	_ = 	snop  }
__scs_overlays_trampoline_lowered:
0x8: {  	[smem:$0x3FAC] =	sst s0  }
0x9: {  	[smem:$0x3FAD] =	sst s1  }
0xa: {  	[smem:$0x3FAE] =	sst s2  }
0xb: {  	[smem:$0x3FAF] =	sst s3  }
0xc: {  	[smem:$0x3FB0] =	sst s4  }
0xd: {  	[smem:$0x3FB1] =	sst s5  }
0xe: {  	[smem:$0x3FB2] =	sst s6  }
0xf: {  	[smem:$0x3FB3] =	sst s7  }
0x10: {  	[smem:$0x3FB4] =	sst s8  }
0x11: {  	[smem:$0x3FB5] =	sst s9;
	s0 =	simm.s32 @!p0 $0x0  }
0x12: {  	s1 =	sld [smem:$0x3F9B];
	s0 =	simm.s32 @p0 $0x1  }
0x13: {  	[smem:$0x3FB6] =	sst s0;
	s0 =	simm.s32 @!p1 $0x0  }
0x14: {  	s2 =	sld [smem:$0x3F9A];
	s0 =	simm.s32 @p1 $0x1  }
0x15: {  	[smem:$0x3FB7] =	sst s0;
	s0 =	simm.s32 @!p2 $0x0  }
0x16: {  	s3 =	sld [smem:$0x3FDB];
	s0 =	simm.s32 @p2 $0x1  }
0x17: {  	s4 =	simm.s32 $0x1BF5;
	[smem:$0x3FB9] =	sst s0  }
0x18: {  	s0 =	sld [smem:$0x3F9C];
	_ =	swait.ge [sflag:s4], $0x0  }
0x19: {  	s7 =	sld [smem:$0x3F9D]  }
0x1a: {  	s8 =	sadd.s32 $0xFFFFE003, lr  }
0x1b: {  	s9 =	sadd.s32 $0xFFFFFEF7, lr;
	s5 =	simm.s32 $0xFFFFFFFF;
	p2 =	slt.u32 s8, $0xFFFFF086  }
0x1c: {  	p1 =	slt.u32 s9, $0xF7A;
	s5 =	simm.s32 @!p2 $0x0  }
0x1d: {  	s5 =	simm.s32 @p1 $0x1;
	p0 =	seq.s32 s7, s2  }
0x1e: {  	s7 =	smul.u32 @!p0 $0xF7A, s2;
	p2 =	seq.s32 @!p0 s5, $0x0  }
0x1f: {  	s9 =	smul.u32 $0xF7A, s1;
	s8 =	simm.s32 @!p0 $0x1BF5;
	p2 =	por !p2, p0  }
0x20: {  	[sflag:s8] =	ssyncset.s32 @!p0 $0xFFFFF086;
	s6 =	sadd.s32 @!p0 s3, s7;
	s7 =	simm.s32 @!p0 $0x108  }
0x21: {  	s3 =	sadd.s32 s3, s9;
	s6 =	sadd.s32 @!p0 $0x88, s6;
	s7 =	simm.s32 @p2 $0x1082  }
0x22: {  	[simem:s7], [sflag:s8] =	dma.local @!p0 [hbm:s6], $0xF7A  }
0x23: {  	s9 =	sor.u32 $0xD0000000, s2;
	s6 =	simm.s32 $0x108;
	_ =	swait.ge @!p0 [sflag:s8], $0x0  }
0x24: {  	s3 =	sadd.s32 $0x88, s3;
	s6 =	simm.s32 @!p1 $0x1082;
	[sflag:s4] =	ssyncset.s32 $0xFFFFF086  }
0x25: {  	[simem:s6], [sflag:s4] =	dma.local [hbm:s3], $0xF7A  }
0x26: {  	[smem:$0x3F9D] =	sst s1;
	(tag) =	ssettag s2;
	_ =	strace s9  }
0x27: {  	s1 =	sld [smem:$0x3FAD]  }
0x28: {  	s2 =	sld [smem:$0x3FAE]  }
0x29: {  	s4 =	sld [smem:$0x3FB0]  }
0x2a: {  	p0 =	seq.s32 s5, $0x0;
	s5 =	sld [smem:$0x3FB1]  }
0x2b: {  	s6 =	sld [smem:$0x3FB2]  }
0x2c: {  	s7 =	sld [smem:$0x3FB3]  }
0x2d: {  	s3 =	simm.s32 $0x108;
	s8 =	sld [smem:$0x3FB4]  }
0x2e: {  	s3 =	simm.s32 @!p0 $0x1082;
	s9 =	sld [smem:$0x3FB5]  }
0x2f: {  	lr =	sadd.s32 s0, s3;
	s0 =	sld [smem:$0x3FAC]  }
0x30: {  	s3 =	sld [smem:$0x3FAF]  }
0x31: {  	[smem:$0x3FB8] =	sst s10  }
0x32: {  	s10 =	sld [smem:$0x3FB6];
	_ =	sdelay $0x3  }
0x33: {  	p0 =	seq.s32 s10, $0x1;
	s10 =	sld [smem:$0x3FB8];
	_ =	sdelay $0x3  }
0x34: {  	[smem:$0x3FB8] =	sst s10  }
0x35: {  	s10 =	sld [smem:$0x3FB7];
	_ =	sdelay $0x3  }
0x36: {  	p1 =	seq.s32 s10, $0x1;
	s10 =	sld [smem:$0x3FB8];
	_ =	sdelay $0x3  }
0x37: {  	[smem:$0x3FB8] =	sst s10  }
0x38: {  	s10 =	sld [smem:$0x3FB9]  }
0x39: {  	_ = 	snop;
	(pc) =	sbr.ind lr, $3  }
0x3a: {  	_ = 	snop  }
0x3b: {  	_ = 	snop  }
0x3c: {  	p2 =	seq.s32 s10, $0x1;
	s10 =	sld [smem:$0x3FB8]  }
0x3d: {  	_ =	shalt  }
0x3e: {  	_ =	shalt  }
0x3f: {  	_ =	shalt  }
0x40: {  	_ =	shalt  }
0x41: {  	_ =	shalt  }
0x42: {  	_ =	shalt  }
0x43: {  	_ =	shalt  }
0x44: {  	_ =	shalt  }
0x45: {  	_ =	shalt  }
0x46: {  	_ =	shalt  }
0x47: {  	_ =	shalt  }
0x48: {  	_ =	shalt  }
0x49: {  	_ =	shalt  }
0x4a: {  	_ =	shalt  }
0x4b: {  	_ =	shalt  }
0x4c: {  	_ =	shalt  }
0x4d: {  	_ =	shalt  }
0x4e: {  	_ =	shalt  }
0x4f: {  	_ =	shalt  }
0x50: {  	_ =	shalt  }
0x51: {  	_ =	shalt  }
0x52: {  	_ =	shalt  }
0x53: {  	_ =	shalt  }
0x54: {  	_ =	shalt  }
0x55: {  	_ =	shalt  }
0x56: {  	_ =	shalt  }
0x57: {  	_ =	shalt  }
0x58: {  	_ =	shalt  }
0x59: {  	_ =	shalt  }
0x5a: {  	_ =	shalt  }
0x5b: {  	_ =	shalt  }
0x5c: {  	_ =	shalt  }
0x5d: {  	_ =	shalt  }
0x5e: {  	_ =	shalt  }
0x5f: {  	_ =	shalt  }
0x60: {  	_ =	shalt  }
0x61: {  	_ =	shalt  }
0x62: {  	_ =	shalt  }
0x63: {  	_ =	shalt  }
0x64: {  	_ =	shalt  }
0x65: {  	_ =	shalt  }
0x66: {  	_ =	shalt  }
0x67: {  	_ =	shalt  }
0x68: {  	_ =	shalt  }
0x69: {  	_ =	shalt  }
0x6a: {  	_ =	shalt  }
0x6b: {  	_ =	shalt  }
0x6c: {  	_ =	shalt  }
0x6d: {  	_ =	shalt  }
0x6e: {  	_ =	shalt  }
0x6f: {  	_ =	shalt  }
0x70: {  	_ =	shalt  }
0x71: {  	_ =	shalt  }
0x72: {  	_ =	shalt  }
0x73: {  	_ =	shalt  }
0x74: {  	_ =	shalt  }
0x75: {  	_ =	shalt  }
0x76: {  	_ =	shalt  }
0x77: {  	_ =	shalt  }
0x78: {  	_ =	shalt  }
0x79: {  	_ =	shalt  }
0x7a: {  	_ =	shalt  }
0x7b: {  	_ =	shalt  }
0x7c: {  	_ =	shalt  }
0x7d: {  	_ =	shalt  }
0x7e: {  	_ =	shalt  }
0x7f: {  	_ =	shalt  }
0x80: {  	_ =	shalt  }
0x81: {  	_ =	shalt  }
0x82: {  	_ =	shalt  }
0x83: {  	_ =	shalt  }
0x84: {  	_ =	shalt  }
0x85: {  	_ =	shalt  }
0x86: {  	_ =	shalt  }
0x87: {  	_ =	shalt  }
.Lfunc_end0:
.L_simem_size_0:
called_computation_lowered:
.L_overlay_start_0:
0x88: {  	s2 =	sld [smem:$0x3FD9]  }
0x89: {  	s3 =	sld [smem:$0x3FFE];
	_ =	sdelay $0x1  }
0x8a: {  	s1 =	srdreg.scid  }
0x8b: {  	s0 =	sand.u32 $0x1, s1  }
0x8c: {  	s18 =	sshll.u32 s0, $0xA;
	s2 =	sadd.s32 s3, s2  }
0x8d: {  	s2 =	sadd.s32 s2, s18  }
0x8e: {  	[smem:$0x3FC4] =	sst s2  }
0x8f: {  	_ = 	snop  }
0x90: {  	s2 =	sld [smem:$0x3FC9]  }
0x91: {  	s19 =	sld [smem:$0x3FC8]  }
0x92: {  	s4 =	sld [smem:$0x3FC7]  }
0x93: {  	s5 =	sld [smem:$0x3FC6]  }
0x94: {  	s6 =	sld [smem:$0x3FD0];
	(tm) =	ssettm $0x1  }
0x95: {  	s7 =	sld [smem:$0x3FFB];
	_ =	sdelay $0x3  }
0x96: {  	_ =	strace s7  }
0x97: {  	s7 =	sld [smem:$0x3FFC];
	_ =	sdelay $0x3  }
0x98: {  	_ =	strace s7  }
0x99: {  	s7 =	sld [smem:$0x3FFD];
	_ =	sdelay $0x3  }
0x9a: {  	_ =	strace s7  }
0x9b: {  	_ =	strace $0x8FFFFFFF  }
0x9c: {  	s20 =	sld [smem:$0x3FDB];
	_ =	sdelay $0x1  }
0x9d: {  	s8 =	simm.s32 $_scs_section_size  }
0x9e: {  	s9 =	simm.s32 $_size__tile_overlayer_lowered;
	s10 =	simm.s32 $_tile_overlayer_lowered  }
0x9f: {  	s23 =	simm.s32 $0x1BFF;
	s22 =	sshll.u32 s10, $0x1;
	s7 =	sadd.s32 s8, s20  }
0xa0: {  	s11 =	simm.s32 $0x0;
	s21 =	sshll.u32 s9, $0x1;
	s9 =	sadd.s32 s22, s7  }
0xa1: {  	[timem:s11], [sflag:s23] =	dma.local [hbm:s9], s21  }
0xa2: {  	_ =	swait.ge [sflag:s23], s21  }
0xa3: {  	s8 =	ssub.s32 $0x0, s21;
	[sflag:s23] =	ssyncset.done $0x0  }
0xa4: {  	[sflag:s23] =	ssyncadd.s32 s8;
	_ =	sdelay $0x1  }
0xa5: {  	s24 =	simm.s32 $0x1B8B  }
0xa6: {  	_ =	swait.ge [sflag:s24], $0x1  }
0xa7: {  	[sflag:s24] =	ssyncset.done $0x0  }
0xa8: {  	s25 =	simm.s32 $0x1B8E;
	[sflag:s24] =	ssyncadd.s32 $0xFFFFFFFF  }
0xa9: {  	s26 =	simm.s32 $execute0_lowered;
	[smem:$0x3FD2] =	sst s25  }
0xaa: {  	s8 =	sshll.u32 s26, $0x1;
	_ =	strace $0x80000046;
	[dreg:$0x1] =	wrdreg $0xFFFFFFFF  }
0xab: {  	s28 =	simm.s32 $_size_execute0_lowered;
	s7 =	sadd.s32 s7, s8;
	[dreg:$0x0] =	wrdreg $0x0  }
0xac: {  	s8 =	sshll.u32 s28, $0x1;
	[dreg:$0x2] =	wrdreg s7  }
0xad: {  	[dreg:$0x3] =	wrdreg s8  }
0xae: {  	[dreg:$0x4] =	wrdreg $0xC0  }
0xaf: {  	_ =	task [dreg:s11], $0x5FFFF  }
0xb0: {  	[dreg:$0x1] =	wrdreg $0xFFFFFFFF  }
0xb1: {  	[dreg:$0x0] =	wrdreg $0x60  }
0xb2: {  	[dreg:$0x2] =	wrdreg s2  }
0xb3: {  	[dreg:$0x3] =	wrdreg s19  }
0xb4: {  	[dreg:$0x4] =	wrdreg s4  }
0xb5: {  	[dreg:$0x5] =	wrdreg s5  }
0xb6: {  	[dreg:$0x6] =	wrdreg s6  }
0xb7: {  	[dreg:$0x7] =	wrdreg $0x9  }
0xb8: {  	_ =	task.clear_ibuf [dreg:s11], $0x8FFFF;
	_ =	strace $0x90000046  }
0xb9: {  	s29 =	simm.s32 $0x9;
	_ =	strace $0x80000048  }
0xba: {  	_ =	swait.ge [sflag:s29], $0x1  }
0xbb: {  	[sflag:s29] =	ssyncadd.s32 $0xFFFFFFFF  }
0xbc: {  	_ =	strace $0x90000048  }
0xbd: {  	_ =	sfence  }
0xbe: {  	s30 =	sld [smem:$0x0];
	_ =	sdelay $0x2  }
0xbf: {  	s31 =	sshll.u32 s1, $0xD;
	s1 =	sshrl.u32 s1, $0x2  }
0xc0: {  	s3 =	sand.u32 $0x4000, s31;
	s1 =	sadd.s32 s1, s30  }
0xc1: {  	s0 =	sor.u32 s3, s0;
	s1 =	sshll.u32 s1, $0x11  }
0xc2: {  	s0 =	sor.u32 s1, s0  }
0xc3: {  	s0 =	sadd.s32 $0x8F2B, s0  }
0xc4: {  	[sflag:s0] =	ssyncadd.remote.s32 $0x1  }
0xc5: {  	_ =	sfence.sel $0xFFFF  }
0xc6: {  	[dreg:$0x0] =	wrdreg $0xFFFFFFFF;
	(pc) =	sbr.abs _section_cstart, $3  }
0xc7: {  	[dreg:$0x1] =	wrdreg $0xFFFFFFFF  }
0xc8: {  	_ =	task.clear_ibuf [dreg:s11], $0x2FFFF;
	_ =	strace $0x9FFFFFFF  }
0xc9: {  	(tm) =	ssettm $0x7FFFFFFF  }
tec
execute0_lowered:
.L_overlay_start_1:
0x0: {  	(tag) =	ssettag $0x1  }
0x1: {  	s1 =	srdreg.scid;
	s0 =	stileid.u32  }
0x2: {  	v0 =	vimm.s32 $0xFEDCBA98;
	s8 =	rddreg [dreg:$0x1];
	s4 =	simm.s32 $0x1;
	s7 =	sand.u32 $0x1, s1  }
0x3: {  	v1 =	vimm.s32 $0x76543210;
	v2 =	vimm.s32 $0xBA98FEDC;
	s3 =	rddreg [dreg:$0x3];
	s2 =	sshll.u32 s0, $0xA;
	s1 =	sshll.u32 s7, $0xE  }
0x4: {  	v3 =	vimm.s32 $0x32107654;
	v4 =	vimm.s32 $0xDCFE98BA;
	s5 =	rddreg [dreg:$0x4];
	v5 =	vimm.s32 $0x54761032;
	s30 =	sand.u32 $0x7, s0;
	s9 =	sor.u32 s2, s1  }
0x5: {  	v6 =	vimm.s32 $0xEFCDAB89;
	v7 =	vimm.s32 $0x67452301;
	s13 =	simm.s32 $0x800;
	v2 =	vunpack.c.l.s4.s8 v2;
	p1 =	sne.s32 s30, $0x0;
	p0 =	seq.s32 s9, $0x0  }
0x6: {  	s14 =	simm.s32 $0xC00;
	s15 =	simm.s32 $0x0;
	v3 =	vunpack.c.l.s4.s8 v3;
	v4 =	vunpack.c.l.s4.s8 v4;
	v5 =	vunpack.c.l.s4.s8 v5;
	p0 =	por !p1, !p0  }
0x7: {  	v6 =	vunpack.c.l.s4.s8 v6;
	v7 =	vunpack.c.l.s4.s8 v7;
	s7 =	ssub.s32 $0x2, s7;
	s1 =	rddreg [dreg:$0x0];
	v2 =	vunpack.c.0.s8.s32 v2;
	p0 =	por !p0, !p0  }
0x8: {  	v3 =	vunpack.c.0.s8.s32 v3;
	v4 =	vunpack.c.0.s8.s32 v4;
	s12 =	sshrl.u32 s7, $0x1;
	v5 =	vunpack.c.0.s8.s32 v5;
	s6 =	sshrl.u32 s9, $0xD;
	s4 =	simm.s32 @!p0 $0x0  }
0x9: {  	v0 =	vunpack.c.l.s4.s8 v0;
	v1 =	vunpack.c.l.s4.s8 v1;
	s2 =	rddreg [dreg:$0x2];
	v6 =	vunpack.c.0.s8.s32 v6;
	s31 =	ssub.s32 s7, s12;
	s10 =	ssub.s32 s6, s4  }
0xa: {  	v7 =	vunpack.c.0.s8.s32 v7;
	s7 =	simm.s32 $0x1;
	s9 =	sshll.u32 s9, $0x7;
	v2 =	vcombine.low v3, v2;
	v3 =	vcombine.low v5, v4;
	s11 =	sshll.u32 s10, $0x7  }
0xb: {  	v0 =	vunpack.c.0.s8.s32 v0;
	s6 =	simm.s32 $0x0;
	s10 =	sand.u32 $0xFFFFE000, s10;
	s11 =	sand.u32 $0x380, s11  }
0xc: {  	v1 =	vunpack.c.0.s8.s32 v1;
	s12 =	simm.s32 $0x400;
	v4 =	vcombine.low v7, v6;
	v12 =	vand.u32 $0xF, v3;
	[smem:$0x7FF] =	sst s6;
	s10 =	sor.u32 s10, s11  }
0xd: {  	v0 =	vand.u32 $0xF, v0;
	v11 =	vand.u32 $0xF, v2;
	s4 =	rddreg [dreg:$0x5];
	_ =	strace $0x80000047;
	[tilespmem:$0x1FFE0] =	vst v12;
	s10 =	sshrl.u32 s10, $0x3  }
0xe: {  	v5 =	vcombine.low v0, v1;
	v4 =	vand.u32 $0xF, v4;
	[tilespmem:$0x1FFF0] =	vst v11;
	s11 =	simm.s32 $0x80;
	s8 =	sadd.s32 s8, s10;
	s10 =	smax.u32 s31, $0x1  }
.LBB2_1:
0xf: {  	[tilespmem:s6], [sflag:$0x1] =	stream.strided.gather [hbm4b:s8+s11], $0x400, s12, s11, $0x38;
	[tilespmem:$0x4C00] =	vst v63  }
0x10: {  	_ =	swait.ge [sflag:s7], $0x400  }
0x11: {  	[sflag:s7] =	ssyncset.done $0x0  }
0x12: {  	[sflag:s7] =	ssyncadd.s32 $0xFFFFFC00  }
0x13: {  	[tilespmem:s12], [sflag:$0x1] =	stream.linear.gather [hbm4b:s2+s6], $0x400, $0x38;
	[tilespmem:$0x4C00] =	vst v63  }
0x14: {  	_ =	swait.ge [sflag:s7], $0x400  }
0x15: {  	[sflag:s7] =	ssyncset.done $0x0  }
0x16: {  	[sflag:s7] =	ssyncadd.s32 $0xFFFFFC00  }
0x17: {  	[tilespmem:s13], [sflag:$0x1] =	stream.linear.gather [hbm4b:s3+s6], $0x400, $0x38;
	[tilespmem:$0x4C00] =	vst v63  }
0x18: {  	_ =	swait.ge [sflag:s7], $0x400  }
0x19: {  	[sflag:s7] =	ssyncset.done $0x0  }
0x1a: {  	s16 =	simm.s32 $0x0;
	[sflag:s7] =	ssyncadd.s32 $0xFFFFFC00  }
.LBB2_2:
0x1b: {  	s17 =	sshll.u32 s16, $0xB  }
0x1c: {  	s17 =	sadd.s32 s9, s17  }
0x1d: {  	s18 =	simm.s32 $0x0;
	s19 =	sadd.s32 s1, s17  }
0x1e: {  	[tilespmem:s14], [sflag:$0x1] =	stream.linear.gather [hbm4b:s19+s18], $0x4000, $0x38;
	[tilespmem:$0x4C00] =	vst v63  }
0x1f: {  	_ =	swait.ge [sflag:s7], $0x4000  }
0x20: {  	s20 =	simm.s32 $0x0;
	[sflag:s7] =	ssyncset.done $0x0  }
0x21: {  	s21 =	simm.s32 $0x0;
	s19 =	simm.s32 $0xFFFFC000;
	[sflag:s7] =	ssyncadd.s32 $0xFFFFC000  }
.LBB2_3:
0x22: {  	s22 =	sadd.s32 $0x4000, s19  }
0x23: {  	s23 =	sand.u32 $0x380, s21;
	v11 =	vmov v5;
	v5 =	vld [tilespmem:$0x0];
	s22 =	sand.u32 $0x2000, s22  }
0x24: {  	v6 =	vld [tilespmem:$0x10];
	s22 =	sor.u32 s23, s22  }
0x25: {  	v12 =	vmov v4;
	v4 =	vld [tilespmem:s22+$0xC00]  }
0x26: {  	v60 =	vld [tilespmem:s22+$0xC10]  }
0x27: {  	v7 =	vld [tilespmem:$0x20]  }
0x28: {  	v59 =	vld [tilespmem:s22+$0xC20]  }
0x29: {  	v58 =	vld [tilespmem:s22+$0xC30]  }
0x2a: {  	v61 =	vadd.f32 v5, v4;
	v4 =	vld [tilespmem:$0x30]  }
0x2b: {  	v8 =	vld [tilespmem:$0x40];
	v5 =	vadd.f32 v6, v60  }
0x2c: {  	v57 =	vld [tilespmem:s22+$0xC40];
	v6 =	vadd.f32 $0.0e+00, v61  }
0x2d: {  	v56 =	vld [tilespmem:s22+$0xC50];
	v7 =	vadd.f32 v7, v59;
	v9 =	vmul.f32 v61, v61;
	v10 =	vmul.f32 v5, v5  }
0x2e: {  	v5 =	vadd.f32 v5, v6;
	v6 =	vld [tilespmem:$0x50]  }
0x2f: {  	v55 =	vld [tilespmem:s22+$0xC60];
	v14 =	vmul.f32 v7, v7;
	v9 =	vadd.f32 v10, v9;
	v4 =	vadd.f32 v4, v58  }
0x30: {  	v5 =	vadd.f32 v7, v5;
	v7 =	vld [tilespmem:$0x60]  }
0x31: {  	v54 =	vld [tilespmem:s22+$0xC70];
	v8 =	vadd.f32 v8, v57;
	v9 =	vadd.f32 v14, v9;
	v15 =	vmul.f32 v4, v4  }
0x32: {  	v4 =	vadd.f32 v4, v5;
	v5 =	vld [tilespmem:$0x70]  }
0x33: {  	v17 =	vld [tilespmem:$0x80];
	v16 =	vmul.f32 v8, v8;
	v9 =	vadd.f32 v15, v9;
	v6 =	vadd.f32 v6, v56  }
0x34: {  	v53 =	vld [tilespmem:s22+$0x1000];
	v4 =	vadd.f32 v8, v4  }
0x35: {  	v52 =	vld [tilespmem:s22+$0x1010];
	v9 =	vadd.f32 v16, v9;
	v18 =	vmul.f32 v6, v6;
	v7 =	vadd.f32 v7, v55  }
0x36: {  	v4 =	vadd.f32 v6, v4;
	v6 =	vld [tilespmem:$0x90]  }
0x37: {  	v51 =	vld [tilespmem:s22+$0x1020];
	v9 =	vadd.f32 v18, v9;
	v19 =	vmul.f32 v7, v7;
	v5 =	vadd.f32 v5, v54  }
0x38: {  	v4 =	vadd.f32 v7, v4;
	v7 =	vld [tilespmem:$0xA0]  }
0x39: {  	v50 =	vld [tilespmem:s22+$0x1030];
	v8 =	vadd.f32 v17, v53;
	v9 =	vadd.f32 v19, v9;
	v20 =	vmul.f32 v5, v5  }
0x3a: {  	v4 =	vadd.f32 v5, v4;
	v5 =	vld [tilespmem:$0xB0]  }
0x3b: {  	v22 =	vld [tilespmem:$0xC0];
	v21 =	vmul.f32 v8, v8;
	v9 =	vadd.f32 v20, v9;
	v6 =	vadd.f32 v6, v52  }
0x3c: {  	v49 =	vld [tilespmem:s22+$0x1040];
	v4 =	vadd.f32 v8, v4  }
0x3d: {  	v48 =	vld [tilespmem:s22+$0x1050];
	v9 =	vadd.f32 v21, v9;
	v23 =	vmul.f32 v6, v6;
	v7 =	vadd.f32 v7, v51  }
0x3e: {  	v4 =	vadd.f32 v6, v4;
	v6 =	vld [tilespmem:$0xD0]  }
0x3f: {  	v47 =	vld [tilespmem:s22+$0x1060];
	v9 =	vadd.f32 v23, v9;
	v24 =	vmul.f32 v7, v7;
	v5 =	vadd.f32 v5, v50  }
0x40: {  	v4 =	vadd.f32 v7, v4;
	v7 =	vld [tilespmem:$0xE0]  }
0x41: {  	v46 =	vld [tilespmem:s22+$0x1070];
	v8 =	vadd.f32 v22, v49;
	v9 =	vadd.f32 v24, v9;
	v25 =	vmul.f32 v5, v5  }
0x42: {  	v4 =	vadd.f32 v5, v4;
	v5 =	vld [tilespmem:$0xF0]  }
0x43: {  	v27 =	vld [tilespmem:$0x100];
	v26 =	vmul.f32 v8, v8;
	v9 =	vadd.f32 v25, v9;
	v6 =	vadd.f32 v6, v48  }
0x44: {  	v45 =	vld [tilespmem:s22+$0x1400];
	v4 =	vadd.f32 v8, v4  }
0x45: {  	v44 =	vld [tilespmem:s22+$0x1410];
	v9 =	vadd.f32 v26, v9;
	v28 =	vmul.f32 v6, v6;
	v7 =	vadd.f32 v7, v47  }
0x46: {  	v4 =	vadd.f32 v6, v4;
	v6 =	vld [tilespmem:$0x110]  }
0x47: {  	v43 =	vld [tilespmem:s22+$0x1420];
	v9 =	vadd.f32 v28, v9;
	v29 =	vmul.f32 v7, v7;
	v5 =	vadd.f32 v5, v46  }
0x48: {  	v4 =	vadd.f32 v7, v4;
	v7 =	vld [tilespmem:$0x120]  }
0x49: {  	v42 =	vld [tilespmem:s22+$0x1430];
	v8 =	vadd.f32 v27, v45;
	v9 =	vadd.f32 v29, v9;
	v30 =	vmul.f32 v5, v5  }
0x4a: {  	v4 =	vadd.f32 v5, v4;
	v5 =	vld [tilespmem:$0x130]  }
0x4b: {  	v32 =	vld [tilespmem:$0x140];
	v31 =	vmul.f32 v8, v8;
	v9 =	vadd.f32 v30, v9;
	v6 =	vadd.f32 v6, v44  }
0x4c: {  	v41 =	vld [tilespmem:s22+$0x1440];
	v4 =	vadd.f32 v8, v4  }
0x4d: {  	v40 =	vld [tilespmem:s22+$0x1450];
	v9 =	vadd.f32 v31, v9;
	v33 =	vmul.f32 v6, v6;
	v7 =	vadd.f32 v7, v43  }
0x4e: {  	v4 =	vadd.f32 v6, v4;
	v6 =	vld [tilespmem:$0x150]  }
0x4f: {  	v39 =	vld [tilespmem:s22+$0x1460];
	v9 =	vadd.f32 v33, v9;
	v34 =	vmul.f32 v7, v7;
	v5 =	vadd.f32 v5, v42  }
0x50: {  	v4 =	vadd.f32 v7, v4;
	v7 =	vld [tilespmem:$0x160]  }
0x51: {  	v38 =	vld [tilespmem:s22+$0x1470];
	v8 =	vadd.f32 v32, v41;
	v9 =	vadd.f32 v34, v9;
	v35 =	vmul.f32 v5, v5  }
0x52: {  	v4 =	vadd.f32 v5, v4;
	v5 =	vld [tilespmem:$0x170]  }
0x53: {  	v63 =	vld [tilespmem:$0x180];
	v62 =	vmul.f32 v8, v8;
	v9 =	vadd.f32 v35, v9;
	v6 =	vadd.f32 v6, v40  }
0x54: {  	v37 =	vld [tilespmem:s22+$0x1800];
	v4 =	vadd.f32 v8, v4  }
0x55: {  	v36 =	vld [tilespmem:s22+$0x1810];
	v9 =	vadd.f32 v62, v9;
	v0 =	vmul.f32 v6, v6;
	v7 =	vadd.f32 v7, v39  }
0x56: {  	v4 =	vadd.f32 v6, v4;
	v6 =	vld [tilespmem:$0x190]  }
0x57: {  	v35 =	vld [tilespmem:s22+$0x1820];
	v9 =	vadd.f32 v0, v9;
	v1 =	vmul.f32 v7, v7;
	v5 =	vadd.f32 v5, v38  }
0x58: {  	v4 =	vadd.f32 v7, v4;
	v7 =	vld [tilespmem:$0x1A0]  }
0x59: {  	v34 =	vld [tilespmem:s22+$0x1830];
	v8 =	vadd.f32 v63, v37;
	v9 =	vadd.f32 v1, v9;
	v2 =	vmul.f32 v5, v5  }
0x5a: {  	v4 =	vadd.f32 v5, v4;
	v5 =	vld [tilespmem:$0x1B0]  }
0x5b: {  	v14 =	vld [tilespmem:$0x1C0];
	v13 =	vmul.f32 v8, v8;
	v9 =	vadd.f32 v2, v9;
	v6 =	vadd.f32 v6, v36  }
0x5c: {  	v33 =	vld [tilespmem:s22+$0x1840];
	v4 =	vadd.f32 v8, v4  }
0x5d: {  	v32 =	vld [tilespmem:s22+$0x1850];
	v9 =	vadd.f32 v13, v9;
	v15 =	vmul.f32 v6, v6;
	v7 =	vadd.f32 v7, v35  }
0x5e: {  	v4 =	vadd.f32 v6, v4;
	v6 =	vld [tilespmem:$0x1D0]  }
0x5f: {  	v31 =	vld [tilespmem:s22+$0x1860];
	v9 =	vadd.f32 v15, v9;
	v16 =	vmul.f32 v7, v7;
	v5 =	vadd.f32 v5, v34  }
0x60: {  	v4 =	vadd.f32 v7, v4;
	v7 =	vld [tilespmem:$0x1E0]  }
0x61: {  	v30 =	vld [tilespmem:s22+$0x1870];
	v8 =	vadd.f32 v14, v33;
	v9 =	vadd.f32 v16, v9;
	v17 =	vmul.f32 v5, v5  }
0x62: {  	v4 =	vadd.f32 v5, v4;
	v5 =	vld [tilespmem:$0x1F0]  }
0x63: {  	v19 =	vld [tilespmem:$0x200];
	v18 =	vmul.f32 v8, v8;
	v9 =	vadd.f32 v17, v9;
	v6 =	vadd.f32 v6, v32  }
0x64: {  	v29 =	vld [tilespmem:s22+$0x1C00];
	v4 =	vadd.f32 v8, v4  }
0x65: {  	v28 =	vld [tilespmem:s22+$0x1C10];
	v9 =	vadd.f32 v18, v9;
	v20 =	vmul.f32 v6, v6;
	v7 =	vadd.f32 v7, v31  }
0x66: {  	v4 =	vadd.f32 v6, v4;
	v6 =	vld [tilespmem:$0x210]  }
0x67: {  	v27 =	vld [tilespmem:s22+$0x1C20];
	v9 =	vadd.f32 v20, v9;
	v21 =	vmul.f32 v7, v7;
	v5 =	vadd.f32 v5, v30  }
0x68: {  	v4 =	vadd.f32 v7, v4;
	v7 =	vld [tilespmem:$0x220]  }
0x69: {  	v26 =	vld [tilespmem:s22+$0x1C30];
	v8 =	vadd.f32 v19, v29;
	v9 =	vadd.f32 v21, v9;
	v22 =	vmul.f32 v5, v5  }
0x6a: {  	v4 =	vadd.f32 v5, v4;
	v5 =	vld [tilespmem:$0x230]  }
0x6b: {  	v25 =	vld [tilespmem:s22+$0x1C40];
	v23 =	vmul.f32 v8, v8;
	v9 =	vadd.f32 v22, v9;
	v6 =	vadd.f32 v6, v28  }
0x6c: {  	v62 =	vld [tilespmem:$0x240];
	v4 =	vadd.f32 v8, v4  }
0x6d: {  	v24 =	vld [tilespmem:s22+$0x1C50];
	v9 =	vadd.f32 v23, v9;
	v63 =	vmul.f32 v6, v6;
	v7 =	vadd.f32 v7, v27  }
0x6e: {  	v4 =	vadd.f32 v6, v4;
	v6 =	vld [tilespmem:$0x250]  }
0x6f: {  	v23 =	vld [tilespmem:s22+$0x1C60];
	v9 =	vadd.f32 v63, v9;
	v0 =	vmul.f32 v7, v7;
	v5 =	vadd.f32 v5, v26  }
0x70: {  	v4 =	vadd.f32 v7, v4;
	v7 =	vld [tilespmem:$0x260]  }
0x71: {  	v22 =	vld [tilespmem:s22+$0x1C70];
	v8 =	vadd.f32 v62, v25;
	v9 =	vadd.f32 v0, v9;
	v1 =	vmul.f32 v5, v5  }
0x72: {  	v4 =	vadd.f32 v5, v4;
	v5 =	vld [tilespmem:$0x270]  }
0x73: {  	v13 =	vld [tilespmem:$0x280];
	v2 =	vmul.f32 v8, v8;
	v9 =	vadd.f32 v1, v9;
	v6 =	vadd.f32 v6, v24  }
0x74: {  	v21 =	vld [tilespmem:s22+$0x2000];
	v4 =	vadd.f32 v8, v4  }
0x75: {  	v20 =	vld [tilespmem:s22+$0x2010];
	v9 =	vadd.f32 v2, v9;
	v14 =	vmul.f32 v6, v6;
	v7 =	vadd.f32 v7, v23  }
0x76: {  	v4 =	vadd.f32 v6, v4;
	v6 =	vld [tilespmem:$0x290]  }
0x77: {  	v19 =	vld [tilespmem:s22+$0x2020];
	v9 =	vadd.f32 v14, v9;
	v15 =	vmul.f32 v7, v7;
	v5 =	vadd.f32 v5, v22  }
0x78: {  	v4 =	vadd.f32 v7, v4;
	v7 =	vld [tilespmem:$0x2A0]  }
0x79: {  	v18 =	vld [tilespmem:s22+$0x2030];
	v8 =	vadd.f32 v13, v21;
	v9 =	vadd.f32 v15, v9;
	v62 =	vmul.f32 v5, v5  }
0x7a: {  	v4 =	vadd.f32 v5, v4;
	v5 =	vld [tilespmem:$0x2B0]  }
0x7b: {  	v17 =	vld [tilespmem:s22+$0x2040];
	v63 =	vmul.f32 v8, v8;
	v9 =	vadd.f32 v62, v9;
	v6 =	vadd.f32 v6, v20  }
0x7c: {  	v0 =	vld [tilespmem:$0x2C0];
	v4 =	vadd.f32 v8, v4  }
0x7d: {  	v15 =	vld [tilespmem:s22+$0x2050];
	v9 =	vadd.f32 v63, v9;
	v1 =	vmul.f32 v6, v6;
	v7 =	vadd.f32 v7, v19  }
0x7e: {  	v4 =	vadd.f32 v6, v4;
	v6 =	vld [tilespmem:$0x2D0]  }
0x7f: {  	v14 =	vld [tilespmem:s22+$0x2060];
	v9 =	vadd.f32 v1, v9;
	v2 =	vmul.f32 v7, v7;
	v5 =	vadd.f32 v5, v18  }
0x80: {  	v4 =	vadd.f32 v7, v4;
	v7 =	vld [tilespmem:$0x2E0]  }
0x81: {  	v13 =	vld [tilespmem:s22+$0x2070];
	v8 =	vadd.f32 v0, v17;
	v9 =	vadd.f32 v2, v9;
	v16 =	vmul.f32 v5, v5  }
0x82: {  	v4 =	vadd.f32 v5, v4;
	v5 =	vld [tilespmem:$0x2F0]  }
0x83: {  	v0 =	vld [tilespmem:s22+$0x2400];
	v62 =	vmul.f32 v8, v8;
	v9 =	vadd.f32 v16, v9;
	v6 =	vadd.f32 v6, v15  }
0x84: {  	v4 =	vadd.f32 v8, v4;
	v8 =	vld [tilespmem:$0x300]  }
0x85: {  	v1 =	vld [tilespmem:s22+$0x2410];
	v9 =	vadd.f32 v62, v9;
	v63 =	vmul.f32 v6, v6;
	v7 =	vadd.f32 v7, v14  }
0x86: {  	v4 =	vadd.f32 v6, v4;
	v6 =	vld [tilespmem:$0x310]  }
0x87: {  	v10 =	vld [tilespmem:s22+$0x2420];
	v9 =	vadd.f32 v63, v9;
	v16 =	vmul.f32 v7, v7;
	v5 =	vadd.f32 v5, v13  }
0x88: {  	v62 =	vld [tilespmem:$0x320];
	v4 =	vadd.f32 v7, v4  }
0x89: {  	v7 =	vadd.f32 v16, v9;
	v2 =	vmul.f32 v5, v5;
	v8 =	vadd.f32 v8, v0;
	v9 =	vld [tilespmem:s22+$0x2430]  }
0x8a: {  	v4 =	vadd.f32 v5, v4;
	v5 =	vld [tilespmem:$0x330]  }
0x8b: {  	[tilespmem:$0x1FFA0] =	vst v0;
	v16 =	vadd.f32 v2, v7;
	v63 =	vmul.f32 v8, v8;
	v0 =	vadd.f32 v6, v1;
	v7 =	vld [tilespmem:s22+$0x2440]  }
0x8c: {  	v4 =	vadd.f32 v8, v4;
	v8 =	vld [tilespmem:$0x340]  }
0x8d: {  	v62 =	vadd.f32 v62, v10;
	v6 =	vld [tilespmem:s22+$0x2450];
	v16 =	vadd.f32 v63, v16;
	v63 =	vmul.f32 v0, v0  }
0x8e: {  	[tilespmem:$0x1FFB0] =	vst v1;
	v1 =	vld [tilespmem:$0x350];
	v0 =	vadd.f32 v0, v4  }
0x8f: {  	s31 =	sand.u32 $0x7, s18;
	v4 =	vld [tilespmem:s22+$0x2460];
	v2 =	vadd.f32 v63, v16;
	v16 =	vmul.f32 v62, v62;
	v63 =	vadd.f32 v5, v9  }
0x90: {  	s23 =	sshll.u32 s31, $0x7;
	v0 =	vadd.f32 v62, v0;
	v62 =	vld [tilespmem:$0x360]  }
0x91: {  	s23 =	sadd.s32 s23, s20;
	v5 =	vld [tilespmem:s22+$0x2470];
	v16 =	vadd.f32 v16, v2;
	v2 =	vmul.f32 v63, v63;
	v8 =	vadd.f32 v8, v7  }
0x92: {  	s31 =	sor.u32 $0x1C00, s23;
	v0 =	vadd.f32 v63, v0;
	v63 =	vld [tilespmem:$0x370]  }
0x93: {  	v3 =	vld [tilespmem:s31+$0xC00];
	v1 =	vadd.f32 v1, v6;
	v2 =	vadd.f32 v2, v16;
	v16 =	vmul.f32 v8, v8  }
0x94: {  	s30 =	sor.u32 $0x1C10, s23;
	v0 =	vadd.f32 v8, v0;
	v8 =	vld [tilespmem:$0x380]  }
0x95: {  	[tilespmem:$0x1FFC0] =	vst v4;
	v2 =	vadd.f32 v16, v2;
	v16 =	vmul.f32 v1, v1;
	v62 =	vadd.f32 v62, v4;
	v4 =	vld [tilespmem:s30+$0xC00]  }
0x96: {  	s29 =	sor.u32 $0x1C20, s23;
	v0 =	vadd.f32 v1, v0;
	v1 =	vld [tilespmem:$0x390]  }
0x97: {  	[tilespmem:$0x1FFD0] =	vst v5;
	v2 =	vadd.f32 v16, v2;
	v16 =	vadd.f32 v63, v5;
	v63 =	vmul.f32 v62, v62;
	v5 =	vld [tilespmem:s29+$0xC00]  }
0x98: {  	s28 =	sor.u32 $0x1C30, s23;
	v0 =	vadd.f32 v62, v0;
	v62 =	vld [tilespmem:$0x3A0]  }
0x99: {  	v2 =	vadd.f32 v63, v2;
	v3 =	vadd.f32 v8, v3;
	v8 =	vmul.f32 v16, v16;
	v63 =	vld [tilespmem:s28+$0xC00]  }
0x9a: {  	s26 =	sor.u32 $0x1C40, s23;
	v0 =	vadd.f32 v16, v0;
	v16 =	vld [tilespmem:$0x3B0]  }
0x9b: {  	v2 =	vadd.f32 v8, v2;
	v1 =	vadd.f32 v1, v4;
	v4 =	vmul.f32 v3, v3;
	v8 =	vld [tilespmem:s26+$0xC00]  }
0x9c: {  	s24 =	sor.u32 $0x1C50, s23;
	v0 =	vadd.f32 v3, v0;
	v3 =	vld [tilespmem:$0x3C0]  }
0x9d: {  	v2 =	vadd.f32 v4, v2;
	v4 =	vadd.f32 v62, v5;
	v5 =	vmul.f32 v1, v1;
	v62 =	vld [tilespmem:s24+$0xC00]  }
0x9e: {  	v0 =	vadd.f32 v1, v0;
	v1 =	vld [tilespmem:$0x3D0]  }
0x9f: {  	v2 =	vadd.f32 v5, v2;
	v5 =	vadd.f32 v16, v63;
	v63 =	vmul.f32 v4, v4  }
0xa0: {  	s25 =	sor.u32 $0x1C60, s23;
	v16 =	vld [tilespmem:$0x3E0];
	v0 =	vadd.f32 v4, v0  }
0xa1: {  	s23 =	sor.u32 $0x1C70, s23;
	v4 =	vld [tilespmem:s25+$0xC00];
	v2 =	vadd.f32 v63, v2;
	v3 =	vadd.f32 v3, v8;
	v63 =	vmul.f32 v5, v5  }
0xa2: {  	v0 =	vadd.f32 v5, v0;
	v5 =	vld [tilespmem:s23+$0xC00]  }
0xa3: {  	v2 =	vadd.f32 v63, v2;
	v1 =	vadd.f32 v1, v62;
	v8 =	vmul.f32 v3, v3;
	v62 =	vld [tilespmem:$0x3F0]  }
0xa4: {  	v0 =	vadd.f32 v3, v0  }
0xa5: {  	v2 =	vadd.f32 v8, v2;
	v3 =	vmul.f32 v1, v1  }
0xa6: {  	v63 =	vadd.f32 v16, v4;
	v0 =	vadd.f32 v1, v0  }
0xa7: {  	v2 =	vadd.f32 v3, v2  }
0xa8: {  	v1 =	vmul.f32 v63, v63;
	v3 =	vadd.f32 v62, v5;
	v0 =	vadd.f32 v63, v0;
	_ =	sdelay $0x1  }
0xa9: {  	v1 =	vadd.f32 v1, v2;
	v0 =	vadd.f32 v3, v0;
	v62 =	vmul.f32 v3, v3  }
0xaa: {  	v5 =	vmov v11;
	v11 =	vld [tilespmem:$0x1FFF0]  }
0xab: {  	v1 =	vadd.f32 v62, v1;
	v63 =	vperm.xlane v0, v5;
	_ =	sdelay $0x1  }
0xac: {  	v0 =	vadd.f32 v0, v63;
	v8 =	vperm.xlane v1, v5  }
0xad: {  	v16 =	vld [tilespmem:$0x1FFE0]  }
0xae: {  	v3 =	vperm.xlane v0, v11;
	v1 =	vadd.f32 v8, v1;
	_ =	sdelay $0x1  }
0xaf: {  	v0 =	vadd.f32 v0, v3;
	v2 =	vperm.xlane v1, v11;
	_ =	sdelay $0x1  }
0xb0: {  	v3 =	vperm.xlane v0, v16;
	v1 =	vadd.f32 v2, v1;
	_ =	sdelay $0x1  }
0xb1: {  	v0 =	vadd.f32 v0, v3;
	v2 =	vperm.xlane v1, v16  }
0xb2: {  	v4 =	vmov v12  }
0xb3: {  	v3 =	vperm.xlane v0, v4;
	v1 =	vadd.f32 v2, v1;
	_ =	sdelay $0x1  }
0xb4: {  	v0 =	vadd.f32 v0, v3;
	v2 =	vperm.xlane v1, v4;
	_ =	sdelay $0x1  }
0xb5: {  	v8 =	vmul.f32 $9.765625000e-04, v0;
	v16 =	vadd.f32 v2, v1;
	_ =	sdelay $0x1  }
0xb6: {  	v0 =	vmul.f32 $9.765625000e-04, v16;
	v62 =	vmul.f32 v8, v8;
	_ =	sdelay $0x1  }
0xb7: {  	v0 =	vsub.f32 v0, v62;
	_ =	sdelay $0x1  }
0xb8: {  	v0 =	vmax.f32 v0, $0.0e+00  }
0xb9: {  	v0 =	vadd.f32 $9.999999710e-10, v0;
	_ =	sdelay $0x1  }
0xba: {  	v63 =	vshra.s32 v0, $0x1;
	v0 =	vmul.f32 $5.000000000e-01, v0  }
0xbb: {  	v1 =	vsub.s32 $0x5F3759DF, v63  }
0xbc: {  	v11 =	vmul.f32 v1, v0;
	_ =	sdelay $0x1  }
0xbd: {  	v2 =	vmul.f32 v1, v11;
	_ =	sdelay $0x1  }
0xbe: {  	v2 =	vsub.f32 $1.500000000e+00, v2;
	_ =	sdelay $0x1  }
0xbf: {  	v1 =	vmul.f32 v1, v2;
	_ =	sdelay $0x1  }
0xc0: {  	v2 =	vmul.f32 v1, v0;
	_ =	sdelay $0x1  }
0xc1: {  	v2 =	vmul.f32 v2, v1;
	_ =	sdelay $0x1  }
0xc2: {  	v2 =	vsub.f32 $1.500000000e+00, v2;
	_ =	sdelay $0x1  }
0xc3: {  	v1 =	vmul.f32 v2, v1;
	_ =	sdelay $0x1  }
0xc4: {  	v0 =	vmul.f32 v1, v0;
	_ =	sdelay $0x1  }
0xc5: {  	v0 =	vmul.f32 v0, v1;
	_ =	sdelay $0x1  }
0xc6: {  	v0 =	vsub.f32 $1.500000000e+00, v0  }
0xc7: {  	v12 =	vld [tilespmem:$0x400]  }
0xc8: {  	v62 =	vsub.f32 v61, v8;
	v16 =	vmul.f32 v0, v1  }
0xc9: {  	v63 =	vld [tilespmem:$0x800]  }
0xca: {  	v0 =	vmul.f32 v16, v62;
	_ =	sdelay $0x1  }
0xcb: {  	v0 =	vmul.f32 v0, v12;
	_ =	sdelay $0x1  }
0xcc: {  	v0 =	vadd.f32 v0, v63;
	_ =	sdelay $0x1  }
0xcd: {  	[tilespmem:s22+$0xC00] =	vst v0  }
0xce: {  	v0 =	vld [tilespmem:$0x10];
	_ =	sdelay $0x4  }
0xcf: {  	v0 =	vadd.f32 v0, v60  }
0xd0: {  	v11 =	vld [tilespmem:$0x410]  }
0xd1: {  	v0 =	vsub.f32 v0, v8  }
0xd2: {  	v12 =	vld [tilespmem:$0x810]  }
0xd3: {  	v0 =	vmul.f32 v16, v0;
	_ =	sdelay $0x1  }
0xd4: {  	v0 =	vmul.f32 v0, v11;
	_ =	sdelay $0x1  }
0xd5: {  	v0 =	vadd.f32 v0, v12;
	_ =	sdelay $0x1  }
0xd6: {  	[tilespmem:s22+$0xC10] =	vst v0  }
0xd7: {  	v0 =	vld [tilespmem:$0x20];
	_ =	sdelay $0x4  }
0xd8: {  	v0 =	vadd.f32 v0, v59  }
0xd9: {  	v59 =	vld [tilespmem:$0x420]  }
0xda: {  	v0 =	vsub.f32 v0, v8  }
0xdb: {  	v60 =	vld [tilespmem:$0x820]  }
0xdc: {  	v0 =	vmul.f32 v16, v0;
	_ =	sdelay $0x1  }
0xdd: {  	v0 =	vmul.f32 v0, v59;
	_ =	sdelay $0x1  }
0xde: {  	v0 =	vadd.f32 v0, v60;
	_ =	sdelay $0x1  }
0xdf: {  	[tilespmem:s22+$0xC20] =	vst v0  }
0xe0: {  	v0 =	vld [tilespmem:$0x30];
	_ =	sdelay $0x4  }
0xe1: {  	v0 =	vadd.f32 v0, v58  }
0xe2: {  	v61 =	vld [tilespmem:$0x430]  }
0xe3: {  	v0 =	vsub.f32 v0, v8  }
0xe4: {  	v62 =	vld [tilespmem:$0x830]  }
0xe5: {  	v0 =	vmul.f32 v16, v0;
	_ =	sdelay $0x1  }
0xe6: {  	v0 =	vmul.f32 v0, v61;
	_ =	sdelay $0x1  }
0xe7: {  	v0 =	vadd.f32 v0, v62;
	_ =	sdelay $0x1  }
0xe8: {  	[tilespmem:s22+$0xC30] =	vst v0  }
0xe9: {  	v0 =	vld [tilespmem:$0x40];
	_ =	sdelay $0x4  }
0xea: {  	v0 =	vadd.f32 v0, v57  }
0xeb: {  	v63 =	vld [tilespmem:$0x440]  }
0xec: {  	v0 =	vsub.f32 v0, v8  }
0xed: {  	v11 =	vld [tilespmem:$0x840]  }
0xee: {  	v0 =	vmul.f32 v16, v0;
	_ =	sdelay $0x1  }
0xef: {  	v0 =	vmul.f32 v0, v63;
	_ =	sdelay $0x1  }
0xf0: {  	v0 =	vadd.f32 v0, v11;
	_ =	sdelay $0x1  }
0xf1: {  	[tilespmem:s22+$0xC40] =	vst v0  }
0xf2: {  	v0 =	vld [tilespmem:$0x50];
	_ =	sdelay $0x4  }
0xf3: {  	v0 =	vadd.f32 v0, v56  }
0xf4: {  	v12 =	vld [tilespmem:$0x450]  }
0xf5: {  	v0 =	vsub.f32 v0, v8  }
0xf6: {  	v56 =	vld [tilespmem:$0x850]  }
0xf7: {  	v0 =	vmul.f32 v0, v16;
	_ =	sdelay $0x1  }
0xf8: {  	v0 =	vmul.f32 v0, v12;
	_ =	sdelay $0x1  }
0xf9: {  	v0 =	vadd.f32 v0, v56;
	_ =	sdelay $0x1  }
0xfa: {  	[tilespmem:s22+$0xC50] =	vst v0  }
0xfb: {  	v0 =	vld [tilespmem:$0x60];
	_ =	sdelay $0x4  }
0xfc: {  	v0 =	vadd.f32 v0, v55  }
0xfd: {  	v57 =	vld [tilespmem:$0x460]  }
0xfe: {  	v0 =	vsub.f32 v0, v8  }
0xff: {  	v58 =	vld [tilespmem:$0x860]  }
0x100: {  	v0 =	vmul.f32 v0, v16;
	_ =	sdelay $0x1  }
0x101: {  	v0 =	vmul.f32 v0, v57;
	_ =	sdelay $0x1  }
0x102: {  	v0 =	vadd.f32 v0, v58;
	_ =	sdelay $0x1  }
0x103: {  	[tilespmem:s22+$0xC60] =	vst v0  }
0x104: {  	v0 =	vld [tilespmem:$0x70];
	_ =	sdelay $0x4  }
0x105: {  	v0 =	vadd.f32 v0, v54  }
0x106: {  	v59 =	vld [tilespmem:$0x470]  }
0x107: {  	v0 =	vsub.f32 v0, v8  }
0x108: {  	v60 =	vld [tilespmem:$0x870]  }
0x109: {  	v0 =	vmul.f32 v0, v16;
	_ =	sdelay $0x1  }
0x10a: {  	v0 =	vmul.f32 v0, v59;
	_ =	sdelay $0x1  }
0x10b: {  	v0 =	vadd.f32 v0, v60;
	_ =	sdelay $0x1  }
0x10c: {  	[tilespmem:s22+$0xC70] =	vst v0  }
0x10d: {  	v0 =	vld [tilespmem:$0x80];
	_ =	sdelay $0x4  }
0x10e: {  	v0 =	vadd.f32 v0, v53  }
0x10f: {  	v61 =	vld [tilespmem:$0x480]  }
0x110: {  	v0 =	vsub.f32 v0, v8  }
0x111: {  	v62 =	vld [tilespmem:$0x880]  }
0x112: {  	v0 =	vmul.f32 v0, v16;
	_ =	sdelay $0x1  }
0x113: {  	v0 =	vmul.f32 v0, v61;
	_ =	sdelay $0x1  }
0x114: {  	v0 =	vadd.f32 v0, v62;
	_ =	sdelay $0x1  }
0x115: {  	[tilespmem:s22+$0x1000] =	vst v0  }
0x116: {  	v0 =	vld [tilespmem:$0x90];
	_ =	sdelay $0x4  }
0x117: {  	v0 =	vadd.f32 v0, v52  }
0x118: {  	v63 =	vld [tilespmem:$0x490]  }
0x119: {  	v0 =	vsub.f32 v0, v8  }
0x11a: {  	v11 =	vld [tilespmem:$0x890]  }
0x11b: {  	v0 =	vmul.f32 v0, v16;
	_ =	sdelay $0x1  }
0x11c: {  	v0 =	vmul.f32 v0, v63;
	_ =	sdelay $0x1  }
0x11d: {  	v0 =	vadd.f32 v0, v11;
	_ =	sdelay $0x1  }
0x11e: {  	[tilespmem:s22+$0x1010] =	vst v0  }
0x11f: {  	v0 =	vld [tilespmem:$0xA0];
	_ =	sdelay $0x4  }
0x120: {  	v0 =	vadd.f32 v0, v51  }
0x121: {  	v12 =	vld [tilespmem:$0x4A0]  }
0x122: {  	v0 =	vsub.f32 v0, v8  }
0x123: {  	v51 =	vld [tilespmem:$0x8A0]  }
0x124: {  	v0 =	vmul.f32 v0, v16;
	_ =	sdelay $0x1  }
0x125: {  	v0 =	vmul.f32 v0, v12;
	_ =	sdelay $0x1  }
0x126: {  	v0 =	vadd.f32 v0, v51;
	_ =	sdelay $0x1  }
0x127: {  	[tilespmem:s22+$0x1020] =	vst v0  }
0x128: {  	v0 =	vld [tilespmem:$0xB0];
	_ =	sdelay $0x4  }
0x129: {  	v0 =	vadd.f32 v0, v50  }
0x12a: {  	v52 =	vld [tilespmem:$0x4B0]  }
0x12b: {  	v0 =	vsub.f32 v0, v8  }
0x12c: {  	v53 =	vld [tilespmem:$0x8B0]  }
0x12d: {  	v0 =	vmul.f32 v0, v16;
	_ =	sdelay $0x1  }
0x12e: {  	v0 =	vmul.f32 v0, v52;
	_ =	sdelay $0x1  }
0x12f: {  	v0 =	vadd.f32 v0, v53;
	_ =	sdelay $0x1  }
0x130: {  	[tilespmem:s22+$0x1030] =	vst v0  }
0x131: {  	v0 =	vld [tilespmem:$0xC0];
	_ =	sdelay $0x4  }
0x132: {  	v0 =	vadd.f32 v0, v49  }
0x133: {  	v54 =	vld [tilespmem:$0x4C0]  }
0x134: {  	v0 =	vsub.f32 v0, v8  }
0x135: {  	v55 =	vld [tilespmem:$0x8C0]  }
0x136: {  	v0 =	vmul.f32 v0, v16;
	_ =	sdelay $0x1  }
0x137: {  	v0 =	vmul.f32 v0, v54;
	_ =	sdelay $0x1  }
0x138: {  	v0 =	vadd.f32 v0, v55;
	_ =	sdelay $0x1  }
0x139: {  	[tilespmem:s22+$0x1040] =	vst v0  }
0x13a: {  	v0 =	vld [tilespmem:$0xD0];
	_ =	sdelay $0x4  }
0x13b: {  	v0 =	vadd.f32 v0, v48  }
0x13c: {  	v56 =	vld [tilespmem:$0x4D0]  }
0x13d: {  	v0 =	vsub.f32 v0, v8  }
0x13e: {  	v57 =	vld [tilespmem:$0x8D0]  }
0x13f: {  	v0 =	vmul.f32 v0, v16;
	_ =	sdelay $0x1  }
0x140: {  	v0 =	vmul.f32 v0, v56;
	_ =	sdelay $0x1  }
0x141: {  	v0 =	vadd.f32 v0, v57;
	_ =	sdelay $0x1  }
0x142: {  	[tilespmem:s22+$0x1050] =	vst v0  }
0x143: {  	v0 =	vld [tilespmem:$0xE0];
	_ =	sdelay $0x4  }
0x144: {  	v0 =	vadd.f32 v0, v47  }
0x145: {  	v58 =	vld [tilespmem:$0x4E0]  }
0x146: {  	v0 =	vsub.f32 v0, v8  }
0x147: {  	v59 =	vld [tilespmem:$0x8E0]  }
0x148: {  	v0 =	vmul.f32 v0, v16;
	_ =	sdelay $0x1  }
0x149: {  	v0 =	vmul.f32 v0, v58;
	_ =	sdelay $0x1  }
0x14a: {  	v0 =	vadd.f32 v0, v59;
	_ =	sdelay $0x1  }
0x14b: {  	[tilespmem:s22+$0x1060] =	vst v0  }
0x14c: {  	v0 =	vld [tilespmem:$0xF0];
	_ =	sdelay $0x4  }
0x14d: {  	v0 =	vadd.f32 v0, v46  }
0x14e: {  	v60 =	vld [tilespmem:$0x4F0]  }
0x14f: {  	v0 =	vsub.f32 v0, v8  }
0x150: {  	v61 =	vld [tilespmem:$0x8F0]  }
0x151: {  	v0 =	vmul.f32 v0, v16;
	_ =	sdelay $0x1  }
0x152: {  	v0 =	vmul.f32 v0, v60;
	_ =	sdelay $0x1  }
0x153: {  	v0 =	vadd.f32 v0, v61;
	_ =	sdelay $0x1  }
0x154: {  	[tilespmem:s22+$0x1070] =	vst v0  }
0x155: {  	v0 =	vld [tilespmem:$0x100];
	_ =	sdelay $0x4  }
0x156: {  	v0 =	vadd.f32 v0, v45  }
0x157: {  	v62 =	vld [tilespmem:$0x500]  }
0x158: {  	v0 =	vsub.f32 v0, v8  }
0x159: {  	v63 =	vld [tilespmem:$0x900]  }
0x15a: {  	v0 =	vmul.f32 v0, v16;
	_ =	sdelay $0x1  }
0x15b: {  	v0 =	vmul.f32 v0, v62;
	_ =	sdelay $0x1  }
0x15c: {  	v0 =	vadd.f32 v0, v63;
	_ =	sdelay $0x1  }
0x15d: {  	[tilespmem:s22+$0x1400] =	vst v0  }
0x15e: {  	v0 =	vld [tilespmem:$0x110];
	_ =	sdelay $0x4  }
0x15f: {  	v0 =	vadd.f32 v0, v44  }
0x160: {  	v11 =	vld [tilespmem:$0x510]  }
0x161: {  	v0 =	vsub.f32 v0, v8  }
0x162: {  	v12 =	vld [tilespmem:$0x910]  }
0x163: {  	v0 =	vmul.f32 v0, v16;
	_ =	sdelay $0x1  }
0x164: {  	v0 =	vmul.f32 v0, v11;
	_ =	sdelay $0x1  }
0x165: {  	v0 =	vadd.f32 v0, v12;
	_ =	sdelay $0x1  }
0x166: {  	[tilespmem:s22+$0x1410] =	vst v0  }
0x167: {  	v0 =	vld [tilespmem:$0x120];
	_ =	sdelay $0x4  }
0x168: {  	v0 =	vadd.f32 v0, v43  }
0x169: {  	v44 =	vld [tilespmem:$0x520]  }
0x16a: {  	v0 =	vsub.f32 v0, v8  }
0x16b: {  	v45 =	vld [tilespmem:$0x920]  }
0x16c: {  	v0 =	vmul.f32 v0, v16;
	_ =	sdelay $0x1  }
0x16d: {  	v0 =	vmul.f32 v0, v44;
	_ =	sdelay $0x1  }
0x16e: {  	v0 =	vadd.f32 v0, v45;
	_ =	sdelay $0x1  }
0x16f: {  	[tilespmem:s22+$0x1420] =	vst v0  }
0x170: {  	v0 =	vld [tilespmem:$0x130];
	_ =	sdelay $0x4  }
0x171: {  	v0 =	vadd.f32 v0, v42  }
0x172: {  	v46 =	vld [tilespmem:$0x530]  }
0x173: {  	v0 =	vsub.f32 v0, v8  }
0x174: {  	v47 =	vld [tilespmem:$0x930]  }
0x175: {  	v0 =	vmul.f32 v0, v16;
	_ =	sdelay $0x1  }
0x176: {  	v0 =	vmul.f32 v0, v46;
	_ =	sdelay $0x1  }
0x177: {  	v0 =	vadd.f32 v0, v47;
	_ =	sdelay $0x1  }
0x178: {  	[tilespmem:s22+$0x1430] =	vst v0  }
0x179: {  	v0 =	vld [tilespmem:$0x140];
	_ =	sdelay $0x4  }
0x17a: {  	v0 =	vadd.f32 v0, v41  }
0x17b: {  	v48 =	vld [tilespmem:$0x540]  }
0x17c: {  	v0 =	vsub.f32 v0, v8  }
0x17d: {  	v49 =	vld [tilespmem:$0x940]  }
0x17e: {  	v0 =	vmul.f32 v0, v16;
	_ =	sdelay $0x1  }
0x17f: {  	v0 =	vmul.f32 v0, v48;
	_ =	sdelay $0x1  }
0x180: {  	v0 =	vadd.f32 v0, v49;
	_ =	sdelay $0x1  }
0x181: {  	[tilespmem:s22+$0x1440] =	vst v0  }
0x182: {  	v0 =	vld [tilespmem:$0x150];
	_ =	sdelay $0x4  }
0x183: {  	v0 =	vadd.f32 v0, v40  }
0x184: {  	v50 =	vld [tilespmem:$0x550]  }
0x185: {  	v0 =	vsub.f32 v0, v8  }
0x186: {  	v51 =	vld [tilespmem:$0x950]  }
0x187: {  	v0 =	vmul.f32 v0, v16;
	_ =	sdelay $0x1  }
0x188: {  	v0 =	vmul.f32 v0, v50;
	_ =	sdelay $0x1  }
0x189: {  	v0 =	vadd.f32 v0, v51;
	_ =	sdelay $0x1  }
0x18a: {  	[tilespmem:s22+$0x1450] =	vst v0  }
0x18b: {  	v0 =	vld [tilespmem:$0x160];
	_ =	sdelay $0x4  }
0x18c: {  	v0 =	vadd.f32 v0, v39  }
0x18d: {  	v52 =	vld [tilespmem:$0x560]  }
0x18e: {  	v0 =	vsub.f32 v0, v8  }
0x18f: {  	v53 =	vld [tilespmem:$0x960]  }
0x190: {  	v0 =	vmul.f32 v0, v16;
	_ =	sdelay $0x1  }
0x191: {  	v0 =	vmul.f32 v0, v52;
	_ =	sdelay $0x1  }
0x192: {  	v0 =	vadd.f32 v0, v53;
	_ =	sdelay $0x1  }
0x193: {  	[tilespmem:s22+$0x1460] =	vst v0  }
0x194: {  	v0 =	vld [tilespmem:$0x170];
	_ =	sdelay $0x4  }
0x195: {  	v0 =	vadd.f32 v0, v38  }
0x196: {  	v54 =	vld [tilespmem:$0x570]  }
0x197: {  	v0 =	vsub.f32 v0, v8  }
0x198: {  	v55 =	vld [tilespmem:$0x970]  }
0x199: {  	v0 =	vmul.f32 v0, v16;
	_ =	sdelay $0x1  }
0x19a: {  	v0 =	vmul.f32 v0, v54;
	_ =	sdelay $0x1  }
0x19b: {  	v0 =	vadd.f32 v0, v55;
	_ =	sdelay $0x1  }
0x19c: {  	[tilespmem:s22+$0x1470] =	vst v0  }
0x19d: {  	v0 =	vld [tilespmem:$0x180];
	_ =	sdelay $0x4  }
0x19e: {  	v0 =	vadd.f32 v0, v37  }
0x19f: {  	v56 =	vld [tilespmem:$0x580]  }
0x1a0: {  	v0 =	vsub.f32 v0, v8  }
0x1a1: {  	v57 =	vld [tilespmem:$0x980]  }
0x1a2: {  	v0 =	vmul.f32 v0, v16;
	_ =	sdelay $0x1  }
0x1a3: {  	v0 =	vmul.f32 v0, v56;
	_ =	sdelay $0x1  }
0x1a4: {  	v0 =	vadd.f32 v0, v57;
	_ =	sdelay $0x1  }
0x1a5: {  	[tilespmem:s22+$0x1800] =	vst v0  }
0x1a6: {  	v0 =	vld [tilespmem:$0x190];
	_ =	sdelay $0x4  }
0x1a7: {  	v0 =	vadd.f32 v0, v36  }
0x1a8: {  	v58 =	vld [tilespmem:$0x590]  }
0x1a9: {  	v0 =	vsub.f32 v0, v8  }
0x1aa: {  	v59 =	vld [tilespmem:$0x990]  }
0x1ab: {  	v0 =	vmul.f32 v0, v16;
	_ =	sdelay $0x1  }
0x1ac: {  	v0 =	vmul.f32 v0, v58;
	_ =	sdelay $0x1  }
0x1ad: {  	v0 =	vadd.f32 v0, v59;
	_ =	sdelay $0x1  }
0x1ae: {  	[tilespmem:s22+$0x1810] =	vst v0  }
0x1af: {  	v0 =	vld [tilespmem:$0x1A0];
	_ =	sdelay $0x4  }
0x1b0: {  	v0 =	vadd.f32 v0, v35  }
0x1b1: {  	v60 =	vld [tilespmem:$0x5A0]  }
0x1b2: {  	v0 =	vsub.f32 v0, v8  }
0x1b3: {  	v61 =	vld [tilespmem:$0x9A0]  }
0x1b4: {  	v0 =	vmul.f32 v0, v16;
	_ =	sdelay $0x1  }
0x1b5: {  	v0 =	vmul.f32 v0, v60;
	_ =	sdelay $0x1  }
0x1b6: {  	v0 =	vadd.f32 v0, v61;
	_ =	sdelay $0x1  }
0x1b7: {  	[tilespmem:s22+$0x1820] =	vst v0  }
0x1b8: {  	v0 =	vld [tilespmem:$0x1B0];
	_ =	sdelay $0x4  }
0x1b9: {  	v0 =	vadd.f32 v0, v34  }
0x1ba: {  	v62 =	vld [tilespmem:$0x5B0]  }
0x1bb: {  	v0 =	vsub.f32 v0, v8  }
0x1bc: {  	v63 =	vld [tilespmem:$0x9B0]  }
0x1bd: {  	v0 =	vmul.f32 v0, v16;
	_ =	sdelay $0x1  }
0x1be: {  	v0 =	vmul.f32 v0, v62;
	_ =	sdelay $0x1  }
0x1bf: {  	v0 =	vadd.f32 v0, v63;
	_ =	sdelay $0x1  }
0x1c0: {  	[tilespmem:s22+$0x1830] =	vst v0  }
0x1c1: {  	v0 =	vld [tilespmem:$0x1C0];
	_ =	sdelay $0x4  }
0x1c2: {  	v0 =	vadd.f32 v0, v33  }
0x1c3: {  	v11 =	vld [tilespmem:$0x5C0]  }
0x1c4: {  	v0 =	vsub.f32 v0, v8  }
0x1c5: {  	v12 =	vld [tilespmem:$0x9C0]  }
0x1c6: {  	v0 =	vmul.f32 v0, v16;
	_ =	sdelay $0x1  }
0x1c7: {  	v0 =	vmul.f32 v0, v11;
	_ =	sdelay $0x1  }
0x1c8: {  	v0 =	vadd.f32 v0, v12;
	_ =	sdelay $0x1  }
0x1c9: {  	[tilespmem:s22+$0x1840] =	vst v0  }
0x1ca: {  	v0 =	vld [tilespmem:$0x1D0];
	_ =	sdelay $0x4  }
0x1cb: {  	v0 =	vadd.f32 v0, v32  }
0x1cc: {  	v32 =	vld [tilespmem:$0x5D0]  }
0x1cd: {  	v0 =	vsub.f32 v0, v8  }
0x1ce: {  	v33 =	vld [tilespmem:$0x9D0]  }
0x1cf: {  	v0 =	vmul.f32 v0, v16;
	_ =	sdelay $0x1  }
0x1d0: {  	v0 =	vmul.f32 v0, v32;
	_ =	sdelay $0x1  }
0x1d1: {  	v0 =	vadd.f32 v0, v33;
	_ =	sdelay $0x1  }
0x1d2: {  	[tilespmem:s22+$0x1850] =	vst v0  }
0x1d3: {  	v0 =	vld [tilespmem:$0x1E0];
	_ =	sdelay $0x4  }
0x1d4: {  	v0 =	vadd.f32 v0, v31  }
0x1d5: {  	v34 =	vld [tilespmem:$0x5E0]  }
0x1d6: {  	v0 =	vsub.f32 v0, v8  }
0x1d7: {  	v35 =	vld [tilespmem:$0x9E0]  }
0x1d8: {  	v0 =	vmul.f32 v0, v16;
	_ =	sdelay $0x1  }
0x1d9: {  	v0 =	vmul.f32 v0, v34;
	_ =	sdelay $0x1  }
0x1da: {  	v0 =	vadd.f32 v0, v35;
	_ =	sdelay $0x1  }
0x1db: {  	[tilespmem:s22+$0x1860] =	vst v0  }
0x1dc: {  	v0 =	vld [tilespmem:$0x1F0];
	_ =	sdelay $0x4  }
0x1dd: {  	v0 =	vadd.f32 v0, v30  }
0x1de: {  	v36 =	vld [tilespmem:$0x5F0]  }
0x1df: {  	v0 =	vsub.f32 v0, v8  }
0x1e0: {  	v37 =	vld [tilespmem:$0x9F0]  }
0x1e1: {  	v0 =	vmul.f32 v0, v16;
	_ =	sdelay $0x1  }
0x1e2: {  	v0 =	vmul.f32 v0, v36;
	_ =	sdelay $0x1  }
0x1e3: {  	v0 =	vadd.f32 v0, v37;
	_ =	sdelay $0x1  }
0x1e4: {  	[tilespmem:s22+$0x1870] =	vst v0  }
0x1e5: {  	v0 =	vld [tilespmem:$0x200];
	_ =	sdelay $0x4  }
0x1e6: {  	v0 =	vadd.f32 v0, v29  }
0x1e7: {  	v38 =	vld [tilespmem:$0x600]  }
0x1e8: {  	v0 =	vsub.f32 v0, v8  }
0x1e9: {  	v39 =	vld [tilespmem:$0xA00]  }
0x1ea: {  	v0 =	vmul.f32 v0, v16;
	_ =	sdelay $0x1  }
0x1eb: {  	v0 =	vmul.f32 v0, v38;
	_ =	sdelay $0x1  }
0x1ec: {  	v0 =	vadd.f32 v0, v39;
	_ =	sdelay $0x1  }
0x1ed: {  	[tilespmem:s22+$0x1C00] =	vst v0  }
0x1ee: {  	v0 =	vld [tilespmem:$0x210];
	_ =	sdelay $0x4  }
0x1ef: {  	v0 =	vadd.f32 v0, v28  }
0x1f0: {  	v40 =	vld [tilespmem:$0x610]  }
0x1f1: {  	v0 =	vsub.f32 v0, v8  }
0x1f2: {  	v41 =	vld [tilespmem:$0xA10]  }
0x1f3: {  	v0 =	vmul.f32 v0, v16;
	_ =	sdelay $0x1  }
0x1f4: {  	v0 =	vmul.f32 v0, v40;
	_ =	sdelay $0x1  }
0x1f5: {  	v0 =	vadd.f32 v0, v41;
	_ =	sdelay $0x1  }
0x1f6: {  	[tilespmem:s22+$0x1C10] =	vst v0  }
0x1f7: {  	v0 =	vld [tilespmem:$0x220];
	_ =	sdelay $0x4  }
0x1f8: {  	v0 =	vadd.f32 v0, v27  }
0x1f9: {  	v42 =	vld [tilespmem:$0x620]  }
0x1fa: {  	v0 =	vsub.f32 v0, v8  }
0x1fb: {  	v43 =	vld [tilespmem:$0xA20]  }
0x1fc: {  	v0 =	vmul.f32 v0, v16;
	_ =	sdelay $0x1  }
0x1fd: {  	v0 =	vmul.f32 v0, v42;
	_ =	sdelay $0x1  }
0x1fe: {  	v0 =	vadd.f32 v0, v43;
	_ =	sdelay $0x1  }
0x1ff: {  	[tilespmem:s22+$0x1C20] =	vst v0  }
0x200: {  	v0 =	vld [tilespmem:$0x230];
	_ =	sdelay $0x4  }
0x201: {  	v0 =	vadd.f32 v0, v26  }
0x202: {  	v44 =	vld [tilespmem:$0x630]  }
0x203: {  	v0 =	vsub.f32 v0, v8  }
0x204: {  	v45 =	vld [tilespmem:$0xA30]  }
0x205: {  	v0 =	vmul.f32 v0, v16;
	_ =	sdelay $0x1  }
0x206: {  	v0 =	vmul.f32 v0, v44;
	_ =	sdelay $0x1  }
0x207: {  	v0 =	vadd.f32 v0, v45;
	_ =	sdelay $0x1  }
0x208: {  	[tilespmem:s22+$0x1C30] =	vst v0  }
0x209: {  	v0 =	vld [tilespmem:$0x240];
	_ =	sdelay $0x4  }
0x20a: {  	v0 =	vadd.f32 v0, v25  }
0x20b: {  	v46 =	vld [tilespmem:$0x640]  }
0x20c: {  	v0 =	vsub.f32 v0, v8  }
0x20d: {  	v47 =	vld [tilespmem:$0xA40]  }
0x20e: {  	v0 =	vmul.f32 v0, v16;
	_ =	sdelay $0x1  }
0x20f: {  	v0 =	vmul.f32 v0, v46;
	_ =	sdelay $0x1  }
0x210: {  	v0 =	vadd.f32 v0, v47;
	_ =	sdelay $0x1  }
0x211: {  	[tilespmem:s22+$0x1C40] =	vst v0  }
0x212: {  	v0 =	vld [tilespmem:$0x250];
	_ =	sdelay $0x4  }
0x213: {  	v0 =	vadd.f32 v0, v24  }
0x214: {  	v48 =	vld [tilespmem:$0x650]  }
0x215: {  	v0 =	vsub.f32 v0, v8  }
0x216: {  	v49 =	vld [tilespmem:$0xA50]  }
0x217: {  	v0 =	vmul.f32 v0, v16;
	_ =	sdelay $0x1  }
0x218: {  	v0 =	vmul.f32 v0, v48;
	_ =	sdelay $0x1  }
0x219: {  	v0 =	vadd.f32 v0, v49;
	_ =	sdelay $0x1  }
0x21a: {  	[tilespmem:s22+$0x1C50] =	vst v0  }
0x21b: {  	v0 =	vld [tilespmem:$0x260];
	_ =	sdelay $0x4  }
0x21c: {  	v0 =	vadd.f32 v0, v23  }
0x21d: {  	v50 =	vld [tilespmem:$0x660]  }
0x21e: {  	v0 =	vsub.f32 v0, v8  }
0x21f: {  	v51 =	vld [tilespmem:$0xA60]  }
0x220: {  	v0 =	vmul.f32 v0, v16;
	_ =	sdelay $0x1  }
0x221: {  	v0 =	vmul.f32 v0, v50;
	_ =	sdelay $0x1  }
0x222: {  	v0 =	vadd.f32 v0, v51;
	_ =	sdelay $0x1  }
0x223: {  	[tilespmem:s22+$0x1C60] =	vst v0  }
0x224: {  	v0 =	vld [tilespmem:$0x270];
	_ =	sdelay $0x4  }
0x225: {  	v0 =	vadd.f32 v0, v22  }
0x226: {  	v52 =	vld [tilespmem:$0x670]  }
0x227: {  	v0 =	vsub.f32 v0, v8  }
0x228: {  	v53 =	vld [tilespmem:$0xA70]  }
0x229: {  	v0 =	vmul.f32 v0, v16;
	_ =	sdelay $0x1  }
0x22a: {  	v0 =	vmul.f32 v0, v52;
	_ =	sdelay $0x1  }
0x22b: {  	v0 =	vadd.f32 v0, v53;
	_ =	sdelay $0x1  }
0x22c: {  	[tilespmem:s22+$0x1C70] =	vst v0  }
0x22d: {  	v0 =	vld [tilespmem:$0x280];
	_ =	sdelay $0x4  }
0x22e: {  	v0 =	vadd.f32 v0, v21  }
0x22f: {  	v54 =	vld [tilespmem:$0x680]  }
0x230: {  	v0 =	vsub.f32 v0, v8  }
0x231: {  	v55 =	vld [tilespmem:$0xA80]  }
0x232: {  	v0 =	vmul.f32 v0, v16;
	_ =	sdelay $0x1  }
0x233: {  	v0 =	vmul.f32 v0, v54;
	_ =	sdelay $0x1  }
0x234: {  	v0 =	vadd.f32 v0, v55;
	_ =	sdelay $0x1  }
0x235: {  	[tilespmem:s22+$0x2000] =	vst v0  }
0x236: {  	v0 =	vld [tilespmem:$0x290];
	_ =	sdelay $0x4  }
0x237: {  	v0 =	vadd.f32 v0, v20  }
0x238: {  	v56 =	vld [tilespmem:$0x690]  }
0x239: {  	v0 =	vsub.f32 v0, v8  }
0x23a: {  	v57 =	vld [tilespmem:$0xA90]  }
0x23b: {  	v0 =	vmul.f32 v0, v16;
	_ =	sdelay $0x1  }
0x23c: {  	v0 =	vmul.f32 v0, v56;
	_ =	sdelay $0x1  }
0x23d: {  	v0 =	vadd.f32 v0, v57;
	_ =	sdelay $0x1  }
0x23e: {  	[tilespmem:s22+$0x2010] =	vst v0  }
0x23f: {  	v0 =	vld [tilespmem:$0x2A0];
	_ =	sdelay $0x4  }
0x240: {  	v0 =	vadd.f32 v0, v19  }
0x241: {  	v58 =	vld [tilespmem:$0x6A0]  }
0x242: {  	v0 =	vsub.f32 v0, v8  }
0x243: {  	v59 =	vld [tilespmem:$0xAA0]  }
0x244: {  	v0 =	vmul.f32 v0, v16;
	_ =	sdelay $0x1  }
0x245: {  	v0 =	vmul.f32 v0, v58;
	_ =	sdelay $0x1  }
0x246: {  	v0 =	vadd.f32 v0, v59;
	_ =	sdelay $0x1  }
0x247: {  	[tilespmem:s22+$0x2020] =	vst v0  }
0x248: {  	v0 =	vld [tilespmem:$0x2B0];
	_ =	sdelay $0x4  }
0x249: {  	v0 =	vadd.f32 v0, v18  }
0x24a: {  	v60 =	vld [tilespmem:$0x6B0]  }
0x24b: {  	v0 =	vsub.f32 v0, v8  }
0x24c: {  	v61 =	vld [tilespmem:$0xAB0]  }
0x24d: {  	v0 =	vmul.f32 v0, v16;
	_ =	sdelay $0x1  }
0x24e: {  	v0 =	vmul.f32 v0, v60;
	_ =	sdelay $0x1  }
0x24f: {  	v0 =	vadd.f32 v0, v61;
	_ =	sdelay $0x1  }
0x250: {  	[tilespmem:s22+$0x2030] =	vst v0  }
0x251: {  	v0 =	vld [tilespmem:$0x2C0];
	_ =	sdelay $0x4  }
0x252: {  	v0 =	vadd.f32 v0, v17  }
0x253: {  	v62 =	vld [tilespmem:$0x6C0]  }
0x254: {  	v0 =	vsub.f32 v0, v8  }
0x255: {  	v63 =	vld [tilespmem:$0xAC0]  }
0x256: {  	v0 =	vmul.f32 v0, v16;
	_ =	sdelay $0x1  }
0x257: {  	v0 =	vmul.f32 v0, v62;
	_ =	sdelay $0x1  }
0x258: {  	v0 =	vadd.f32 v0, v63;
	_ =	sdelay $0x1  }
0x259: {  	[tilespmem:s22+$0x2040] =	vst v0  }
0x25a: {  	v0 =	vld [tilespmem:$0x2D0];
	_ =	sdelay $0x4  }
0x25b: {  	v0 =	vadd.f32 v0, v15  }
0x25c: {  	v11 =	vld [tilespmem:$0x6D0]  }
0x25d: {  	v0 =	vsub.f32 v0, v8  }
0x25e: {  	v12 =	vld [tilespmem:$0xAD0]  }
0x25f: {  	v0 =	vmul.f32 v0, v16;
	_ =	sdelay $0x1  }
0x260: {  	v0 =	vmul.f32 v0, v11;
	_ =	sdelay $0x1  }
0x261: {  	v0 =	vadd.f32 v0, v12;
	_ =	sdelay $0x1  }
0x262: {  	[tilespmem:s22+$0x2050] =	vst v0  }
0x263: {  	v0 =	vld [tilespmem:$0x2E0];
	_ =	sdelay $0x4  }
0x264: {  	v0 =	vadd.f32 v0, v14  }
0x265: {  	v15 =	vld [tilespmem:$0x6E0]  }
0x266: {  	v0 =	vsub.f32 v0, v8  }
0x267: {  	v17 =	vld [tilespmem:$0xAE0]  }
0x268: {  	v0 =	vmul.f32 v0, v16;
	_ =	sdelay $0x1  }
0x269: {  	v0 =	vmul.f32 v0, v15;
	_ =	sdelay $0x1  }
0x26a: {  	v0 =	vadd.f32 v0, v17;
	_ =	sdelay $0x1  }
0x26b: {  	[tilespmem:s22+$0x2060] =	vst v0  }
0x26c: {  	v0 =	vld [tilespmem:$0x2F0];
	_ =	sdelay $0x4  }
0x26d: {  	v0 =	vadd.f32 v0, v13  }
0x26e: {  	v18 =	vld [tilespmem:$0x6F0]  }
0x26f: {  	v0 =	vsub.f32 v0, v8  }
0x270: {  	v19 =	vld [tilespmem:$0xAF0]  }
0x271: {  	v0 =	vmul.f32 v0, v16;
	_ =	sdelay $0x1  }
0x272: {  	v0 =	vmul.f32 v0, v18;
	_ =	sdelay $0x1  }
0x273: {  	v0 =	vadd.f32 v0, v19;
	_ =	sdelay $0x1  }
0x274: {  	v20 =	vld [tilespmem:$0x1FFA0];
	[tilespmem:s22+$0x2070] =	vst v0  }
0x275: {  	v0 =	vld [tilespmem:$0x300];
	_ =	sdelay $0x4  }
0x276: {  	v0 =	vadd.f32 v0, v20  }
0x277: {  	v21 =	vld [tilespmem:$0x700]  }
0x278: {  	v0 =	vsub.f32 v0, v8  }
0x279: {  	v22 =	vld [tilespmem:$0xB00]  }
0x27a: {  	v0 =	vmul.f32 v0, v16;
	_ =	sdelay $0x1  }
0x27b: {  	v0 =	vmul.f32 v0, v21;
	_ =	sdelay $0x1  }
0x27c: {  	v0 =	vadd.f32 v0, v22;
	_ =	sdelay $0x1  }
0x27d: {  	v23 =	vld [tilespmem:$0x1FFB0];
	[tilespmem:s22+$0x2400] =	vst v0  }
0x27e: {  	v0 =	vld [tilespmem:$0x310];
	_ =	sdelay $0x4  }
0x27f: {  	v0 =	vadd.f32 v0, v23  }
0x280: {  	v24 =	vld [tilespmem:$0x710]  }
0x281: {  	v0 =	vsub.f32 v0, v8  }
0x282: {  	v25 =	vld [tilespmem:$0xB10]  }
0x283: {  	v0 =	vmul.f32 v0, v16;
	_ =	sdelay $0x1  }
0x284: {  	v0 =	vmul.f32 v0, v24;
	_ =	sdelay $0x1  }
0x285: {  	v0 =	vadd.f32 v0, v25;
	_ =	sdelay $0x1  }
0x286: {  	[tilespmem:s22+$0x2410] =	vst v0  }
0x287: {  	v0 =	vld [tilespmem:$0x320];
	_ =	sdelay $0x4  }
0x288: {  	v0 =	vadd.f32 v0, v10  }
0x289: {  	v26 =	vld [tilespmem:$0x720]  }
0x28a: {  	v0 =	vsub.f32 v0, v8  }
0x28b: {  	v27 =	vld [tilespmem:$0xB20]  }
0x28c: {  	v0 =	vmul.f32 v0, v16;
	_ =	sdelay $0x1  }
0x28d: {  	v0 =	vmul.f32 v0, v26;
	_ =	sdelay $0x1  }
0x28e: {  	v0 =	vadd.f32 v0, v27;
	_ =	sdelay $0x1  }
0x28f: {  	[tilespmem:s22+$0x2420] =	vst v0  }
0x290: {  	v0 =	vld [tilespmem:$0x330];
	_ =	sdelay $0x4  }
0x291: {  	v0 =	vadd.f32 v0, v9  }
0x292: {  	v28 =	vld [tilespmem:$0x730]  }
0x293: {  	v0 =	vsub.f32 v0, v8  }
0x294: {  	v29 =	vld [tilespmem:$0xB30]  }
0x295: {  	v0 =	vmul.f32 v0, v16;
	_ =	sdelay $0x1  }
0x296: {  	v0 =	vmul.f32 v0, v28;
	_ =	sdelay $0x1  }
0x297: {  	v0 =	vadd.f32 v0, v29;
	_ =	sdelay $0x1  }
0x298: {  	[tilespmem:s22+$0x2430] =	vst v0  }
0x299: {  	v0 =	vld [tilespmem:$0x340];
	_ =	sdelay $0x4  }
0x29a: {  	v0 =	vadd.f32 v0, v7  }
0x29b: {  	v30 =	vld [tilespmem:$0x740]  }
0x29c: {  	v0 =	vsub.f32 v0, v8  }
0x29d: {  	v31 =	vld [tilespmem:$0xB40]  }
0x29e: {  	v0 =	vmul.f32 v0, v16;
	_ =	sdelay $0x1  }
0x29f: {  	v0 =	vmul.f32 v0, v30;
	_ =	sdelay $0x1  }
0x2a0: {  	v0 =	vadd.f32 v0, v31;
	_ =	sdelay $0x1  }
0x2a1: {  	[tilespmem:s22+$0x2440] =	vst v0  }
0x2a2: {  	v0 =	vld [tilespmem:$0x350];
	_ =	sdelay $0x4  }
0x2a3: {  	v0 =	vadd.f32 v0, v6  }
0x2a4: {  	v32 =	vld [tilespmem:$0x750]  }
0x2a5: {  	v0 =	vsub.f32 v0, v8  }
0x2a6: {  	v33 =	vld [tilespmem:$0xB50]  }
0x2a7: {  	v0 =	vmul.f32 v0, v16;
	_ =	sdelay $0x1  }
0x2a8: {  	v0 =	vmul.f32 v0, v32;
	_ =	sdelay $0x1  }
0x2a9: {  	v0 =	vadd.f32 v0, v33;
	_ =	sdelay $0x1  }
0x2aa: {  	v34 =	vld [tilespmem:$0x1FFC0];
	[tilespmem:s22+$0x2450] =	vst v0  }
0x2ab: {  	v0 =	vld [tilespmem:$0x360];
	_ =	sdelay $0x4  }
0x2ac: {  	v0 =	vadd.f32 v0, v34  }
0x2ad: {  	v35 =	vld [tilespmem:$0x760]  }
0x2ae: {  	v0 =	vsub.f32 v0, v8  }
0x2af: {  	v36 =	vld [tilespmem:$0xB60]  }
0x2b0: {  	v0 =	vmul.f32 v0, v16;
	_ =	sdelay $0x1  }
0x2b1: {  	v0 =	vmul.f32 v0, v35;
	_ =	sdelay $0x1  }
0x2b2: {  	v0 =	vadd.f32 v0, v36;
	_ =	sdelay $0x1  }
0x2b3: {  	v37 =	vld [tilespmem:$0x1FFD0];
	[tilespmem:s22+$0x2460] =	vst v0  }
0x2b4: {  	v0 =	vld [tilespmem:$0x370];
	_ =	sdelay $0x4  }
0x2b5: {  	v0 =	vadd.f32 v0, v37  }
0x2b6: {  	v38 =	vld [tilespmem:$0x770]  }
0x2b7: {  	v0 =	vsub.f32 v0, v8  }
0x2b8: {  	v39 =	vld [tilespmem:$0xB70]  }
0x2b9: {  	v0 =	vmul.f32 v0, v16;
	_ =	sdelay $0x1  }
0x2ba: {  	v0 =	vmul.f32 v0, v38;
	_ =	sdelay $0x1  }
0x2bb: {  	v0 =	vadd.f32 v0, v39;
	_ =	sdelay $0x1  }
0x2bc: {  	[tilespmem:s22+$0x2470] =	vst v0  }
0x2bd: {  	v0 =	vld [tilespmem:s31+$0xC00]  }
0x2be: {  	v40 =	vld [tilespmem:$0x380];
	_ =	sdelay $0x4  }
0x2bf: {  	v0 =	vadd.f32 v40, v0  }
0x2c0: {  	v41 =	vld [tilespmem:$0x780]  }
0x2c1: {  	v0 =	vsub.f32 v0, v8  }
0x2c2: {  	v42 =	vld [tilespmem:$0xB80]  }
0x2c3: {  	v0 =	vmul.f32 v0, v16;
	_ =	sdelay $0x1  }
0x2c4: {  	v0 =	vmul.f32 v0, v41;
	_ =	sdelay $0x1  }
0x2c5: {  	v0 =	vadd.f32 v0, v42;
	_ =	sdelay $0x1  }
0x2c6: {  	[tilespmem:s31+$0xC00] =	vst v0  }
0x2c7: {  	v0 =	vld [tilespmem:s30+$0xC00]  }
0x2c8: {  	v43 =	vld [tilespmem:$0x390];
	_ =	sdelay $0x4  }
0x2c9: {  	v0 =	vadd.f32 v43, v0  }
0x2ca: {  	v44 =	vld [tilespmem:$0x790]  }
0x2cb: {  	v0 =	vsub.f32 v0, v8  }
0x2cc: {  	v45 =	vld [tilespmem:$0xB90]  }
0x2cd: {  	v0 =	vmul.f32 v0, v16;
	_ =	sdelay $0x1  }
0x2ce: {  	v0 =	vmul.f32 v0, v44;
	_ =	sdelay $0x1  }
0x2cf: {  	v0 =	vadd.f32 v0, v45;
	_ =	sdelay $0x1  }
0x2d0: {  	[tilespmem:s30+$0xC00] =	vst v0  }
0x2d1: {  	v0 =	vld [tilespmem:s29+$0xC00]  }
0x2d2: {  	v46 =	vld [tilespmem:$0x3A0];
	_ =	sdelay $0x4  }
0x2d3: {  	v0 =	vadd.f32 v46, v0  }
0x2d4: {  	v47 =	vld [tilespmem:$0x7A0]  }
0x2d5: {  	v0 =	vsub.f32 v0, v8  }
0x2d6: {  	v48 =	vld [tilespmem:$0xBA0]  }
0x2d7: {  	v0 =	vmul.f32 v0, v16;
	_ =	sdelay $0x1  }
0x2d8: {  	v0 =	vmul.f32 v0, v47;
	_ =	sdelay $0x1  }
0x2d9: {  	v0 =	vadd.f32 v0, v48;
	_ =	sdelay $0x1  }
0x2da: {  	[tilespmem:s29+$0xC00] =	vst v0  }
0x2db: {  	v0 =	vld [tilespmem:s28+$0xC00]  }
0x2dc: {  	v49 =	vld [tilespmem:$0x3B0];
	_ =	sdelay $0x4  }
0x2dd: {  	v0 =	vadd.f32 v49, v0  }
0x2de: {  	v50 =	vld [tilespmem:$0x7B0]  }
0x2df: {  	v0 =	vsub.f32 v0, v8  }
0x2e0: {  	v51 =	vld [tilespmem:$0xBB0]  }
0x2e1: {  	v0 =	vmul.f32 v0, v16;
	_ =	sdelay $0x1  }
0x2e2: {  	v0 =	vmul.f32 v0, v50;
	_ =	sdelay $0x1  }
0x2e3: {  	v0 =	vadd.f32 v0, v51;
	_ =	sdelay $0x1  }
0x2e4: {  	[tilespmem:s28+$0xC00] =	vst v0  }
0x2e5: {  	v0 =	vld [tilespmem:s26+$0xC00]  }
0x2e6: {  	v52 =	vld [tilespmem:$0x3C0];
	_ =	sdelay $0x4  }
0x2e7: {  	v0 =	vadd.f32 v52, v0  }
0x2e8: {  	v53 =	vld [tilespmem:$0x7C0]  }
0x2e9: {  	v0 =	vsub.f32 v0, v8  }
0x2ea: {  	v54 =	vld [tilespmem:$0xBC0]  }
0x2eb: {  	v0 =	vmul.f32 v0, v16;
	_ =	sdelay $0x1  }
0x2ec: {  	v0 =	vmul.f32 v0, v53;
	_ =	sdelay $0x1  }
0x2ed: {  	v0 =	vadd.f32 v0, v54;
	_ =	sdelay $0x1  }
0x2ee: {  	[tilespmem:s26+$0xC00] =	vst v0  }
0x2ef: {  	v0 =	vld [tilespmem:s24+$0xC00]  }
0x2f0: {  	v55 =	vld [tilespmem:$0x3D0];
	_ =	sdelay $0x4  }
0x2f1: {  	v0 =	vadd.f32 v55, v0  }
0x2f2: {  	v56 =	vld [tilespmem:$0x7D0]  }
0x2f3: {  	v0 =	vsub.f32 v0, v8  }
0x2f4: {  	v57 =	vld [tilespmem:$0xBD0]  }
0x2f5: {  	v0 =	vmul.f32 v0, v16;
	_ =	sdelay $0x1  }
0x2f6: {  	v0 =	vmul.f32 v0, v56;
	_ =	sdelay $0x1  }
0x2f7: {  	v0 =	vadd.f32 v0, v57;
	_ =	sdelay $0x1  }
0x2f8: {  	[tilespmem:s24+$0xC00] =	vst v0  }
0x2f9: {  	v0 =	vld [tilespmem:s25+$0xC00]  }
0x2fa: {  	v58 =	vld [tilespmem:$0x3E0];
	_ =	sdelay $0x4  }
0x2fb: {  	v0 =	vadd.f32 v58, v0  }
0x2fc: {  	v59 =	vld [tilespmem:$0x7E0]  }
0x2fd: {  	v0 =	vsub.f32 v0, v8  }
0x2fe: {  	v60 =	vld [tilespmem:$0xBE0]  }
0x2ff: {  	v0 =	vmul.f32 v0, v16;
	_ =	sdelay $0x1  }
0x300: {  	v0 =	vmul.f32 v0, v59;
	_ =	sdelay $0x1  }
0x301: {  	v0 =	vadd.f32 v0, v60;
	_ =	sdelay $0x1  }
0x302: {  	[tilespmem:s25+$0xC00] =	vst v0  }
0x303: {  	v0 =	vld [tilespmem:s23+$0xC00]  }
0x304: {  	v61 =	vld [tilespmem:$0x3F0];
	_ =	sdelay $0x4  }
0x305: {  	v0 =	vadd.f32 v61, v0  }
0x306: {  	v62 =	vld [tilespmem:$0x7F0]  }
0x307: {  	v0 =	vsub.f32 v0, v8  }
0x308: {  	v63 =	vld [tilespmem:$0xBF0]  }
0x309: {  	v0 =	vmul.f32 v0, v16  }
0x30a: {  	p0 =	sne.s32 s21, $0x780  }
.Ltmp0:
0x30b: {  	v0 =	vmul.f32 v0, v62;
	(pc) =	sbr.rel @p0 .LBB2_3-.Ltmp0, $4  }
0x30c: {  	_ = 	snop  }
0x30d: {  	v0 =	vadd.f32 v0, v63  }
0x30e: {  	s18 =	sadd.s32 $0x1, s18  }
0x30f: {  	s19 =	sadd.s32 $0x400, s19;
	s21 =	sadd.s32 $0x80, s21;
	s20 =	sadd.s32 $0x400, s20;
	[tilespmem:s23+$0xC00] =	vst v0  }
0x310: {  	s16 =	sadd.s32 $0x1, s16  }
0x311: {  	p0 =	sne.s32 s16, $0x40  }
.Ltmp1:
0x312: {  	s17 =	sadd.s32 s5, s17;
	(pc) =	sbr.rel @p0 .LBB2_2-.Ltmp1, $4  }
0x313: {  	[hbm4b:s17+s6] =	stream.linear.scatter [tilespmem:s14], [sflag:$0x1], $0x4000, $0x38;
	[tilespmem:$0x4C00] =	vst v63  }
0x314: {  	_ =	swait.ge [sflag:s7], $0x4000  }
0x315: {  	[sflag:s7] =	ssyncset.done $0x0  }
0x316: {  	[sflag:s7] =	ssyncadd.s32 $0xFFFFC000  }
0x317: {  	s15 =	sadd.s32 $0x1, s15  }
0x318: {  	p0 =	sne.s32 s15, s10  }
.Ltmp2:
0x319: {  	_ = 	snop;
	(pc) =	sbr.rel @p0 .LBB2_1-.Ltmp2, $1  }
0x31a: {  	_ =	sdelay $0x3  }
0x31b: {  	_ =	sfence.sel $0x180000  }
0x31c: {  	[bflag:$0x0] =	sbarrier.arrive $0xFFFF  }
0x31d: {  	p0 =	sne.s32 s0, $0x0;
	_ =	strace $0x90000047  }
0x31e: {  	s0 =	sadd.s32 @!p0 $0x100000, s4;
	[bflag:$0x2] =	sbarrier.arrive $0xFFFF  }
0x31f: {  	[sflag:s0] =	ssyncadd.tile.s32 @!p0 $0x1;
	_ =	shalt  }
.Lfunc_end2:
_tile_overlayer_lowered:
.L_overlay_start_2:
0x320: {  	(tag) =	ssettag $0x2  }
0x321: {  	s0 =	rddreg [dreg:$0x0];
	s2 =	stileid.u32  }
0x322: {  	s1 =	rddreg [dreg:$0x1];
	p0 =	sne.s32 s2, $0x0  }
0x323: {  	s3 =	rddreg [dreg:$0x2];
	[bflag:$0x3] =	sbarrier.arrive $0xFFFF;
	s2 =	simm.s32 @!p0 $0x1C01  }
0x324: {  	[timem:s3], [sflag:s2] =	dma.local @!p0 [hbm:s0], s1  }
0x325: {  	s0 =	simm.s32 @!p0 $0x1  }
0x326: {  	_ =	swait.ge @!p0 [sflag:s0], s1  }
0x327: {  	s1 =	ssub.s32 @!p0 $0x0, s1;
	[sflag:s0] =	ssyncset.done @!p0 $0x0  }
0x328: {  	[sflag:s0] =	ssyncadd.s32 @!p0 s1  }
0x329: {  	[bflag:$0x3] =	sbarrier.arrive $0xFFFF  }
0x32a: {  	_ =	shalt  }

</sc_bundles>
